<compile_context>
chip_gen: v7x
topology: tpu7x:2x2x1
jax: 0.10.2.dev20260603
libtpu: 0.0.44.dev20260713+nightly
codegen_flags: <defaults>
</compile_context>

<pallas_src>
import functools

import jax
import jax.numpy as jnp
from jax import lax
from jax.experimental import pallas as pl
from jax.experimental.pallas import tpu as pltpu
from jax.experimental.pallas import tpu_sc as plsc

N = 10000
E = 320000
D = 128
DH = D // 2
NC = 2
NS = 16
NW = NC * NS
G = 128
NGROUPS = 2560
EPAD = NGROUPS * G
GPC = NGROUPS // NS
GPT = NGROUPS // NW
NP = N + 8
ZMAIN = 624
W8 = 8
U1 = 5
IC = 1
GQ = GPC // IC
U2 = 10

_mesh = plsc.VectorSubcoreMesh(core_axis_name="c", subcore_axis_name="s")


@functools.partial(
    pl.kernel,
    out_type=[
        jax.ShapeDtypeStruct((NC * N, DH), jnp.float32),
        jax.ShapeDtypeStruct((NC * N, W8), jnp.float32),
    ],
    mesh=_mesh,
    compiler_params=pltpu.CompilerParams(use_tc_tiling_on_sc=False),
    scratch_types=[
        pltpu.VMEM((GQ, G), jnp.int32),
        pltpu.VMEM((GQ, G), jnp.int32),
        pltpu.VMEM((U1, G, DH), jnp.float32),
        pltpu.VMEM((G, W8), jnp.float32),
        pltpu.VMEM_SHARED((NP, DH), jnp.float32),
        pltpu.VMEM_SHARED((NP, W8), jnp.float32),
        [pltpu.SemaphoreType.DMA] * U1,
        pltpu.SemaphoreType.DMA,
        pltpu.SemaphoreType.DMA,
    ],
)
def _sc_pass1(xs_hbm, srcx_hbm, dst_hbm, z64_hbm, z8_hbm, ones_hbm,
              aggp_hbm, cntp_hbm,
              src_v, dst_v, rows_v, ones_v, acc_s, cnt_s, gsems, ssem, osem):
    cid = lax.axis_index("c")
    sid = lax.axis_index("s")

    rb = sid * ZMAIN
    pltpu.sync_copy(z64_hbm, acc_s.at[pl.ds(rb, ZMAIN)])
    pltpu.sync_copy(z8_hbm, cnt_s.at[pl.ds(rb, ZMAIN)])

    @pl.when(sid == NS - 1)
    def _():
        tb = NS * ZMAIN
        pltpu.sync_copy(z64_hbm.at[pl.ds(0, NP - tb)], acc_s.at[pl.ds(tb, NP - tb)])
        pltpu.sync_copy(z8_hbm.at[pl.ds(0, NP - tb)], cnt_s.at[pl.ds(tb, NP - tb)])

    pltpu.sync_copy(ones_hbm, ones_v)
    plsc.subcore_barrier()

    NB = GQ // U1
    gb = sid * GPC

    for p in range(IC):
        pltpu.sync_copy(
            srcx_hbm.at[pl.ds(cid * NGROUPS + gb + p * GQ, GQ)], src_v)
        pltpu.sync_copy(dst_hbm.at[pl.ds(gb + p * GQ, GQ)], dst_v)

        def body(i, carry):
            b = i * U1
            cond = (cid == 0) == (i < NB // 2)
            dg = [
                pltpu.async_copy(
                    xs_hbm.at[src_v.at[b + k]], rows_v.at[k], gsems[k])
                for k in range(U1)
            ]
            ds = []
            for k in range(U1):
                dg[k].wait()
                ds.append(pltpu.async_copy(
                    rows_v.at[k], acc_s.at[dst_v.at[b + k]], ssem, add=True))

            @pl.when(cond)
            def _():
                do = [
                    pltpu.async_copy(
                        ones_v, cnt_s.at[dst_v.at[b + k]], osem, add=True)
                    for k in range(U1)
                ]
                for d in do:
                    d.wait()

            for d in ds:
                d.wait()
            return carry

        lax.fori_loop(0, NB, body, 0)

    plsc.subcore_barrier()

    pltpu.sync_copy(acc_s.at[pl.ds(rb, ZMAIN)], aggp_hbm.at[pl.ds(cid * N + rb, ZMAIN)])
    pltpu.sync_copy(cnt_s.at[pl.ds(rb, ZMAIN)], cntp_hbm.at[pl.ds(cid * N + rb, ZMAIN)])

    @pl.when(sid == NS - 1)
    def _():
        tb = NS * ZMAIN
        pltpu.sync_copy(acc_s.at[pl.ds(tb, N - tb)], aggp_hbm.at[pl.ds(cid * N + tb, N - tb)])
        pltpu.sync_copy(cnt_s.at[pl.ds(tb, N - tb)], cntp_hbm.at[pl.ds(cid * N + tb, N - tb)])


@functools.partial(
    pl.kernel,
    out_type=[jax.ShapeDtypeStruct((NC * N, W8), jnp.float32)],
    mesh=_mesh,
    compiler_params=pltpu.CompilerParams(use_tc_tiling_on_sc=False),
    scratch_types=[
        pltpu.VMEM((GPT, G), jnp.int32),
        pltpu.VMEM((GPT, G), jnp.int32),
        pltpu.VMEM((U2, G, W8), jnp.float32),
        pltpu.VMEM_SHARED((NP, W8), jnp.float32),
        [pltpu.SemaphoreType.DMA] * U2,
        pltpu.SemaphoreType.DMA,
    ],
)
def _sc_pass2(r_hbm, src_hbm, dst_hbm, z8_hbm,
              segp_hbm,
              src_v, dst_v, rows_v, seg_s, gsems, ssem):
    cid = lax.axis_index("c")
    sid = lax.axis_index("s")
    wid = sid * NC + cid

    rb = sid * ZMAIN
    pltpu.sync_copy(z8_hbm, seg_s.at[pl.ds(rb, ZMAIN)])

    @pl.when(sid == NS - 1)
    def _():
        tb = NS * ZMAIN
        pltpu.sync_copy(z8_hbm.at[pl.ds(0, NP - tb)], seg_s.at[pl.ds(tb, NP - tb)])

    pltpu.sync_copy(src_hbm.at[pl.ds(wid * GPT, GPT)], src_v)
    pltpu.sync_copy(dst_hbm.at[pl.ds(wid * GPT, GPT)], dst_v)

    plsc.subcore_barrier()

    NB = GPT // U2

    def body(i, carry):
        b = i * U2
        dg = [
            pltpu.async_copy(
                r_hbm.at[src_v.at[b + k]], rows_v.at[k], gsems[k])
            for k in range(U2)
        ]
        ds = []
        for k in range(U2):
            dg[k].wait()
            ds.append(pltpu.async_copy(
                rows_v.at[k], seg_s.at[dst_v.at[b + k]], ssem, add=True))
        for d in ds:
            d.wait()
        return carry

    lax.fori_loop(0, NB, body, 0)
    plsc.subcore_barrier()

    pltpu.sync_copy(seg_s.at[pl.ds(rb, ZMAIN)], segp_hbm.at[pl.ds(cid * N + rb, ZMAIN)])

    @pl.when(sid == NS - 1)
    def _():
        tb = NS * ZMAIN
        pltpu.sync_copy(seg_s.at[pl.ds(tb, N - tb)], segp_hbm.at[pl.ds(cid * N + tb, N - tb)])


BLK = 1000


def _tc_dense_body(agg_ref, cnt_ref, x_ref, w1l_ref, w1r_ref, b1_ref,
                   w2l_ref, w2r_ref, b2_ref, wlin_ref, blin_ref,
                   r8_ref, s_ref):
    a = agg_ref[...]
    c = cnt_ref[...]
    cnt = c[0, :, 0] + c[1, :, 0]
    inv = 1.0 / jnp.maximum(cnt, 1.0)
    aggm = jnp.concatenate([a[0], a[1]], axis=1) * inv[:, None]
    f32 = jnp.float32
    dn = (((1,), (1,)), ((), ()))
    h = lax.dot_general(aggm, w1l_ref[...], dn, preferred_element_type=f32)
    h = h + lax.dot_general(x_ref[...], w1r_ref[...], dn, preferred_element_type=f32)
    h = jnp.maximum(h + b1_ref[...][None, :], 0.0)
    wlin = wlin_ref[...]
    dn2 = (((1,), (0,)), ((), ()))
    wl2 = lax.dot_general(wlin, w2l_ref[...], dn2, preferred_element_type=f32)
    wr2 = lax.dot_general(wlin, w2r_ref[...], dn2, preferred_element_type=f32)
    c2 = jnp.sum(wlin * b2_ref[...][None, :], axis=1) + blin_ref[...]
    r = lax.dot_general(h, wl2, dn, preferred_element_type=f32)
    r8_ref[...] = jnp.concatenate([r, jnp.zeros((BLK, W8 - 2), f32)], axis=1)
    s_ref[...] = lax.dot_general(h, wr2, dn, preferred_element_type=f32) + c2[None, :]


def _tc_final_body(seg_ref, cnt_ref, s_ref, out_ref):
    sp = seg_ref[...]
    c = cnt_ref[...]
    cnt = c[0, :, 0] + c[1, :, 0]
    inv = 1.0 / jnp.maximum(cnt, 1.0)
    seg = sp[0, :, 0:2] + sp[1, :, 0:2]
    out_ref[...] = seg * inv[:, None] + s_ref[...]


def kernel(x, edge_index, W1_l, W1_r, b1, W2_l, W2_r, b2, W_lin, b_lin):
    ei = edge_index.astype(jnp.int32)
    npad = EPAD - E
    src = jnp.concatenate([ei[0], jnp.zeros((npad,), jnp.int32)]).reshape(NGROUPS, G)
    dst = jnp.concatenate([ei[1], jnp.full((npad,), N, jnp.int32)]).reshape(NGROUPS, G)
    srcx = jnp.concatenate([src, src + N], axis=0)
    xs = jnp.concatenate([x[:, :DH], x[:, DH:]], axis=0)
    z64 = jnp.zeros((ZMAIN, DH), jnp.float32)
    z8 = jnp.zeros((ZMAIN, W8), jnp.float32)
    ones8 = jnp.ones((G, W8), jnp.float32)

    aggp, cntp = _sc_pass1(xs, srcx, dst, z64, z8, ones8)
    aggp = aggp.reshape(NC, N, DH)
    cntp = cntp.reshape(NC, N, W8)

    grid = N // BLK
    full = lambda shape: pl.BlockSpec(shape, lambda i: tuple(0 for _ in shape))
    r8, s = pl.pallas_call(
        _tc_dense_body,
        grid=(grid,),
        in_specs=[
            pl.BlockSpec((NC, BLK, DH), lambda i: (0, i, 0)),
            pl.BlockSpec((NC, BLK, W8), lambda i: (0, i, 0)),
            pl.BlockSpec((BLK, D), lambda i: (i, 0)),
            full((D, D)), full((D, D)), full((D,)),
            full((4, D)), full((4, D)), full((4,)),
            full((2, 4)), full((2,)),
        ],
        out_specs=[
            pl.BlockSpec((BLK, W8), lambda i: (i, 0)),
            pl.BlockSpec((BLK, 2), lambda i: (i, 0)),
        ],
        out_shape=[
            jax.ShapeDtypeStruct((N, W8), jnp.float32),
            jax.ShapeDtypeStruct((N, 2), jnp.float32),
        ],
    )(aggp, cntp, x, W1_l, W1_r, b1, W2_l, W2_r, b2, W_lin, b_lin)

    (segp,) = _sc_pass2(r8, src, dst, z8)
    segp = segp.reshape(NC, N, W8)

    out = pl.pallas_call(
        _tc_final_body,
        grid=(grid,),
        in_specs=[
            pl.BlockSpec((NC, BLK, W8), lambda i: (0, i, 0)),
            pl.BlockSpec((NC, BLK, W8), lambda i: (0, i, 0)),
            pl.BlockSpec((BLK, 2), lambda i: (i, 0)),
        ],
        out_specs=pl.BlockSpec((BLK, 2), lambda i: (i, 0)),
        out_shape=jax.ShapeDtypeStruct((N, 2), jnp.float32),
    )(segp, cntp, s)
    return out

# --- scband reference (transcript-rebuilt; emitter-appended) ---
"""Pipeline reference for scband-graph-sage-12146167513369 (READ-ONLY COPY).

The authoritative reference and input builder live on the scoring server;
editing this copy changes nothing except your own understanding.
"""

import jax, jax.numpy as jnp
import numpy as np

N_NODES = 10000
N_EDGES = 320000
D_FEAT = 128
D_HID = 128
D_CLS = 4


def setup_inputs(seed: int = 0) -> dict:
    key = jax.random.key(seed)
    ks = jax.random.split(key, 12)
    x = jax.random.normal(ks[0], (N_NODES, D_FEAT), dtype=jnp.float32)
    edge_index = jax.random.randint(ks[1], (2, N_EDGES), 0, N_NODES, dtype=jnp.int64)
    s1 = 1.0 / np.sqrt(D_FEAT)
    s2 = 1.0 / np.sqrt(D_HID)
    s3 = 1.0 / np.sqrt(4.0)
    W1_l = jax.random.uniform(ks[2], (D_HID, D_FEAT), minval=-s1, maxval=s1, dtype=jnp.float32)
    W1_r = jax.random.uniform(ks[3], (D_HID, D_FEAT), minval=-s1, maxval=s1, dtype=jnp.float32)
    b1 = jax.random.uniform(ks[4], (D_HID,), minval=-s1, maxval=s1, dtype=jnp.float32)
    W2_l = jax.random.uniform(ks[5], (D_CLS, D_HID), minval=-s2, maxval=s2, dtype=jnp.float32)
    W2_r = jax.random.uniform(ks[6], (D_CLS, D_HID), minval=-s2, maxval=s2, dtype=jnp.float32)
    b2 = jax.random.uniform(ks[7], (D_CLS,), minval=-s2, maxval=s2, dtype=jnp.float32)
    W_lin = jax.random.uniform(ks[8], (2, 4), minval=-s3, maxval=s3, dtype=jnp.float32)
    b_lin = jax.random.uniform(ks[9], (2,), minval=-s3, maxval=s3, dtype=jnp.float32)
    return {"x": x, "edge_index": edge_index, "W1_l": W1_l, "W1_r": W1_r, "b1": b1,
            "W2_l": W2_l, "W2_r": W2_r, "b2": b2, "W_lin": W_lin, "b_lin": b_lin}


def _sage_conv(x, edge_index, W_l, W_r, b):
    # PyG SAGEConv with mean aggregation:
    # out_i = W_l @ mean_{j in N(i)} x_j + b + W_r @ x_i
    src = edge_index[0]
    dst = edge_index[1]
    msgs = jnp.take(x, src, axis=0)                      # gather  [E, d]
    agg = jax.ops.segment_sum(msgs, dst, num_segments=N_NODES)   # scatter-add
    cnt = jax.ops.segment_sum(jnp.ones((msgs.shape[0],), dtype=x.dtype), dst, num_segments=N_NODES)
    agg = agg / jnp.clip(cnt, 1.0, None)[:, None]        # mean (0 for isolated nodes)
    return agg @ W_l.T + b + x @ W_r.T


def reference(x, edge_index, W1_l, W1_r, b1, W2_l, W2_r, b2, W_lin, b_lin):
    h = _sage_conv(x, edge_index, W1_l, W1_r, b1)
    h = jax.nn.relu(h)
    # F.dropout with training=False -> identity (eval mode)
    h = _sage_conv(h, edge_index, W2_l, W2_r, b2)
    out = h @ W_lin.T + b_lin
    return out

if __name__ == "__main__":
    import jax
    _d = setup_inputs()
    print(jax.jit(kernel)(*tuple(_d.values())))

</pallas_src>

<mosaic_0001>
#map = affine_map<(d0, d1) -> (0, 0)>
module attributes {stable_mosaic.version = 14 : i64} {
  func.func @_sc_pass1(%arg0: i32, %arg1: i32, %arg2: memref<20000x64xf32, #tpu.memory_space<hbm>>, %arg3: memref<5120x128xi32, #tpu.memory_space<hbm>>, %arg4: memref<2560x128xi32, #tpu.memory_space<hbm>>, %arg5: memref<624x64xf32, #tpu.memory_space<hbm>>, %arg6: memref<624x8xf32, #tpu.memory_space<hbm>>, %arg7: memref<128x8xf32, #tpu.memory_space<hbm>>, %arg8: memref<20000x64xf32, #tpu.memory_space<hbm>>, %arg9: memref<20000x8xf32, #tpu.memory_space<hbm>>, %arg10: memref<160x128xi32, #tpu.memory_space<vmem>>, %arg11: memref<160x128xi32, #tpu.memory_space<vmem>>, %arg12: memref<5x128x64xf32, #tpu.memory_space<vmem>>, %arg13: memref<128x8xf32, #tpu.memory_space<vmem>>, %arg14: memref<10008x64xf32, #tpu.memory_space<vmem_shared>>, %arg15: memref<10008x8xf32, #tpu.memory_space<vmem_shared>>, %arg16: memref<!tpu.dma_semaphore, #tpu.memory_space<semaphore_mem>>, %arg17: memref<!tpu.dma_semaphore, #tpu.memory_space<semaphore_mem>>, %arg18: memref<!tpu.dma_semaphore, #tpu.memory_space<semaphore_mem>>, %arg19: memref<!tpu.dma_semaphore, #tpu.memory_space<semaphore_mem>>, %arg20: memref<!tpu.dma_semaphore, #tpu.memory_space<semaphore_mem>>, %arg21: memref<!tpu.dma_semaphore, #tpu.memory_space<semaphore_mem>>, %arg22: memref<!tpu.dma_semaphore, #tpu.memory_space<semaphore_mem>>) attributes {dimension_semantics = [#tpu.dimension_semantics<core_parallel>, #tpu.dimension_semantics<subcore_parallel>], iteration_bounds = array<i64: 2, 16>, scalar_prefetch = 0 : i64, scratch_operands = 13 : i64, tpu.core_type = #tpu.core_type<sc_vector_subcore>, window_params = [{transform_indices = #map}, {transform_indices = #map}, {transform_indices = #map}, {transform_indices = #map}, {transform_indices = #map}, {transform_indices = #map}, {transform_indices = #map}, {transform_indices = #map}]} {
    %mul3A = arith.constant 624 : i32
    %mul3A_0 = arith.muli %arg1, %mul3A : i32
    "tpu.region"() ({
      %run_scoped3A = tpu.sem_alloc : memref<!tpu.dma_semaphore, #tpu.memory_space<semaphore_mem>>
      %dma_start3A = arith.constant 0 : i32
      %dma_start3A_28 = tpu.memref_slice %arg14[%mul3A_0, %dma_start3A] : memref<10008x64xf32, #tpu.memory_space<vmem_shared>> -> memref<624x64xf32, #tpu.memory_space<vmem_shared>>
      tpu.enqueue_dma source(%arg5 : memref<624x64xf32, #tpu.memory_space<hbm>>) target(%dma_start3A_28 : memref<624x64xf32, #tpu.memory_space<vmem_shared>>) target_semaphore(%run_scoped3A : memref<!tpu.dma_semaphore, #tpu.memory_space<semaphore_mem>>)
      %dma_wait3A = arith.constant 0 : i32
      %dma_wait3A_29 = tpu.memref_slice %arg14[%mul3A_0, %dma_wait3A] : memref<10008x64xf32, #tpu.memory_space<vmem_shared>> -> memref<624x64xf32, #tpu.memory_space<vmem_shared>>
      tpu.wait_dma2 semaphore(%run_scoped3A : memref<!tpu.dma_semaphore, #tpu.memory_space<semaphore_mem>>) src(%arg5 : memref<624x64xf32, #tpu.memory_space<hbm>>) dst(%dma_wait3A_29 : memref<624x64xf32, #tpu.memory_space<vmem_shared>>)
      tpu.yield
    }) : () -> ()
    "tpu.region"() ({
      %run_scoped3A = tpu.sem_alloc : memref<!tpu.dma_semaphore, #tpu.memory_space<semaphore_mem>>
      %dma_start3A = arith.constant 0 : i32
      %dma_start3A_28 = tpu.memref_slice %arg15[%mul3A_0, %dma_start3A] : memref<10008x8xf32, #tpu.memory_space<vmem_shared>> -> memref<624x8xf32, #tpu.memory_space<vmem_shared>>
      tpu.enqueue_dma source(%arg6 : memref<624x8xf32, #tpu.memory_space<hbm>>) target(%dma_start3A_28 : memref<624x8xf32, #tpu.memory_space<vmem_shared>>) target_semaphore(%run_scoped3A : memref<!tpu.dma_semaphore, #tpu.memory_space<semaphore_mem>>)
      %dma_wait3A = arith.constant 0 : i32
      %dma_wait3A_29 = tpu.memref_slice %arg15[%mul3A_0, %dma_wait3A] : memref<10008x8xf32, #tpu.memory_space<vmem_shared>> -> memref<624x8xf32, #tpu.memory_space<vmem_shared>>
      tpu.wait_dma2 semaphore(%run_scoped3A : memref<!tpu.dma_semaphore, #tpu.memory_space<semaphore_mem>>) src(%arg6 : memref<624x8xf32, #tpu.memory_space<hbm>>) dst(%dma_wait3A_29 : memref<624x8xf32, #tpu.memory_space<vmem_shared>>)
      tpu.yield
    }) : () -> ()
    %eq3A = arith.constant 15 : i32
    %eq3A_1 = arith.cmpi eq, %arg1, %eq3A : i32
    %convert_element_type3A = arith.extui %eq3A_1 : i1 to i32
    %cond3A = arith.constant 0 : i32
    %cond3A_2 = arith.cmpi ne, %convert_element_type3A, %cond3A : i32
    scf.if %cond3A_2 {
      "tpu.region"() ({
        %run_scoped3A = tpu.sem_alloc : memref<!tpu.dma_semaphore, #tpu.memory_space<semaphore_mem>>
        %dma_start3A = arith.constant 9984 : i32
        %dma_start3A_28 = arith.constant 0 : i32
        %dma_start3A_29 = tpu.memref_slice %arg14[%dma_start3A, %dma_start3A_28] : memref<10008x64xf32, #tpu.memory_space<vmem_shared>> -> memref<24x64xf32, #tpu.memory_space<vmem_shared>>
        %dma_start3A_30 = arith.constant 0 : i32
        %dma_start3A_31 = arith.constant 0 : i32
        %dma_start3A_32 = tpu.memref_slice %arg5[%dma_start3A_30, %dma_start3A_31] : memref<624x64xf32, #tpu.memory_space<hbm>> -> memref<24x64xf32, #tpu.memory_space<hbm>>
        tpu.enqueue_dma source(%dma_start3A_32 : memref<24x64xf32, #tpu.memory_space<hbm>>) target(%dma_start3A_29 : memref<24x64xf32, #tpu.memory_space<vmem_shared>>) target_semaphore(%run_scoped3A : memref<!tpu.dma_semaphore, #tpu.memory_space<semaphore_mem>>)
        %dma_wait3A = arith.constant 9984 : i32
        %dma_wait3A_33 = arith.constant 0 : i32
        %dma_wait3A_34 = tpu.memref_slice %arg14[%dma_wait3A, %dma_wait3A_33] : memref<10008x64xf32, #tpu.memory_space<vmem_shared>> -> memref<24x64xf32, #tpu.memory_space<vmem_shared>>
        %dma_wait3A_35 = arith.constant 0 : i32
        %dma_wait3A_36 = arith.constant 0 : i32
        %dma_wait3A_37 = tpu.memref_slice %arg5[%dma_wait3A_35, %dma_wait3A_36] : memref<624x64xf32, #tpu.memory_space<hbm>> -> memref<24x64xf32, #tpu.memory_space<hbm>>
        tpu.wait_dma2 semaphore(%run_scoped3A : memref<!tpu.dma_semaphore, #tpu.memory_space<semaphore_mem>>) src(%dma_wait3A_37 : memref<24x64xf32, #tpu.memory_space<hbm>>) dst(%dma_wait3A_34 : memref<24x64xf32, #tpu.memory_space<vmem_shared>>)
        tpu.yield
      }) : () -> ()
      "tpu.region"() ({
        %run_scoped3A = tpu.sem_alloc : memref<!tpu.dma_semaphore, #tpu.memory_space<semaphore_mem>>
        %dma_start3A = arith.constant 9984 : i32
        %dma_start3A_28 = arith.constant 0 : i32
        %dma_start3A_29 = tpu.memref_slice %arg15[%dma_start3A, %dma_start3A_28] : memref<10008x8xf32, #tpu.memory_space<vmem_shared>> -> memref<24x8xf32, #tpu.memory_space<vmem_shared>>
        %dma_start3A_30 = arith.constant 0 : i32
        %dma_start3A_31 = arith.constant 0 : i32
        %dma_start3A_32 = tpu.memref_slice %arg6[%dma_start3A_30, %dma_start3A_31] : memref<624x8xf32, #tpu.memory_space<hbm>> -> memref<24x8xf32, #tpu.memory_space<hbm>>
        tpu.enqueue_dma source(%dma_start3A_32 : memref<24x8xf32, #tpu.memory_space<hbm>>) target(%dma_start3A_29 : memref<24x8xf32, #tpu.memory_space<vmem_shared>>) target_semaphore(%run_scoped3A : memref<!tpu.dma_semaphore, #tpu.memory_space<semaphore_mem>>)
        %dma_wait3A = arith.constant 9984 : i32
        %dma_wait3A_33 = arith.constant 0 : i32
        %dma_wait3A_34 = tpu.memref_slice %arg15[%dma_wait3A, %dma_wait3A_33] : memref<10008x8xf32, #tpu.memory_space<vmem_shared>> -> memref<24x8xf32, #tpu.memory_space<vmem_shared>>
        %dma_wait3A_35 = arith.constant 0 : i32
        %dma_wait3A_36 = arith.constant 0 : i32
        %dma_wait3A_37 = tpu.memref_slice %arg6[%dma_wait3A_35, %dma_wait3A_36] : memref<624x8xf32, #tpu.memory_space<hbm>> -> memref<24x8xf32, #tpu.memory_space<hbm>>
        tpu.wait_dma2 semaphore(%run_scoped3A : memref<!tpu.dma_semaphore, #tpu.memory_space<semaphore_mem>>) src(%dma_wait3A_37 : memref<24x8xf32, #tpu.memory_space<hbm>>) dst(%dma_wait3A_34 : memref<24x8xf32, #tpu.memory_space<vmem_shared>>)
        tpu.yield
      }) : () -> ()
    } else {
    }
    "tpu.region"() ({
      %run_scoped3A = tpu.sem_alloc : memref<!tpu.dma_semaphore, #tpu.memory_space<semaphore_mem>>
      tpu.enqueue_dma source(%arg7 : memref<128x8xf32, #tpu.memory_space<hbm>>) target(%arg13 : memref<128x8xf32, #tpu.memory_space<vmem>>) target_semaphore(%run_scoped3A : memref<!tpu.dma_semaphore, #tpu.memory_space<semaphore_mem>>)
      tpu.wait_dma2 semaphore(%run_scoped3A : memref<!tpu.dma_semaphore, #tpu.memory_space<semaphore_mem>>) src(%arg7 : memref<128x8xf32, #tpu.memory_space<hbm>>) dst(%arg13 : memref<128x8xf32, #tpu.memory_space<vmem>>)
      tpu.yield
    }) : () -> ()
    %barrier3A = arith.constant 0 : index
    tpu.barrier barrier_id(%barrier3A)
    %mul3A_3 = arith.constant 160 : i32
    %mul3A_4 = arith.muli %arg1, %mul3A_3 : i32
    %mul3A_5 = arith.constant 2560 : i32
    %mul3A_6 = arith.muli %arg0, %mul3A_5 : i32
    %add3A = arith.addi %mul3A_6, %mul3A_4 : i32
    %add3A_7 = arith.constant 0 : i32
    %add3A_8 = arith.addi %add3A, %add3A_7 : i32
    "tpu.region"() ({
      %run_scoped3A = tpu.sem_alloc : memref<!tpu.dma_semaphore, #tpu.memory_space<semaphore_mem>>
      %dma_start3A = arith.constant 0 : i32
      %dma_start3A_28 = tpu.memref_slice %arg3[%add3A_8, %dma_start3A] : memref<5120x128xi32, #tpu.memory_space<hbm>> -> memref<160x128xi32, #tpu.memory_space<hbm>>
      %dma_start3A_29 = arith.constant 0 : i32
      %dma_start3A_30 = tpu.memref_slice %arg3[%add3A_8, %dma_start3A_29] : memref<5120x128xi32, #tpu.memory_space<hbm>> -> memref<160x128xi32, #tpu.memory_space<hbm>>
      tpu.enqueue_dma source(%dma_start3A_30 : memref<160x128xi32, #tpu.memory_space<hbm>>) target(%arg10 : memref<160x128xi32, #tpu.memory_space<vmem>>) target_semaphore(%run_scoped3A : memref<!tpu.dma_semaphore, #tpu.memory_space<semaphore_mem>>)
      %dma_wait3A = arith.constant 0 : i32
      %dma_wait3A_31 = tpu.memref_slice %arg3[%add3A_8, %dma_wait3A] : memref<5120x128xi32, #tpu.memory_space<hbm>> -> memref<160x128xi32, #tpu.memory_space<hbm>>
      %dma_wait3A_32 = arith.constant 0 : i32
      %dma_wait3A_33 = tpu.memref_slice %arg3[%add3A_8, %dma_wait3A_32] : memref<5120x128xi32, #tpu.memory_space<hbm>> -> memref<160x128xi32, #tpu.memory_space<hbm>>
      tpu.wait_dma2 semaphore(%run_scoped3A : memref<!tpu.dma_semaphore, #tpu.memory_space<semaphore_mem>>) src(%dma_wait3A_33 : memref<160x128xi32, #tpu.memory_space<hbm>>) dst(%arg10 : memref<160x128xi32, #tpu.memory_space<vmem>>)
      tpu.yield
    }) : () -> ()
    %add3A_9 = arith.constant 0 : i32
    %add3A_10 = arith.addi %mul3A_4, %add3A_9 : i32
    "tpu.region"() ({
      %run_scoped3A = tpu.sem_alloc : memref<!tpu.dma_semaphore, #tpu.memory_space<semaphore_mem>>
      %dma_start3A = arith.constant 0 : i32
      %dma_start3A_28 = tpu.memref_slice %arg4[%add3A_10, %dma_start3A] : memref<2560x128xi32, #tpu.memory_space<hbm>> -> memref<160x128xi32, #tpu.memory_space<hbm>>
      %dma_start3A_29 = arith.constant 0 : i32
      %dma_start3A_30 = tpu.memref_slice %arg4[%add3A_10, %dma_start3A_29] : memref<2560x128xi32, #tpu.memory_space<hbm>> -> memref<160x128xi32, #tpu.memory_space<hbm>>
      tpu.enqueue_dma source(%dma_start3A_30 : memref<160x128xi32, #tpu.memory_space<hbm>>) target(%arg11 : memref<160x128xi32, #tpu.memory_space<vmem>>) target_semaphore(%run_scoped3A : memref<!tpu.dma_semaphore, #tpu.memory_space<semaphore_mem>>)
      %dma_wait3A = arith.constant 0 : i32
      %dma_wait3A_31 = tpu.memref_slice %arg4[%add3A_10, %dma_wait3A] : memref<2560x128xi32, #tpu.memory_space<hbm>> -> memref<160x128xi32, #tpu.memory_space<hbm>>
      %dma_wait3A_32 = arith.constant 0 : i32
      %dma_wait3A_33 = tpu.memref_slice %arg4[%add3A_10, %dma_wait3A_32] : memref<2560x128xi32, #tpu.memory_space<hbm>> -> memref<160x128xi32, #tpu.memory_space<hbm>>
      tpu.wait_dma2 semaphore(%run_scoped3A : memref<!tpu.dma_semaphore, #tpu.memory_space<semaphore_mem>>) src(%dma_wait3A_33 : memref<160x128xi32, #tpu.memory_space<hbm>>) dst(%arg11 : memref<160x128xi32, #tpu.memory_space<vmem>>)
      tpu.yield
    }) : () -> ()
    %scan3A = arith.constant 0 : i32
    %scan3A_11 = arith.constant 0 : i32
    %scan3A_12 = arith.constant 32 : i32
    %scan3A_13 = arith.addi %scan3A_11, %scan3A_12 : i32
    %scan3A_14 = arith.constant 1 : i32
    scf.for %scan3A_28 = %scan3A_11 to %scan3A_13 step %scan3A_14  : i32 {
      %mul3A_29 = arith.constant 5 : i32
      %mul3A_30 = arith.muli %scan3A_28, %mul3A_29 : i32
      %eq3A_31 = arith.constant 0 : i32
      %eq3A_32 = arith.cmpi eq, %arg0, %eq3A_31 : i32
      %lt3A = arith.constant 16 : i32
      %lt3A_33 = arith.cmpi slt, %scan3A_28, %lt3A : i32
      %eq3A_34 = arith.xori %eq3A_32, %lt3A_33 : i1
      %eq3A_35 = arith.constant true
      %eq3A_36 = arith.xori %eq3A_34, %eq3A_35 : i1
      %add3A_37 = arith.constant 0 : i32
      %add3A_38 = arith.addi %mul3A_30, %add3A_37 : i32
      %dma_start3A = arith.constant 0 : i32
      %dma_start3A_39 = arith.constant 0 : i32
      %dma_start3A_40 = arith.constant 0 : i32
      %dma_start3A_41 = tpu.memref_slice %arg12[%dma_start3A, %dma_start3A_39, %dma_start3A_40] : memref<5x128x64xf32, #tpu.memory_space<vmem>> -> memref<1x128x64xf32, #tpu.memory_space<vmem>>
      %dma_start3A_42 = tpu.memref_squeeze %dma_start3A_41 : memref<1x128x64xf32, #tpu.memory_space<vmem>> -> memref<128x64xf32, #tpu.memory_space<vmem>>
      %dma_start3A_43 = arith.constant 0 : i32
      %dma_start3A_44 = tpu.memref_slice %arg10[%add3A_38, %dma_start3A_43] : memref<160x128xi32, #tpu.memory_space<vmem>> -> memref<1x128xi32, #tpu.memory_space<vmem>>
      %dma_start3A_45 = tpu.memref_squeeze %dma_start3A_44 : memref<1x128xi32, #tpu.memory_space<vmem>> -> memref<128xi32, #tpu.memory_space<vmem>>
      %dma_start3A_46 = arith.constant 0 : i32
      %dma_start3A_47 = arith.constant 0 : i32
      %dma_start3A_48 = tpu.memref_slice %arg2[%dma_start3A_46, %dma_start3A_47] : memref<20000x64xf32, #tpu.memory_space<hbm>> -> memref<20000x64xf32, #tpu.memory_space<hbm>>
      tpu.enqueue_indirect_dma source(%dma_start3A_48 : memref<20000x64xf32, #tpu.memory_space<hbm>>) target(%dma_start3A_42 : memref<128x64xf32, #tpu.memory_space<vmem>>) offsets(%dma_start3A_45 : memref<128xi32, #tpu.memory_space<vmem>>) semaphore(%arg16 : memref<!tpu.dma_semaphore, #tpu.memory_space<semaphore_mem>>)
      %add3A_49 = arith.constant 1 : i32
      %add3A_50 = arith.addi %mul3A_30, %add3A_49 : i32
      %dma_start3A_51 = arith.constant 1 : i32
      %dma_start3A_52 = arith.constant 0 : i32
      %dma_start3A_53 = arith.constant 0 : i32
      %dma_start3A_54 = tpu.memref_slice %arg12[%dma_start3A_51, %dma_start3A_52, %dma_start3A_53] : memref<5x128x64xf32, #tpu.memory_space<vmem>> -> memref<1x128x64xf32, #tpu.memory_space<vmem>>
      %dma_start3A_55 = tpu.memref_squeeze %dma_start3A_54 : memref<1x128x64xf32, #tpu.memory_space<vmem>> -> memref<128x64xf32, #tpu.memory_space<vmem>>
      %dma_start3A_56 = arith.constant 0 : i32
      %dma_start3A_57 = tpu.memref_slice %arg10[%add3A_50, %dma_start3A_56] : memref<160x128xi32, #tpu.memory_space<vmem>> -> memref<1x128xi32, #tpu.memory_space<vmem>>
      %dma_start3A_58 = tpu.memref_squeeze %dma_start3A_57 : memref<1x128xi32, #tpu.memory_space<vmem>> -> memref<128xi32, #tpu.memory_space<vmem>>
      %dma_start3A_59 = arith.constant 0 : i32
      %dma_start3A_60 = arith.constant 0 : i32
      %dma_start3A_61 = tpu.memref_slice %arg2[%dma_start3A_59, %dma_start3A_60] : memref<20000x64xf32, #tpu.memory_space<hbm>> -> memref<20000x64xf32, #tpu.memory_space<hbm>>
      tpu.enqueue_indirect_dma source(%dma_start3A_61 : memref<20000x64xf32, #tpu.memory_space<hbm>>) target(%dma_start3A_55 : memref<128x64xf32, #tpu.memory_space<vmem>>) offsets(%dma_start3A_58 : memref<128xi32, #tpu.memory_space<vmem>>) semaphore(%arg17 : memref<!tpu.dma_semaphore, #tpu.memory_space<semaphore_mem>>)
      %add3A_62 = arith.constant 2 : i32
      %add3A_63 = arith.addi %mul3A_30, %add3A_62 : i32
      %dma_start3A_64 = arith.constant 2 : i32
      %dma_start3A_65 = arith.constant 0 : i32
      %dma_start3A_66 = arith.constant 0 : i32
      %dma_start3A_67 = tpu.memref_slice %arg12[%dma_start3A_64, %dma_start3A_65, %dma_start3A_66] : memref<5x128x64xf32, #tpu.memory_space<vmem>> -> memref<1x128x64xf32, #tpu.memory_space<vmem>>
      %dma_start3A_68 = tpu.memref_squeeze %dma_start3A_67 : memref<1x128x64xf32, #tpu.memory_space<vmem>> -> memref<128x64xf32, #tpu.memory_space<vmem>>
      %dma_start3A_69 = arith.constant 0 : i32
      %dma_start3A_70 = tpu.memref_slice %arg10[%add3A_63, %dma_start3A_69] : memref<160x128xi32, #tpu.memory_space<vmem>> -> memref<1x128xi32, #tpu.memory_space<vmem>>
      %dma_start3A_71 = tpu.memref_squeeze %dma_start3A_70 : memref<1x128xi32, #tpu.memory_space<vmem>> -> memref<128xi32, #tpu.memory_space<vmem>>
      %dma_start3A_72 = arith.constant 0 : i32
      %dma_start3A_73 = arith.constant 0 : i32
      %dma_start3A_74 = tpu.memref_slice %arg2[%dma_start3A_72, %dma_start3A_73] : memref<20000x64xf32, #tpu.memory_space<hbm>> -> memref<20000x64xf32, #tpu.memory_space<hbm>>
      tpu.enqueue_indirect_dma source(%dma_start3A_74 : memref<20000x64xf32, #tpu.memory_space<hbm>>) target(%dma_start3A_68 : memref<128x64xf32, #tpu.memory_space<vmem>>) offsets(%dma_start3A_71 : memref<128xi32, #tpu.memory_space<vmem>>) semaphore(%arg18 : memref<!tpu.dma_semaphore, #tpu.memory_space<semaphore_mem>>)
      %add3A_75 = arith.constant 3 : i32
      %add3A_76 = arith.addi %mul3A_30, %add3A_75 : i32
      %dma_start3A_77 = arith.constant 3 : i32
      %dma_start3A_78 = arith.constant 0 : i32
      %dma_start3A_79 = arith.constant 0 : i32
      %dma_start3A_80 = tpu.memref_slice %arg12[%dma_start3A_77, %dma_start3A_78, %dma_start3A_79] : memref<5x128x64xf32, #tpu.memory_space<vmem>> -> memref<1x128x64xf32, #tpu.memory_space<vmem>>
      %dma_start3A_81 = tpu.memref_squeeze %dma_start3A_80 : memref<1x128x64xf32, #tpu.memory_space<vmem>> -> memref<128x64xf32, #tpu.memory_space<vmem>>
      %dma_start3A_82 = arith.constant 0 : i32
      %dma_start3A_83 = tpu.memref_slice %arg10[%add3A_76, %dma_start3A_82] : memref<160x128xi32, #tpu.memory_space<vmem>> -> memref<1x128xi32, #tpu.memory_space<vmem>>
      %dma_start3A_84 = tpu.memref_squeeze %dma_start3A_83 : memref<1x128xi32, #tpu.memory_space<vmem>> -> memref<128xi32, #tpu.memory_space<vmem>>
      %dma_start3A_85 = arith.constant 0 : i32
      %dma_start3A_86 = arith.constant 0 : i32
      %dma_start3A_87 = tpu.memref_slice %arg2[%dma_start3A_85, %dma_start3A_86] : memref<20000x64xf32, #tpu.memory_space<hbm>> -> memref<20000x64xf32, #tpu.memory_space<hbm>>
      tpu.enqueue_indirect_dma source(%dma_start3A_87 : memref<20000x64xf32, #tpu.memory_space<hbm>>) target(%dma_start3A_81 : memref<128x64xf32, #tpu.memory_space<vmem>>) offsets(%dma_start3A_84 : memref<128xi32, #tpu.memory_space<vmem>>) semaphore(%arg19 : memref<!tpu.dma_semaphore, #tpu.memory_space<semaphore_mem>>)
      %add3A_88 = arith.constant 4 : i32
      %add3A_89 = arith.addi %mul3A_30, %add3A_88 : i32
      %dma_start3A_90 = arith.constant 4 : i32
      %dma_start3A_91 = arith.constant 0 : i32
      %dma_start3A_92 = arith.constant 0 : i32
      %dma_start3A_93 = tpu.memref_slice %arg12[%dma_start3A_90, %dma_start3A_91, %dma_start3A_92] : memref<5x128x64xf32, #tpu.memory_space<vmem>> -> memref<1x128x64xf32, #tpu.memory_space<vmem>>
      %dma_start3A_94 = tpu.memref_squeeze %dma_start3A_93 : memref<1x128x64xf32, #tpu.memory_space<vmem>> -> memref<128x64xf32, #tpu.memory_space<vmem>>
      %dma_start3A_95 = arith.constant 0 : i32
      %dma_start3A_96 = tpu.memref_slice %arg10[%add3A_89, %dma_start3A_95] : memref<160x128xi32, #tpu.memory_space<vmem>> -> memref<1x128xi32, #tpu.memory_space<vmem>>
      %dma_start3A_97 = tpu.memref_squeeze %dma_start3A_96 : memref<1x128xi32, #tpu.memory_space<vmem>> -> memref<128xi32, #tpu.memory_space<vmem>>
      %dma_start3A_98 = arith.constant 0 : i32
      %dma_start3A_99 = arith.constant 0 : i32
      %dma_start3A_100 = tpu.memref_slice %arg2[%dma_start3A_98, %dma_start3A_99] : memref<20000x64xf32, #tpu.memory_space<hbm>> -> memref<20000x64xf32, #tpu.memory_space<hbm>>
      tpu.enqueue_indirect_dma source(%dma_start3A_100 : memref<20000x64xf32, #tpu.memory_space<hbm>>) target(%dma_start3A_94 : memref<128x64xf32, #tpu.memory_space<vmem>>) offsets(%dma_start3A_97 : memref<128xi32, #tpu.memory_space<vmem>>) semaphore(%arg20 : memref<!tpu.dma_semaphore, #tpu.memory_space<semaphore_mem>>)
      %dma_wait3A = arith.constant 0 : i32
      %dma_wait3A_101 = arith.constant 0 : i32
      %dma_wait3A_102 = arith.constant 0 : i32
      %dma_wait3A_103 = tpu.memref_slice %arg12[%dma_wait3A, %dma_wait3A_101, %dma_wait3A_102] : memref<5x128x64xf32, #tpu.memory_space<vmem>> -> memref<1x128x64xf32, #tpu.memory_space<vmem>>
      %dma_wait3A_104 = tpu.memref_squeeze %dma_wait3A_103 : memref<1x128x64xf32, #tpu.memory_space<vmem>> -> memref<128x64xf32, #tpu.memory_space<vmem>>
      %dma_wait3A_105 = arith.constant 0 : i32
      %dma_wait3A_106 = tpu.memref_slice %arg10[%add3A_38, %dma_wait3A_105] : memref<160x128xi32, #tpu.memory_space<vmem>> -> memref<1x128xi32, #tpu.memory_space<vmem>>
      %dma_wait3A_107 = tpu.memref_squeeze %dma_wait3A_106 : memref<1x128xi32, #tpu.memory_space<vmem>> -> memref<128xi32, #tpu.memory_space<vmem>>
      %dma_wait3A_108 = arith.constant 0 : i32
      %dma_wait3A_109 = arith.constant 0 : i32
      %dma_wait3A_110 = tpu.memref_slice %arg2[%dma_wait3A_108, %dma_wait3A_109] : memref<20000x64xf32, #tpu.memory_space<hbm>> -> memref<20000x64xf32, #tpu.memory_space<hbm>>
      tpu.wait_indirect_dma semaphore(%arg16 : memref<!tpu.dma_semaphore, #tpu.memory_space<semaphore_mem>>) src(%dma_wait3A_110 : memref<20000x64xf32, #tpu.memory_space<hbm>>) dst(%dma_wait3A_104 : memref<128x64xf32, #tpu.memory_space<vmem>>)
      %add3A_111 = arith.constant 0 : i32
      %add3A_112 = arith.addi %mul3A_30, %add3A_111 : i32
      %dma_start3A_113 = arith.constant 0 : i32
      %dma_start3A_114 = arith.constant 0 : i32
      %dma_start3A_115 = arith.constant 0 : i32
      %dma_start3A_116 = tpu.memref_slice %arg12[%dma_start3A_113, %dma_start3A_114, %dma_start3A_115] : memref<5x128x64xf32, #tpu.memory_space<vmem>> -> memref<1x128x64xf32, #tpu.memory_space<vmem>>
      %dma_start3A_117 = tpu.memref_squeeze %dma_start3A_116 : memref<1x128x64xf32, #tpu.memory_space<vmem>> -> memref<128x64xf32, #tpu.memory_space<vmem>>
      %dma_start3A_118 = arith.constant 0 : i32
      %dma_start3A_119 = tpu.memref_slice %arg11[%add3A_112, %dma_start3A_118] : memref<160x128xi32, #tpu.memory_space<vmem>> -> memref<1x128xi32, #tpu.memory_space<vmem>>
      %dma_start3A_120 = tpu.memref_squeeze %dma_start3A_119 : memref<1x128xi32, #tpu.memory_space<vmem>> -> memref<128xi32, #tpu.memory_space<vmem>>
      %dma_start3A_121 = arith.constant 0 : i32
      %dma_start3A_122 = arith.constant 0 : i32
      %dma_start3A_123 = tpu.memref_slice %arg14[%dma_start3A_121, %dma_start3A_122] : memref<10008x64xf32, #tpu.memory_space<vmem_shared>> -> memref<10008x64xf32, #tpu.memory_space<vmem_shared>>
      tpu.enqueue_indirect_dma source(%dma_start3A_117 : memref<128x64xf32, #tpu.memory_space<vmem>>) target(%dma_start3A_123 : memref<10008x64xf32, #tpu.memory_space<vmem_shared>>) offsets(%dma_start3A_120 : memref<128xi32, #tpu.memory_space<vmem>>) semaphore(%arg21 : memref<!tpu.dma_semaphore, #tpu.memory_space<semaphore_mem>>) {add = true}
      %dma_wait3A_124 = arith.constant 1 : i32
      %dma_wait3A_125 = arith.constant 0 : i32
      %dma_wait3A_126 = arith.constant 0 : i32
      %dma_wait3A_127 = tpu.memref_slice %arg12[%dma_wait3A_124, %dma_wait3A_125, %dma_wait3A_126] : memref<5x128x64xf32, #tpu.memory_space<vmem>> -> memref<1x128x64xf32, #tpu.memory_space<vmem>>
      %dma_wait3A_128 = tpu.memref_squeeze %dma_wait3A_127 : memref<1x128x64xf32, #tpu.memory_space<vmem>> -> memref<128x64xf32, #tpu.memory_space<vmem>>
      %dma_wait3A_129 = arith.constant 0 : i32
      %dma_wait3A_130 = tpu.memref_slice %arg10[%add3A_50, %dma_wait3A_129] : memref<160x128xi32, #tpu.memory_space<vmem>> -> memref<1x128xi32, #tpu.memory_space<vmem>>
      %dma_wait3A_131 = tpu.memref_squeeze %dma_wait3A_130 : memref<1x128xi32, #tpu.memory_space<vmem>> -> memref<128xi32, #tpu.memory_space<vmem>>
      %dma_wait3A_132 = arith.constant 0 : i32
      %dma_wait3A_133 = arith.constant 0 : i32
      %dma_wait3A_134 = tpu.memref_slice %arg2[%dma_wait3A_132, %dma_wait3A_133] : memref<20000x64xf32, #tpu.memory_space<hbm>> -> memref<20000x64xf32, #tpu.memory_space<hbm>>
      tpu.wait_indirect_dma semaphore(%arg17 : memref<!tpu.dma_semaphore, #tpu.memory_space<semaphore_mem>>) src(%dma_wait3A_134 : memref<20000x64xf32, #tpu.memory_space<hbm>>) dst(%dma_wait3A_128 : memref<128x64xf32, #tpu.memory_space<vmem>>)
      %add3A_135 = arith.constant 1 : i32
      %add3A_136 = arith.addi %mul3A_30, %add3A_135 : i32
      %dma_start3A_137 = arith.constant 1 : i32
      %dma_start3A_138 = arith.constant 0 : i32
      %dma_start3A_139 = arith.constant 0 : i32
      %dma_start3A_140 = tpu.memref_slice %arg12[%dma_start3A_137, %dma_start3A_138, %dma_start3A_139] : memref<5x128x64xf32, #tpu.memory_space<vmem>> -> memref<1x128x64xf32, #tpu.memory_space<vmem>>
      %dma_start3A_141 = tpu.memref_squeeze %dma_start3A_140 : memref<1x128x64xf32, #tpu.memory_space<vmem>> -> memref<128x64xf32, #tpu.memory_space<vmem>>
      %dma_start3A_142 = arith.constant 0 : i32
      %dma_start3A_143 = tpu.memref_slice %arg11[%add3A_136, %dma_start3A_142] : memref<160x128xi32, #tpu.memory_space<vmem>> -> memref<1x128xi32, #tpu.memory_space<vmem>>
      %dma_start3A_144 = tpu.memref_squeeze %dma_start3A_143 : memref<1x128xi32, #tpu.memory_space<vmem>> -> memref<128xi32, #tpu.memory_space<vmem>>
      %dma_start3A_145 = arith.constant 0 : i32
      %dma_start3A_146 = arith.constant 0 : i32
      %dma_start3A_147 = tpu.memref_slice %arg14[%dma_start3A_145, %dma_start3A_146] : memref<10008x64xf32, #tpu.memory_space<vmem_shared>> -> memref<10008x64xf32, #tpu.memory_space<vmem_shared>>
      tpu.enqueue_indirect_dma source(%dma_start3A_141 : memref<128x64xf32, #tpu.memory_space<vmem>>) target(%dma_start3A_147 : memref<10008x64xf32, #tpu.memory_space<vmem_shared>>) offsets(%dma_start3A_144 : memref<128xi32, #tpu.memory_space<vmem>>) semaphore(%arg21 : memref<!tpu.dma_semaphore, #tpu.memory_space<semaphore_mem>>) {add = true}
      %dma_wait3A_148 = arith.constant 2 : i32
      %dma_wait3A_149 = arith.constant 0 : i32
      %dma_wait3A_150 = arith.constant 0 : i32
      %dma_wait3A_151 = tpu.memref_slice %arg12[%dma_wait3A_148, %dma_wait3A_149, %dma_wait3A_150] : memref<5x128x64xf32, #tpu.memory_space<vmem>> -> memref<1x128x64xf32, #tpu.memory_space<vmem>>
      %dma_wait3A_152 = tpu.memref_squeeze %dma_wait3A_151 : memref<1x128x64xf32, #tpu.memory_space<vmem>> -> memref<128x64xf32, #tpu.memory_space<vmem>>
      %dma_wait3A_153 = arith.constant 0 : i32
      %dma_wait3A_154 = tpu.memref_slice %arg10[%add3A_63, %dma_wait3A_153] : memref<160x128xi32, #tpu.memory_space<vmem>> -> memref<1x128xi32, #tpu.memory_space<vmem>>
      %dma_wait3A_155 = tpu.memref_squeeze %dma_wait3A_154 : memref<1x128xi32, #tpu.memory_space<vmem>> -> memref<128xi32, #tpu.memory_space<vmem>>
      %dma_wait3A_156 = arith.constant 0 : i32
      %dma_wait3A_157 = arith.constant 0 : i32
      %dma_wait3A_158 = tpu.memref_slice %arg2[%dma_wait3A_156, %dma_wait3A_157] : memref<20000x64xf32, #tpu.memory_space<hbm>> -> memref<20000x64xf32, #tpu.memory_space<hbm>>
      tpu.wait_indirect_dma semaphore(%arg18 : memref<!tpu.dma_semaphore, #tpu.memory_space<semaphore_mem>>) src(%dma_wait3A_158 : memref<20000x64xf32, #tpu.memory_space<hbm>>) dst(%dma_wait3A_152 : memref<128x64xf32, #tpu.memory_space<vmem>>)
      %add3A_159 = arith.constant 2 : i32
      %add3A_160 = arith.addi %mul3A_30, %add3A_159 : i32
      %dma_start3A_161 = arith.constant 2 : i32
      %dma_start3A_162 = arith.constant 0 : i32
      %dma_start3A_163 = arith.constant 0 : i32
      %dma_start3A_164 = tpu.memref_slice %arg12[%dma_start3A_161, %dma_start3A_162, %dma_start3A_163] : memref<5x128x64xf32, #tpu.memory_space<vmem>> -> memref<1x128x64xf32, #tpu.memory_space<vmem>>
      %dma_start3A_165 = tpu.memref_squeeze %dma_start3A_164 : memref<1x128x64xf32, #tpu.memory_space<vmem>> -> memref<128x64xf32, #tpu.memory_space<vmem>>
      %dma_start3A_166 = arith.constant 0 : i32
      %dma_start3A_167 = tpu.memref_slice %arg11[%add3A_160, %dma_start3A_166] : memref<160x128xi32, #tpu.memory_space<vmem>> -> memref<1x128xi32, #tpu.memory_space<vmem>>
      %dma_start3A_168 = tpu.memref_squeeze %dma_start3A_167 : memref<1x128xi32, #tpu.memory_space<vmem>> -> memref<128xi32, #tpu.memory_space<vmem>>
      %dma_start3A_169 = arith.constant 0 : i32
      %dma_start3A_170 = arith.constant 0 : i32
      %dma_start3A_171 = tpu.memref_slice %arg14[%dma_start3A_169, %dma_start3A_170] : memref<10008x64xf32, #tpu.memory_space<vmem_shared>> -> memref<10008x64xf32, #tpu.memory_space<vmem_shared>>
      tpu.enqueue_indirect_dma source(%dma_start3A_165 : memref<128x64xf32, #tpu.memory_space<vmem>>) target(%dma_start3A_171 : memref<10008x64xf32, #tpu.memory_space<vmem_shared>>) offsets(%dma_start3A_168 : memref<128xi32, #tpu.memory_space<vmem>>) semaphore(%arg21 : memref<!tpu.dma_semaphore, #tpu.memory_space<semaphore_mem>>) {add = true}
      %dma_wait3A_172 = arith.constant 3 : i32
      %dma_wait3A_173 = arith.constant 0 : i32
      %dma_wait3A_174 = arith.constant 0 : i32
      %dma_wait3A_175 = tpu.memref_slice %arg12[%dma_wait3A_172, %dma_wait3A_173, %dma_wait3A_174] : memref<5x128x64xf32, #tpu.memory_space<vmem>> -> memref<1x128x64xf32, #tpu.memory_space<vmem>>
      %dma_wait3A_176 = tpu.memref_squeeze %dma_wait3A_175 : memref<1x128x64xf32, #tpu.memory_space<vmem>> -> memref<128x64xf32, #tpu.memory_space<vmem>>
      %dma_wait3A_177 = arith.constant 0 : i32
      %dma_wait3A_178 = tpu.memref_slice %arg10[%add3A_76, %dma_wait3A_177] : memref<160x128xi32, #tpu.memory_space<vmem>> -> memref<1x128xi32, #tpu.memory_space<vmem>>
      %dma_wait3A_179 = tpu.memref_squeeze %dma_wait3A_178 : memref<1x128xi32, #tpu.memory_space<vmem>> -> memref<128xi32, #tpu.memory_space<vmem>>
      %dma_wait3A_180 = arith.constant 0 : i32
      %dma_wait3A_181 = arith.constant 0 : i32
      %dma_wait3A_182 = tpu.memref_slice %arg2[%dma_wait3A_180, %dma_wait3A_181] : memref<20000x64xf32, #tpu.memory_space<hbm>> -> memref<20000x64xf32, #tpu.memory_space<hbm>>
      tpu.wait_indirect_dma semaphore(%arg19 : memref<!tpu.dma_semaphore, #tpu.memory_space<semaphore_mem>>) src(%dma_wait3A_182 : memref<20000x64xf32, #tpu.memory_space<hbm>>) dst(%dma_wait3A_176 : memref<128x64xf32, #tpu.memory_space<vmem>>)
      %add3A_183 = arith.constant 3 : i32
      %add3A_184 = arith.addi %mul3A_30, %add3A_183 : i32
      %dma_start3A_185 = arith.constant 3 : i32
      %dma_start3A_186 = arith.constant 0 : i32
      %dma_start3A_187 = arith.constant 0 : i32
      %dma_start3A_188 = tpu.memref_slice %arg12[%dma_start3A_185, %dma_start3A_186, %dma_start3A_187] : memref<5x128x64xf32, #tpu.memory_space<vmem>> -> memref<1x128x64xf32, #tpu.memory_space<vmem>>
      %dma_start3A_189 = tpu.memref_squeeze %dma_start3A_188 : memref<1x128x64xf32, #tpu.memory_space<vmem>> -> memref<128x64xf32, #tpu.memory_space<vmem>>
      %dma_start3A_190 = arith.constant 0 : i32
      %dma_start3A_191 = tpu.memref_slice %arg11[%add3A_184, %dma_start3A_190] : memref<160x128xi32, #tpu.memory_space<vmem>> -> memref<1x128xi32, #tpu.memory_space<vmem>>
      %dma_start3A_192 = tpu.memref_squeeze %dma_start3A_191 : memref<1x128xi32, #tpu.memory_space<vmem>> -> memref<128xi32, #tpu.memory_space<vmem>>
      %dma_start3A_193 = arith.constant 0 : i32
      %dma_start3A_194 = arith.constant 0 : i32
      %dma_start3A_195 = tpu.memref_slice %arg14[%dma_start3A_193, %dma_start3A_194] : memref<10008x64xf32, #tpu.memory_space<vmem_shared>> -> memref<10008x64xf32, #tpu.memory_space<vmem_shared>>
      tpu.enqueue_indirect_dma source(%dma_start3A_189 : memref<128x64xf32, #tpu.memory_space<vmem>>) target(%dma_start3A_195 : memref<10008x64xf32, #tpu.memory_space<vmem_shared>>) offsets(%dma_start3A_192 : memref<128xi32, #tpu.memory_space<vmem>>) semaphore(%arg21 : memref<!tpu.dma_semaphore, #tpu.memory_space<semaphore_mem>>) {add = true}
      %dma_wait3A_196 = arith.constant 4 : i32
      %dma_wait3A_197 = arith.constant 0 : i32
      %dma_wait3A_198 = arith.constant 0 : i32
      %dma_wait3A_199 = tpu.memref_slice %arg12[%dma_wait3A_196, %dma_wait3A_197, %dma_wait3A_198] : memref<5x128x64xf32, #tpu.memory_space<vmem>> -> memref<1x128x64xf32, #tpu.memory_space<vmem>>
      %dma_wait3A_200 = tpu.memref_squeeze %dma_wait3A_199 : memref<1x128x64xf32, #tpu.memory_space<vmem>> -> memref<128x64xf32, #tpu.memory_space<vmem>>
      %dma_wait3A_201 = arith.constant 0 : i32
      %dma_wait3A_202 = tpu.memref_slice %arg10[%add3A_89, %dma_wait3A_201] : memref<160x128xi32, #tpu.memory_space<vmem>> -> memref<1x128xi32, #tpu.memory_space<vmem>>
      %dma_wait3A_203 = tpu.memref_squeeze %dma_wait3A_202 : memref<1x128xi32, #tpu.memory_space<vmem>> -> memref<128xi32, #tpu.memory_space<vmem>>
      %dma_wait3A_204 = arith.constant 0 : i32
      %dma_wait3A_205 = arith.constant 0 : i32
      %dma_wait3A_206 = tpu.memref_slice %arg2[%dma_wait3A_204, %dma_wait3A_205] : memref<20000x64xf32, #tpu.memory_space<hbm>> -> memref<20000x64xf32, #tpu.memory_space<hbm>>
      tpu.wait_indirect_dma semaphore(%arg20 : memref<!tpu.dma_semaphore, #tpu.memory_space<semaphore_mem>>) src(%dma_wait3A_206 : memref<20000x64xf32, #tpu.memory_space<hbm>>) dst(%dma_wait3A_200 : memref<128x64xf32, #tpu.memory_space<vmem>>)
      %add3A_207 = arith.constant 4 : i32
      %add3A_208 = arith.addi %mul3A_30, %add3A_207 : i32
      %dma_start3A_209 = arith.constant 4 : i32
      %dma_start3A_210 = arith.constant 0 : i32
      %dma_start3A_211 = arith.constant 0 : i32
      %dma_start3A_212 = tpu.memref_slice %arg12[%dma_start3A_209, %dma_start3A_210, %dma_start3A_211] : memref<5x128x64xf32, #tpu.memory_space<vmem>> -> memref<1x128x64xf32, #tpu.memory_space<vmem>>
      %dma_start3A_213 = tpu.memref_squeeze %dma_start3A_212 : memref<1x128x64xf32, #tpu.memory_space<vmem>> -> memref<128x64xf32, #tpu.memory_space<vmem>>
      %dma_start3A_214 = arith.constant 0 : i32
      %dma_start3A_215 = tpu.memref_slice %arg11[%add3A_208, %dma_start3A_214] : memref<160x128xi32, #tpu.memory_space<vmem>> -> memref<1x128xi32, #tpu.memory_space<vmem>>
      %dma_start3A_216 = tpu.memref_squeeze %dma_start3A_215 : memref<1x128xi32, #tpu.memory_space<vmem>> -> memref<128xi32, #tpu.memory_space<vmem>>
      %dma_start3A_217 = arith.constant 0 : i32
      %dma_start3A_218 = arith.constant 0 : i32
      %dma_start3A_219 = tpu.memref_slice %arg14[%dma_start3A_217, %dma_start3A_218] : memref<10008x64xf32, #tpu.memory_space<vmem_shared>> -> memref<10008x64xf32, #tpu.memory_space<vmem_shared>>
      tpu.enqueue_indirect_dma source(%dma_start3A_213 : memref<128x64xf32, #tpu.memory_space<vmem>>) target(%dma_start3A_219 : memref<10008x64xf32, #tpu.memory_space<vmem_shared>>) offsets(%dma_start3A_216 : memref<128xi32, #tpu.memory_space<vmem>>) semaphore(%arg21 : memref<!tpu.dma_semaphore, #tpu.memory_space<semaphore_mem>>) {add = true}
      %convert_element_type3A_220 = arith.extui %eq3A_36 : i1 to i32
      %cond3A_221 = arith.constant 0 : i32
      %cond3A_222 = arith.cmpi ne, %convert_element_type3A_220, %cond3A_221 : i32
      scf.if %cond3A_222 {
        %add3A_278 = arith.constant 0 : i32
        %add3A_279 = arith.addi %mul3A_30, %add3A_278 : i32
        %dma_start3A_280 = arith.constant 0 : i32
        %dma_start3A_281 = tpu.memref_slice %arg11[%add3A_279, %dma_start3A_280] : memref<160x128xi32, #tpu.memory_space<vmem>> -> memref<1x128xi32, #tpu.memory_space<vmem>>
        %dma_start3A_282 = tpu.memref_squeeze %dma_start3A_281 : memref<1x128xi32, #tpu.memory_space<vmem>> -> memref<128xi32, #tpu.memory_space<vmem>>
        %dma_start3A_283 = arith.constant 0 : i32
        %dma_start3A_284 = arith.constant 0 : i32
        %dma_start3A_285 = tpu.memref_slice %arg15[%dma_start3A_283, %dma_start3A_284] : memref<10008x8xf32, #tpu.memory_space<vmem_shared>> -> memref<10008x8xf32, #tpu.memory_space<vmem_shared>>
        tpu.enqueue_indirect_dma source(%arg13 : memref<128x8xf32, #tpu.memory_space<vmem>>) target(%dma_start3A_285 : memref<10008x8xf32, #tpu.memory_space<vmem_shared>>) offsets(%dma_start3A_282 : memref<128xi32, #tpu.memory_space<vmem>>) semaphore(%arg22 : memref<!tpu.dma_semaphore, #tpu.memory_space<semaphore_mem>>) {add = true}
        %add3A_286 = arith.constant 1 : i32
        %add3A_287 = arith.addi %mul3A_30, %add3A_286 : i32
        %dma_start3A_288 = arith.constant 0 : i32
        %dma_start3A_289 = tpu.memref_slice %arg11[%add3A_287, %dma_start3A_288] : memref<160x128xi32, #tpu.memory_space<vmem>> -> memref<1x128xi32, #tpu.memory_space<vmem>>
        %dma_start3A_290 = tpu.memref_squeeze %dma_start3A_289 : memref<1x128xi32, #tpu.memory_space<vmem>> -> memref<128xi32, #tpu.memory_space<vmem>>
        %dma_start3A_291 = arith.constant 0 : i32
        %dma_start3A_292 = arith.constant 0 : i32
        %dma_start3A_293 = tpu.memref_slice %arg15[%dma_start3A_291, %dma_start3A_292] : memref<10008x8xf32, #tpu.memory_space<vmem_shared>> -> memref<10008x8xf32, #tpu.memory_space<vmem_shared>>
        tpu.enqueue_indirect_dma source(%arg13 : memref<128x8xf32, #tpu.memory_space<vmem>>) target(%dma_start3A_293 : memref<10008x8xf32, #tpu.memory_space<vmem_shared>>) offsets(%dma_start3A_290 : memref<128xi32, #tpu.memory_space<vmem>>) semaphore(%arg22 : memref<!tpu.dma_semaphore, #tpu.memory_space<semaphore_mem>>) {add = true}
        %add3A_294 = arith.constant 2 : i32
        %add3A_295 = arith.addi %mul3A_30, %add3A_294 : i32
        %dma_start3A_296 = arith.constant 0 : i32
        %dma_start3A_297 = tpu.memref_slice %arg11[%add3A_295, %dma_start3A_296] : memref<160x128xi32, #tpu.memory_space<vmem>> -> memref<1x128xi32, #tpu.memory_space<vmem>>
        %dma_start3A_298 = tpu.memref_squeeze %dma_start3A_297 : memref<1x128xi32, #tpu.memory_space<vmem>> -> memref<128xi32, #tpu.memory_space<vmem>>
        %dma_start3A_299 = arith.constant 0 : i32
        %dma_start3A_300 = arith.constant 0 : i32
        %dma_start3A_301 = tpu.memref_slice %arg15[%dma_start3A_299, %dma_start3A_300] : memref<10008x8xf32, #tpu.memory_space<vmem_shared>> -> memref<10008x8xf32, #tpu.memory_space<vmem_shared>>
        tpu.enqueue_indirect_dma source(%arg13 : memref<128x8xf32, #tpu.memory_space<vmem>>) target(%dma_start3A_301 : memref<10008x8xf32, #tpu.memory_space<vmem_shared>>) offsets(%dma_start3A_298 : memref<128xi32, #tpu.memory_space<vmem>>) semaphore(%arg22 : memref<!tpu.dma_semaphore, #tpu.memory_space<semaphore_mem>>) {add = true}
        %add3A_302 = arith.constant 3 : i32
        %add3A_303 = arith.addi %mul3A_30, %add3A_302 : i32
        %dma_start3A_304 = arith.constant 0 : i32
        %dma_start3A_305 = tpu.memref_slice %arg11[%add3A_303, %dma_start3A_304] : memref<160x128xi32, #tpu.memory_space<vmem>> -> memref<1x128xi32, #tpu.memory_space<vmem>>
        %dma_start3A_306 = tpu.memref_squeeze %dma_start3A_305 : memref<1x128xi32, #tpu.memory_space<vmem>> -> memref<128xi32, #tpu.memory_space<vmem>>
        %dma_start3A_307 = arith.constant 0 : i32
        %dma_start3A_308 = arith.constant 0 : i32
        %dma_start3A_309 = tpu.memref_slice %arg15[%dma_start3A_307, %dma_start3A_308] : memref<10008x8xf32, #tpu.memory_space<vmem_shared>> -> memref<10008x8xf32, #tpu.memory_space<vmem_shared>>
        tpu.enqueue_indirect_dma source(%arg13 : memref<128x8xf32, #tpu.memory_space<vmem>>) target(%dma_start3A_309 : memref<10008x8xf32, #tpu.memory_space<vmem_shared>>) offsets(%dma_start3A_306 : memref<128xi32, #tpu.memory_space<vmem>>) semaphore(%arg22 : memref<!tpu.dma_semaphore, #tpu.memory_space<semaphore_mem>>) {add = true}
        %add3A_310 = arith.constant 4 : i32
        %add3A_311 = arith.addi %mul3A_30, %add3A_310 : i32
        %dma_start3A_312 = arith.constant 0 : i32
        %dma_start3A_313 = tpu.memref_slice %arg11[%add3A_311, %dma_start3A_312] : memref<160x128xi32, #tpu.memory_space<vmem>> -> memref<1x128xi32, #tpu.memory_space<vmem>>
        %dma_start3A_314 = tpu.memref_squeeze %dma_start3A_313 : memref<1x128xi32, #tpu.memory_space<vmem>> -> memref<128xi32, #tpu.memory_space<vmem>>
        %dma_start3A_315 = arith.constant 0 : i32
        %dma_start3A_316 = arith.constant 0 : i32
        %dma_start3A_317 = tpu.memref_slice %arg15[%dma_start3A_315, %dma_start3A_316] : memref<10008x8xf32, #tpu.memory_space<vmem_shared>> -> memref<10008x8xf32, #tpu.memory_space<vmem_shared>>
        tpu.enqueue_indirect_dma source(%arg13 : memref<128x8xf32, #tpu.memory_space<vmem>>) target(%dma_start3A_317 : memref<10008x8xf32, #tpu.memory_space<vmem_shared>>) offsets(%dma_start3A_314 : memref<128xi32, #tpu.memory_space<vmem>>) semaphore(%arg22 : memref<!tpu.dma_semaphore, #tpu.memory_space<semaphore_mem>>) {add = true}
        %dma_wait3A_318 = arith.constant 0 : i32
        %dma_wait3A_319 = tpu.memref_slice %arg11[%add3A_279, %dma_wait3A_318] : memref<160x128xi32, #tpu.memory_space<vmem>> -> memref<1x128xi32, #tpu.memory_space<vmem>>
        %dma_wait3A_320 = tpu.memref_squeeze %dma_wait3A_319 : memref<1x128xi32, #tpu.memory_space<vmem>> -> memref<128xi32, #tpu.memory_space<vmem>>
        %dma_wait3A_321 = arith.constant 0 : i32
        %dma_wait3A_322 = arith.constant 0 : i32
        %dma_wait3A_323 = tpu.memref_slice %arg15[%dma_wait3A_321, %dma_wait3A_322] : memref<10008x8xf32, #tpu.memory_space<vmem_shared>> -> memref<10008x8xf32, #tpu.memory_space<vmem_shared>>
        tpu.wait_indirect_dma semaphore(%arg22 : memref<!tpu.dma_semaphore, #tpu.memory_space<semaphore_mem>>) src(%arg13 : memref<128x8xf32, #tpu.memory_space<vmem>>) dst(%dma_wait3A_323 : memref<10008x8xf32, #tpu.memory_space<vmem_shared>>)
        %dma_wait3A_324 = arith.constant 0 : i32
        %dma_wait3A_325 = tpu.memref_slice %arg11[%add3A_287, %dma_wait3A_324] : memref<160x128xi32, #tpu.memory_space<vmem>> -> memref<1x128xi32, #tpu.memory_space<vmem>>
        %dma_wait3A_326 = tpu.memref_squeeze %dma_wait3A_325 : memref<1x128xi32, #tpu.memory_space<vmem>> -> memref<128xi32, #tpu.memory_space<vmem>>
        %dma_wait3A_327 = arith.constant 0 : i32
        %dma_wait3A_328 = arith.constant 0 : i32
        %dma_wait3A_329 = tpu.memref_slice %arg15[%dma_wait3A_327, %dma_wait3A_328] : memref<10008x8xf32, #tpu.memory_space<vmem_shared>> -> memref<10008x8xf32, #tpu.memory_space<vmem_shared>>
        tpu.wait_indirect_dma semaphore(%arg22 : memref<!tpu.dma_semaphore, #tpu.memory_space<semaphore_mem>>) src(%arg13 : memref<128x8xf32, #tpu.memory_space<vmem>>) dst(%dma_wait3A_329 : memref<10008x8xf32, #tpu.memory_space<vmem_shared>>)
        %dma_wait3A_330 = arith.constant 0 : i32
        %dma_wait3A_331 = tpu.memref_slice %arg11[%add3A_295, %dma_wait3A_330] : memref<160x128xi32, #tpu.memory_space<vmem>> -> memref<1x128xi32, #tpu.memory_space<vmem>>
        %dma_wait3A_332 = tpu.memref_squeeze %dma_wait3A_331 : memref<1x128xi32, #tpu.memory_space<vmem>> -> memref<128xi32, #tpu.memory_space<vmem>>
        %dma_wait3A_333 = arith.constant 0 : i32
        %dma_wait3A_334 = arith.constant 0 : i32
        %dma_wait3A_335 = tpu.memref_slice %arg15[%dma_wait3A_333, %dma_wait3A_334] : memref<10008x8xf32, #tpu.memory_space<vmem_shared>> -> memref<10008x8xf32, #tpu.memory_space<vmem_shared>>
        tpu.wait_indirect_dma semaphore(%arg22 : memref<!tpu.dma_semaphore, #tpu.memory_space<semaphore_mem>>) src(%arg13 : memref<128x8xf32, #tpu.memory_space<vmem>>) dst(%dma_wait3A_335 : memref<10008x8xf32, #tpu.memory_space<vmem_shared>>)
        %dma_wait3A_336 = arith.constant 0 : i32
        %dma_wait3A_337 = tpu.memref_slice %arg11[%add3A_303, %dma_wait3A_336] : memref<160x128xi32, #tpu.memory_space<vmem>> -> memref<1x128xi32, #tpu.memory_space<vmem>>
        %dma_wait3A_338 = tpu.memref_squeeze %dma_wait3A_337 : memref<1x128xi32, #tpu.memory_space<vmem>> -> memref<128xi32, #tpu.memory_space<vmem>>
        %dma_wait3A_339 = arith.constant 0 : i32
        %dma_wait3A_340 = arith.constant 0 : i32
        %dma_wait3A_341 = tpu.memref_slice %arg15[%dma_wait3A_339, %dma_wait3A_340] : memref<10008x8xf32, #tpu.memory_space<vmem_shared>> -> memref<10008x8xf32, #tpu.memory_space<vmem_shared>>
        tpu.wait_indirect_dma semaphore(%arg22 : memref<!tpu.dma_semaphore, #tpu.memory_space<semaphore_mem>>) src(%arg13 : memref<128x8xf32, #tpu.memory_space<vmem>>) dst(%dma_wait3A_341 : memref<10008x8xf32, #tpu.memory_space<vmem_shared>>)
        %dma_wait3A_342 = arith.constant 0 : i32
        %dma_wait3A_343 = tpu.memref_slice %arg11[%add3A_311, %dma_wait3A_342] : memref<160x128xi32, #tpu.memory_space<vmem>> -> memref<1x128xi32, #tpu.memory_space<vmem>>
        %dma_wait3A_344 = tpu.memref_squeeze %dma_wait3A_343 : memref<1x128xi32, #tpu.memory_space<vmem>> -> memref<128xi32, #tpu.memory_space<vmem>>
        %dma_wait3A_345 = arith.constant 0 : i32
        %dma_wait3A_346 = arith.constant 0 : i32
        %dma_wait3A_347 = tpu.memref_slice %arg15[%dma_wait3A_345, %dma_wait3A_346] : memref<10008x8xf32, #tpu.memory_space<vmem_shared>> -> memref<10008x8xf32, #tpu.memory_space<vmem_shared>>
        tpu.wait_indirect_dma semaphore(%arg22 : memref<!tpu.dma_semaphore, #tpu.memory_space<semaphore_mem>>) src(%arg13 : memref<128x8xf32, #tpu.memory_space<vmem>>) dst(%dma_wait3A_347 : memref<10008x8xf32, #tpu.memory_space<vmem_shared>>)
      } else {
      }
      %dma_wait3A_223 = arith.constant 0 : i32
      %dma_wait3A_224 = arith.constant 0 : i32
      %dma_wait3A_225 = arith.constant 0 : i32
      %dma_wait3A_226 = tpu.memref_slice %arg12[%dma_wait3A_223, %dma_wait3A_224, %dma_wait3A_225] : memref<5x128x64xf32, #tpu.memory_space<vmem>> -> memref<1x128x64xf32, #tpu.memory_space<vmem>>
      %dma_wait3A_227 = tpu.memref_squeeze %dma_wait3A_226 : memref<1x128x64xf32, #tpu.memory_space<vmem>> -> memref<128x64xf32, #tpu.memory_space<vmem>>
      %dma_wait3A_228 = arith.constant 0 : i32
      %dma_wait3A_229 = tpu.memref_slice %arg11[%add3A_112, %dma_wait3A_228] : memref<160x128xi32, #tpu.memory_space<vmem>> -> memref<1x128xi32, #tpu.memory_space<vmem>>
      %dma_wait3A_230 = tpu.memref_squeeze %dma_wait3A_229 : memref<1x128xi32, #tpu.memory_space<vmem>> -> memref<128xi32, #tpu.memory_space<vmem>>
      %dma_wait3A_231 = arith.constant 0 : i32
      %dma_wait3A_232 = arith.constant 0 : i32
      %dma_wait3A_233 = tpu.memref_slice %arg14[%dma_wait3A_231, %dma_wait3A_232] : memref<10008x64xf32, #tpu.memory_space<vmem_shared>> -> memref<10008x64xf32, #tpu.memory_space<vmem_shared>>
      tpu.wait_indirect_dma semaphore(%arg21 : memref<!tpu.dma_semaphore, #tpu.memory_space<semaphore_mem>>) src(%dma_wait3A_227 : memref<128x64xf32, #tpu.memory_space<vmem>>) dst(%dma_wait3A_233 : memref<10008x64xf32, #tpu.memory_space<vmem_shared>>)
      %dma_wait3A_234 = arith.constant 1 : i32
      %dma_wait3A_235 = arith.constant 0 : i32
      %dma_wait3A_236 = arith.constant 0 : i32
      %dma_wait3A_237 = tpu.memref_slice %arg12[%dma_wait3A_234, %dma_wait3A_235, %dma_wait3A_236] : memref<5x128x64xf32, #tpu.memory_space<vmem>> -> memref<1x128x64xf32, #tpu.memory_space<vmem>>
      %dma_wait3A_238 = tpu.memref_squeeze %dma_wait3A_237 : memref<1x128x64xf32, #tpu.memory_space<vmem>> -> memref<128x64xf32, #tpu.memory_space<vmem>>
      %dma_wait3A_239 = arith.constant 0 : i32
      %dma_wait3A_240 = tpu.memref_slice %arg11[%add3A_136, %dma_wait3A_239] : memref<160x128xi32, #tpu.memory_space<vmem>> -> memref<1x128xi32, #tpu.memory_space<vmem>>
      %dma_wait3A_241 = tpu.memref_squeeze %dma_wait3A_240 : memref<1x128xi32, #tpu.memory_space<vmem>> -> memref<128xi32, #tpu.memory_space<vmem>>
      %dma_wait3A_242 = arith.constant 0 : i32
      %dma_wait3A_243 = arith.constant 0 : i32
      %dma_wait3A_244 = tpu.memref_slice %arg14[%dma_wait3A_242, %dma_wait3A_243] : memref<10008x64xf32, #tpu.memory_space<vmem_shared>> -> memref<10008x64xf32, #tpu.memory_space<vmem_shared>>
      tpu.wait_indirect_dma semaphore(%arg21 : memref<!tpu.dma_semaphore, #tpu.memory_space<semaphore_mem>>) src(%dma_wait3A_238 : memref<128x64xf32, #tpu.memory_space<vmem>>) dst(%dma_wait3A_244 : memref<10008x64xf32, #tpu.memory_space<vmem_shared>>)
      %dma_wait3A_245 = arith.constant 2 : i32
      %dma_wait3A_246 = arith.constant 0 : i32
      %dma_wait3A_247 = arith.constant 0 : i32
      %dma_wait3A_248 = tpu.memref_slice %arg12[%dma_wait3A_245, %dma_wait3A_246, %dma_wait3A_247] : memref<5x128x64xf32, #tpu.memory_space<vmem>> -> memref<1x128x64xf32, #tpu.memory_space<vmem>>
      %dma_wait3A_249 = tpu.memref_squeeze %dma_wait3A_248 : memref<1x128x64xf32, #tpu.memory_space<vmem>> -> memref<128x64xf32, #tpu.memory_space<vmem>>
      %dma_wait3A_250 = arith.constant 0 : i32
      %dma_wait3A_251 = tpu.memref_slice %arg11[%add3A_160, %dma_wait3A_250] : memref<160x128xi32, #tpu.memory_space<vmem>> -> memref<1x128xi32, #tpu.memory_space<vmem>>
      %dma_wait3A_252 = tpu.memref_squeeze %dma_wait3A_251 : memref<1x128xi32, #tpu.memory_space<vmem>> -> memref<128xi32, #tpu.memory_space<vmem>>
      %dma_wait3A_253 = arith.constant 0 : i32
      %dma_wait3A_254 = arith.constant 0 : i32
      %dma_wait3A_255 = tpu.memref_slice %arg14[%dma_wait3A_253, %dma_wait3A_254] : memref<10008x64xf32, #tpu.memory_space<vmem_shared>> -> memref<10008x64xf32, #tpu.memory_space<vmem_shared>>
      tpu.wait_indirect_dma semaphore(%arg21 : memref<!tpu.dma_semaphore, #tpu.memory_space<semaphore_mem>>) src(%dma_wait3A_249 : memref<128x64xf32, #tpu.memory_space<vmem>>) dst(%dma_wait3A_255 : memref<10008x64xf32, #tpu.memory_space<vmem_shared>>)
      %dma_wait3A_256 = arith.constant 3 : i32
      %dma_wait3A_257 = arith.constant 0 : i32
      %dma_wait3A_258 = arith.constant 0 : i32
      %dma_wait3A_259 = tpu.memref_slice %arg12[%dma_wait3A_256, %dma_wait3A_257, %dma_wait3A_258] : memref<5x128x64xf32, #tpu.memory_space<vmem>> -> memref<1x128x64xf32, #tpu.memory_space<vmem>>
      %dma_wait3A_260 = tpu.memref_squeeze %dma_wait3A_259 : memref<1x128x64xf32, #tpu.memory_space<vmem>> -> memref<128x64xf32, #tpu.memory_space<vmem>>
      %dma_wait3A_261 = arith.constant 0 : i32
      %dma_wait3A_262 = tpu.memref_slice %arg11[%add3A_184, %dma_wait3A_261] : memref<160x128xi32, #tpu.memory_space<vmem>> -> memref<1x128xi32, #tpu.memory_space<vmem>>
      %dma_wait3A_263 = tpu.memref_squeeze %dma_wait3A_262 : memref<1x128xi32, #tpu.memory_space<vmem>> -> memref<128xi32, #tpu.memory_space<vmem>>
      %dma_wait3A_264 = arith.constant 0 : i32
      %dma_wait3A_265 = arith.constant 0 : i32
      %dma_wait3A_266 = tpu.memref_slice %arg14[%dma_wait3A_264, %dma_wait3A_265] : memref<10008x64xf32, #tpu.memory_space<vmem_shared>> -> memref<10008x64xf32, #tpu.memory_space<vmem_shared>>
      tpu.wait_indirect_dma semaphore(%arg21 : memref<!tpu.dma_semaphore, #tpu.memory_space<semaphore_mem>>) src(%dma_wait3A_260 : memref<128x64xf32, #tpu.memory_space<vmem>>) dst(%dma_wait3A_266 : memref<10008x64xf32, #tpu.memory_space<vmem_shared>>)
      %dma_wait3A_267 = arith.constant 4 : i32
      %dma_wait3A_268 = arith.constant 0 : i32
      %dma_wait3A_269 = arith.constant 0 : i32
      %dma_wait3A_270 = tpu.memref_slice %arg12[%dma_wait3A_267, %dma_wait3A_268, %dma_wait3A_269] : memref<5x128x64xf32, #tpu.memory_space<vmem>> -> memref<1x128x64xf32, #tpu.memory_space<vmem>>
      %dma_wait3A_271 = tpu.memref_squeeze %dma_wait3A_270 : memref<1x128x64xf32, #tpu.memory_space<vmem>> -> memref<128x64xf32, #tpu.memory_space<vmem>>
      %dma_wait3A_272 = arith.constant 0 : i32
      %dma_wait3A_273 = tpu.memref_slice %arg11[%add3A_208, %dma_wait3A_272] : memref<160x128xi32, #tpu.memory_space<vmem>> -> memref<1x128xi32, #tpu.memory_space<vmem>>
      %dma_wait3A_274 = tpu.memref_squeeze %dma_wait3A_273 : memref<1x128xi32, #tpu.memory_space<vmem>> -> memref<128xi32, #tpu.memory_space<vmem>>
      %dma_wait3A_275 = arith.constant 0 : i32
      %dma_wait3A_276 = arith.constant 0 : i32
      %dma_wait3A_277 = tpu.memref_slice %arg14[%dma_wait3A_275, %dma_wait3A_276] : memref<10008x64xf32, #tpu.memory_space<vmem_shared>> -> memref<10008x64xf32, #tpu.memory_space<vmem_shared>>
      tpu.wait_indirect_dma semaphore(%arg21 : memref<!tpu.dma_semaphore, #tpu.memory_space<semaphore_mem>>) src(%dma_wait3A_271 : memref<128x64xf32, #tpu.memory_space<vmem>>) dst(%dma_wait3A_277 : memref<10008x64xf32, #tpu.memory_space<vmem_shared>>)
    }
    %scan3A_15 = arith.constant 32 : i32
    %barrier3A_16 = arith.constant 0 : index
    tpu.barrier barrier_id(%barrier3A_16)
    %mul3A_17 = arith.constant 10000 : i32
    %mul3A_18 = arith.muli %arg0, %mul3A_17 : i32
    %add3A_19 = arith.addi %mul3A_18, %mul3A_0 : i32
    "tpu.region"() ({
      %run_scoped3A = tpu.sem_alloc : memref<!tpu.dma_semaphore, #tpu.memory_space<semaphore_mem>>
      %dma_start3A = arith.constant 0 : i32
      %dma_start3A_28 = tpu.memref_slice %arg8[%add3A_19, %dma_start3A] : memref<20000x64xf32, #tpu.memory_space<hbm>> -> memref<624x64xf32, #tpu.memory_space<hbm>>
      %dma_start3A_29 = arith.constant 0 : i32
      %dma_start3A_30 = tpu.memref_slice %arg14[%mul3A_0, %dma_start3A_29] : memref<10008x64xf32, #tpu.memory_space<vmem_shared>> -> memref<624x64xf32, #tpu.memory_space<vmem_shared>>
      tpu.enqueue_dma source(%dma_start3A_30 : memref<624x64xf32, #tpu.memory_space<vmem_shared>>) target(%dma_start3A_28 : memref<624x64xf32, #tpu.memory_space<hbm>>) target_semaphore(%run_scoped3A : memref<!tpu.dma_semaphore, #tpu.memory_space<semaphore_mem>>)
      %dma_wait3A = arith.constant 0 : i32
      %dma_wait3A_31 = tpu.memref_slice %arg8[%add3A_19, %dma_wait3A] : memref<20000x64xf32, #tpu.memory_space<hbm>> -> memref<624x64xf32, #tpu.memory_space<hbm>>
      %dma_wait3A_32 = arith.constant 0 : i32
      %dma_wait3A_33 = tpu.memref_slice %arg14[%mul3A_0, %dma_wait3A_32] : memref<10008x64xf32, #tpu.memory_space<vmem_shared>> -> memref<624x64xf32, #tpu.memory_space<vmem_shared>>
      tpu.wait_dma2 semaphore(%run_scoped3A : memref<!tpu.dma_semaphore, #tpu.memory_space<semaphore_mem>>) src(%dma_wait3A_33 : memref<624x64xf32, #tpu.memory_space<vmem_shared>>) dst(%dma_wait3A_31 : memref<624x64xf32, #tpu.memory_space<hbm>>)
      tpu.yield
    }) : () -> ()
    %mul3A_20 = arith.constant 10000 : i32
    %mul3A_21 = arith.muli %arg0, %mul3A_20 : i32
    %add3A_22 = arith.addi %mul3A_21, %mul3A_0 : i32
    "tpu.region"() ({
      %run_scoped3A = tpu.sem_alloc : memref<!tpu.dma_semaphore, #tpu.memory_space<semaphore_mem>>
      %dma_start3A = arith.constant 0 : i32
      %dma_start3A_28 = tpu.memref_slice %arg9[%add3A_22, %dma_start3A] : memref<20000x8xf32, #tpu.memory_space<hbm>> -> memref<624x8xf32, #tpu.memory_space<hbm>>
      %dma_start3A_29 = arith.constant 0 : i32
      %dma_start3A_30 = tpu.memref_slice %arg15[%mul3A_0, %dma_start3A_29] : memref<10008x8xf32, #tpu.memory_space<vmem_shared>> -> memref<624x8xf32, #tpu.memory_space<vmem_shared>>
      tpu.enqueue_dma source(%dma_start3A_30 : memref<624x8xf32, #tpu.memory_space<vmem_shared>>) target(%dma_start3A_28 : memref<624x8xf32, #tpu.memory_space<hbm>>) target_semaphore(%run_scoped3A : memref<!tpu.dma_semaphore, #tpu.memory_space<semaphore_mem>>)
      %dma_wait3A = arith.constant 0 : i32
      %dma_wait3A_31 = tpu.memref_slice %arg9[%add3A_22, %dma_wait3A] : memref<20000x8xf32, #tpu.memory_space<hbm>> -> memref<624x8xf32, #tpu.memory_space<hbm>>
      %dma_wait3A_32 = arith.constant 0 : i32
      %dma_wait3A_33 = tpu.memref_slice %arg15[%mul3A_0, %dma_wait3A_32] : memref<10008x8xf32, #tpu.memory_space<vmem_shared>> -> memref<624x8xf32, #tpu.memory_space<vmem_shared>>
      tpu.wait_dma2 semaphore(%run_scoped3A : memref<!tpu.dma_semaphore, #tpu.memory_space<semaphore_mem>>) src(%dma_wait3A_33 : memref<624x8xf32, #tpu.memory_space<vmem_shared>>) dst(%dma_wait3A_31 : memref<624x8xf32, #tpu.memory_space<hbm>>)
      tpu.yield
    }) : () -> ()
    %eq3A_23 = arith.constant 15 : i32
    %eq3A_24 = arith.cmpi eq, %arg1, %eq3A_23 : i32
    %convert_element_type3A_25 = arith.extui %eq3A_24 : i1 to i32
    %cond3A_26 = arith.constant 0 : i32
    %cond3A_27 = arith.cmpi ne, %convert_element_type3A_25, %cond3A_26 : i32
    scf.if %cond3A_27 {
      %mul3A_28 = arith.constant 10000 : i32
      %mul3A_29 = arith.muli %arg0, %mul3A_28 : i32
      %add3A_30 = arith.constant 9984 : i32
      %add3A_31 = arith.addi %mul3A_29, %add3A_30 : i32
      "tpu.region"() ({
        %run_scoped3A = tpu.sem_alloc : memref<!tpu.dma_semaphore, #tpu.memory_space<semaphore_mem>>
        %dma_start3A = arith.constant 0 : i32
        %dma_start3A_36 = tpu.memref_slice %arg8[%add3A_31, %dma_start3A] : memref<20000x64xf32, #tpu.memory_space<hbm>> -> memref<16x64xf32, #tpu.memory_space<hbm>>
        %dma_start3A_37 = arith.constant 9984 : i32
        %dma_start3A_38 = arith.constant 0 : i32
        %dma_start3A_39 = tpu.memref_slice %arg14[%dma_start3A_37, %dma_start3A_38] : memref<10008x64xf32, #tpu.memory_space<vmem_shared>> -> memref<16x64xf32, #tpu.memory_space<vmem_shared>>
        tpu.enqueue_dma source(%dma_start3A_39 : memref<16x64xf32, #tpu.memory_space<vmem_shared>>) target(%dma_start3A_36 : memref<16x64xf32, #tpu.memory_space<hbm>>) target_semaphore(%run_scoped3A : memref<!tpu.dma_semaphore, #tpu.memory_space<semaphore_mem>>)
        %dma_wait3A = arith.constant 0 : i32
        %dma_wait3A_40 = tpu.memref_slice %arg8[%add3A_31, %dma_wait3A] : memref<20000x64xf32, #tpu.memory_space<hbm>> -> memref<16x64xf32, #tpu.memory_space<hbm>>
        %dma_wait3A_41 = arith.constant 9984 : i32
        %dma_wait3A_42 = arith.constant 0 : i32
        %dma_wait3A_43 = tpu.memref_slice %arg14[%dma_wait3A_41, %dma_wait3A_42] : memref<10008x64xf32, #tpu.memory_space<vmem_shared>> -> memref<16x64xf32, #tpu.memory_space<vmem_shared>>
        tpu.wait_dma2 semaphore(%run_scoped3A : memref<!tpu.dma_semaphore, #tpu.memory_space<semaphore_mem>>) src(%dma_wait3A_43 : memref<16x64xf32, #tpu.memory_space<vmem_shared>>) dst(%dma_wait3A_40 : memref<16x64xf32, #tpu.memory_space<hbm>>)
        tpu.yield
      }) : () -> ()
      %mul3A_32 = arith.constant 10000 : i32
      %mul3A_33 = arith.muli %arg0, %mul3A_32 : i32
      %add3A_34 = arith.constant 9984 : i32
      %add3A_35 = arith.addi %mul3A_33, %add3A_34 : i32
      "tpu.region"() ({
        %run_scoped3A = tpu.sem_alloc : memref<!tpu.dma_semaphore, #tpu.memory_space<semaphore_mem>>
        %dma_start3A = arith.constant 0 : i32
        %dma_start3A_36 = tpu.memref_slice %arg9[%add3A_35, %dma_start3A] : memref<20000x8xf32, #tpu.memory_space<hbm>> -> memref<16x8xf32, #tpu.memory_space<hbm>>
        %dma_start3A_37 = arith.constant 9984 : i32
        %dma_start3A_38 = arith.constant 0 : i32
        %dma_start3A_39 = tpu.memref_slice %arg15[%dma_start3A_37, %dma_start3A_38] : memref<10008x8xf32, #tpu.memory_space<vmem_shared>> -> memref<16x8xf32, #tpu.memory_space<vmem_shared>>
        tpu.enqueue_dma source(%dma_start3A_39 : memref<16x8xf32, #tpu.memory_space<vmem_shared>>) target(%dma_start3A_36 : memref<16x8xf32, #tpu.memory_space<hbm>>) target_semaphore(%run_scoped3A : memref<!tpu.dma_semaphore, #tpu.memory_space<semaphore_mem>>)
        %dma_wait3A = arith.constant 0 : i32
        %dma_wait3A_40 = tpu.memref_slice %arg9[%add3A_35, %dma_wait3A] : memref<20000x8xf32, #tpu.memory_space<hbm>> -> memref<16x8xf32, #tpu.memory_space<hbm>>
        %dma_wait3A_41 = arith.constant 9984 : i32
        %dma_wait3A_42 = arith.constant 0 : i32
        %dma_wait3A_43 = tpu.memref_slice %arg15[%dma_wait3A_41, %dma_wait3A_42] : memref<10008x8xf32, #tpu.memory_space<vmem_shared>> -> memref<16x8xf32, #tpu.memory_space<vmem_shared>>
        tpu.wait_dma2 semaphore(%run_scoped3A : memref<!tpu.dma_semaphore, #tpu.memory_space<semaphore_mem>>) src(%dma_wait3A_43 : memref<16x8xf32, #tpu.memory_space<vmem_shared>>) dst(%dma_wait3A_40 : memref<16x8xf32, #tpu.memory_space<hbm>>)
        tpu.yield
      }) : () -> ()
    } else {
    }
    return
  }
}

#map = affine_map<(d0, d1) -> (0, 0)>
module attributes {stable_mosaic.version = 14 : i64} {
  func.func @_sc_pass2(%arg0: i32, %arg1: i32, %arg2: memref<10000x8xf32, #tpu.memory_space<hbm>>, %arg3: memref<2560x128xi32, #tpu.memory_space<hbm>>, %arg4: memref<2560x128xi32, #tpu.memory_space<hbm>>, %arg5: memref<624x8xf32, #tpu.memory_space<hbm>>, %arg6: memref<20000x8xf32, #tpu.memory_space<hbm>>, %arg7: memref<80x128xi32, #tpu.memory_space<vmem>>, %arg8: memref<80x128xi32, #tpu.memory_space<vmem>>, %arg9: memref<10x128x8xf32, #tpu.memory_space<vmem>>, %arg10: memref<10008x8xf32, #tpu.memory_space<vmem_shared>>, %arg11: memref<!tpu.dma_semaphore, #tpu.memory_space<semaphore_mem>>, %arg12: memref<!tpu.dma_semaphore, #tpu.memory_space<semaphore_mem>>, %arg13: memref<!tpu.dma_semaphore, #tpu.memory_space<semaphore_mem>>, %arg14: memref<!tpu.dma_semaphore, #tpu.memory_space<semaphore_mem>>, %arg15: memref<!tpu.dma_semaphore, #tpu.memory_space<semaphore_mem>>, %arg16: memref<!tpu.dma_semaphore, #tpu.memory_space<semaphore_mem>>, %arg17: memref<!tpu.dma_semaphore, #tpu.memory_space<semaphore_mem>>, %arg18: memref<!tpu.dma_semaphore, #tpu.memory_space<semaphore_mem>>, %arg19: memref<!tpu.dma_semaphore, #tpu.memory_space<semaphore_mem>>, %arg20: memref<!tpu.dma_semaphore, #tpu.memory_space<semaphore_mem>>, %arg21: memref<!tpu.dma_semaphore, #tpu.memory_space<semaphore_mem>>) attributes {dimension_semantics = [#tpu.dimension_semantics<core_parallel>, #tpu.dimension_semantics<subcore_parallel>], iteration_bounds = array<i64: 2, 16>, scalar_prefetch = 0 : i64, scratch_operands = 15 : i64, tpu.core_type = #tpu.core_type<sc_vector_subcore>, window_params = [{transform_indices = #map}, {transform_indices = #map}, {transform_indices = #map}, {transform_indices = #map}, {transform_indices = #map}]} {
    %mul3A = arith.constant 2 : i32
    %mul3A_0 = arith.muli %arg1, %mul3A : i32
    %add3A = arith.addi %mul3A_0, %arg0 : i32
    %mul3A_1 = arith.constant 624 : i32
    %mul3A_2 = arith.muli %arg1, %mul3A_1 : i32
    "tpu.region"() ({
      %run_scoped3A = tpu.sem_alloc : memref<!tpu.dma_semaphore, #tpu.memory_space<semaphore_mem>>
      %dma_start3A = arith.constant 0 : i32
      %dma_start3A_23 = tpu.memref_slice %arg10[%mul3A_2, %dma_start3A] : memref<10008x8xf32, #tpu.memory_space<vmem_shared>> -> memref<624x8xf32, #tpu.memory_space<vmem_shared>>
      tpu.enqueue_dma source(%arg5 : memref<624x8xf32, #tpu.memory_space<hbm>>) target(%dma_start3A_23 : memref<624x8xf32, #tpu.memory_space<vmem_shared>>) target_semaphore(%run_scoped3A : memref<!tpu.dma_semaphore, #tpu.memory_space<semaphore_mem>>)
      %dma_wait3A = arith.constant 0 : i32
      %dma_wait3A_24 = tpu.memref_slice %arg10[%mul3A_2, %dma_wait3A] : memref<10008x8xf32, #tpu.memory_space<vmem_shared>> -> memref<624x8xf32, #tpu.memory_space<vmem_shared>>
      tpu.wait_dma2 semaphore(%run_scoped3A : memref<!tpu.dma_semaphore, #tpu.memory_space<semaphore_mem>>) src(%arg5 : memref<624x8xf32, #tpu.memory_space<hbm>>) dst(%dma_wait3A_24 : memref<624x8xf32, #tpu.memory_space<vmem_shared>>)
      tpu.yield
    }) : () -> ()
    %eq3A = arith.constant 15 : i32
    %eq3A_3 = arith.cmpi eq, %arg1, %eq3A : i32
    %convert_element_type3A = arith.extui %eq3A_3 : i1 to i32
    %cond3A = arith.constant 0 : i32
    %cond3A_4 = arith.cmpi ne, %convert_element_type3A, %cond3A : i32
    scf.if %cond3A_4 {
      "tpu.region"() ({
        %run_scoped3A = tpu.sem_alloc : memref<!tpu.dma_semaphore, #tpu.memory_space<semaphore_mem>>
        %dma_start3A = arith.constant 9984 : i32
        %dma_start3A_23 = arith.constant 0 : i32
        %dma_start3A_24 = tpu.memref_slice %arg10[%dma_start3A, %dma_start3A_23] : memref<10008x8xf32, #tpu.memory_space<vmem_shared>> -> memref<24x8xf32, #tpu.memory_space<vmem_shared>>
        %dma_start3A_25 = arith.constant 0 : i32
        %dma_start3A_26 = arith.constant 0 : i32
        %dma_start3A_27 = tpu.memref_slice %arg5[%dma_start3A_25, %dma_start3A_26] : memref<624x8xf32, #tpu.memory_space<hbm>> -> memref<24x8xf32, #tpu.memory_space<hbm>>
        tpu.enqueue_dma source(%dma_start3A_27 : memref<24x8xf32, #tpu.memory_space<hbm>>) target(%dma_start3A_24 : memref<24x8xf32, #tpu.memory_space<vmem_shared>>) target_semaphore(%run_scoped3A : memref<!tpu.dma_semaphore, #tpu.memory_space<semaphore_mem>>)
        %dma_wait3A = arith.constant 9984 : i32
        %dma_wait3A_28 = arith.constant 0 : i32
        %dma_wait3A_29 = tpu.memref_slice %arg10[%dma_wait3A, %dma_wait3A_28] : memref<10008x8xf32, #tpu.memory_space<vmem_shared>> -> memref<24x8xf32, #tpu.memory_space<vmem_shared>>
        %dma_wait3A_30 = arith.constant 0 : i32
        %dma_wait3A_31 = arith.constant 0 : i32
        %dma_wait3A_32 = tpu.memref_slice %arg5[%dma_wait3A_30, %dma_wait3A_31] : memref<624x8xf32, #tpu.memory_space<hbm>> -> memref<24x8xf32, #tpu.memory_space<hbm>>
        tpu.wait_dma2 semaphore(%run_scoped3A : memref<!tpu.dma_semaphore, #tpu.memory_space<semaphore_mem>>) src(%dma_wait3A_32 : memref<24x8xf32, #tpu.memory_space<hbm>>) dst(%dma_wait3A_29 : memref<24x8xf32, #tpu.memory_space<vmem_shared>>)
        tpu.yield
      }) : () -> ()
    } else {
    }
    %mul3A_5 = arith.constant 80 : i32
    %mul3A_6 = arith.muli %add3A, %mul3A_5 : i32
    "tpu.region"() ({
      %run_scoped3A = tpu.sem_alloc : memref<!tpu.dma_semaphore, #tpu.memory_space<semaphore_mem>>
      %dma_start3A = arith.constant 0 : i32
      %dma_start3A_23 = tpu.memref_slice %arg3[%mul3A_6, %dma_start3A] : memref<2560x128xi32, #tpu.memory_space<hbm>> -> memref<80x128xi32, #tpu.memory_space<hbm>>
      %dma_start3A_24 = arith.constant 0 : i32
      %dma_start3A_25 = tpu.memref_slice %arg3[%mul3A_6, %dma_start3A_24] : memref<2560x128xi32, #tpu.memory_space<hbm>> -> memref<80x128xi32, #tpu.memory_space<hbm>>
      tpu.enqueue_dma source(%dma_start3A_25 : memref<80x128xi32, #tpu.memory_space<hbm>>) target(%arg7 : memref<80x128xi32, #tpu.memory_space<vmem>>) target_semaphore(%run_scoped3A : memref<!tpu.dma_semaphore, #tpu.memory_space<semaphore_mem>>)
      %dma_wait3A = arith.constant 0 : i32
      %dma_wait3A_26 = tpu.memref_slice %arg3[%mul3A_6, %dma_wait3A] : memref<2560x128xi32, #tpu.memory_space<hbm>> -> memref<80x128xi32, #tpu.memory_space<hbm>>
      %dma_wait3A_27 = arith.constant 0 : i32
      %dma_wait3A_28 = tpu.memref_slice %arg3[%mul3A_6, %dma_wait3A_27] : memref<2560x128xi32, #tpu.memory_space<hbm>> -> memref<80x128xi32, #tpu.memory_space<hbm>>
      tpu.wait_dma2 semaphore(%run_scoped3A : memref<!tpu.dma_semaphore, #tpu.memory_space<semaphore_mem>>) src(%dma_wait3A_28 : memref<80x128xi32, #tpu.memory_space<hbm>>) dst(%arg7 : memref<80x128xi32, #tpu.memory_space<vmem>>)
      tpu.yield
    }) : () -> ()
    %mul3A_7 = arith.constant 80 : i32
    %mul3A_8 = arith.muli %add3A, %mul3A_7 : i32
    "tpu.region"() ({
      %run_scoped3A = tpu.sem_alloc : memref<!tpu.dma_semaphore, #tpu.memory_space<semaphore_mem>>
      %dma_start3A = arith.constant 0 : i32
      %dma_start3A_23 = tpu.memref_slice %arg4[%mul3A_8, %dma_start3A] : memref<2560x128xi32, #tpu.memory_space<hbm>> -> memref<80x128xi32, #tpu.memory_space<hbm>>
      %dma_start3A_24 = arith.constant 0 : i32
      %dma_start3A_25 = tpu.memref_slice %arg4[%mul3A_8, %dma_start3A_24] : memref<2560x128xi32, #tpu.memory_space<hbm>> -> memref<80x128xi32, #tpu.memory_space<hbm>>
      tpu.enqueue_dma source(%dma_start3A_25 : memref<80x128xi32, #tpu.memory_space<hbm>>) target(%arg8 : memref<80x128xi32, #tpu.memory_space<vmem>>) target_semaphore(%run_scoped3A : memref<!tpu.dma_semaphore, #tpu.memory_space<semaphore_mem>>)
      %dma_wait3A = arith.constant 0 : i32
      %dma_wait3A_26 = tpu.memref_slice %arg4[%mul3A_8, %dma_wait3A] : memref<2560x128xi32, #tpu.memory_space<hbm>> -> memref<80x128xi32, #tpu.memory_space<hbm>>
      %dma_wait3A_27 = arith.constant 0 : i32
      %dma_wait3A_28 = tpu.memref_slice %arg4[%mul3A_8, %dma_wait3A_27] : memref<2560x128xi32, #tpu.memory_space<hbm>> -> memref<80x128xi32, #tpu.memory_space<hbm>>
      tpu.wait_dma2 semaphore(%run_scoped3A : memref<!tpu.dma_semaphore, #tpu.memory_space<semaphore_mem>>) src(%dma_wait3A_28 : memref<80x128xi32, #tpu.memory_space<hbm>>) dst(%arg8 : memref<80x128xi32, #tpu.memory_space<vmem>>)
      tpu.yield
    }) : () -> ()
    %barrier3A = arith.constant 0 : index
    tpu.barrier barrier_id(%barrier3A)
    %scan3A = arith.constant 0 : i32
    %scan3A_9 = arith.constant 0 : i32
    %scan3A_10 = arith.constant 8 : i32
    %scan3A_11 = arith.addi %scan3A_9, %scan3A_10 : i32
    %scan3A_12 = arith.constant 1 : i32
    scf.for %scan3A_23 = %scan3A_9 to %scan3A_11 step %scan3A_12  : i32 {
      %mul3A_24 = arith.constant 10 : i32
      %mul3A_25 = arith.muli %scan3A_23, %mul3A_24 : i32
      %add3A_26 = arith.constant 0 : i32
      %add3A_27 = arith.addi %mul3A_25, %add3A_26 : i32
      %dma_start3A = arith.constant 0 : i32
      %dma_start3A_28 = arith.constant 0 : i32
      %dma_start3A_29 = arith.constant 0 : i32
      %dma_start3A_30 = tpu.memref_slice %arg9[%dma_start3A, %dma_start3A_28, %dma_start3A_29] : memref<10x128x8xf32, #tpu.memory_space<vmem>> -> memref<1x128x8xf32, #tpu.memory_space<vmem>>
      %dma_start3A_31 = tpu.memref_squeeze %dma_start3A_30 : memref<1x128x8xf32, #tpu.memory_space<vmem>> -> memref<128x8xf32, #tpu.memory_space<vmem>>
      %dma_start3A_32 = arith.constant 0 : i32
      %dma_start3A_33 = tpu.memref_slice %arg7[%add3A_27, %dma_start3A_32] : memref<80x128xi32, #tpu.memory_space<vmem>> -> memref<1x128xi32, #tpu.memory_space<vmem>>
      %dma_start3A_34 = tpu.memref_squeeze %dma_start3A_33 : memref<1x128xi32, #tpu.memory_space<vmem>> -> memref<128xi32, #tpu.memory_space<vmem>>
      %dma_start3A_35 = arith.constant 0 : i32
      %dma_start3A_36 = arith.constant 0 : i32
      %dma_start3A_37 = tpu.memref_slice %arg2[%dma_start3A_35, %dma_start3A_36] : memref<10000x8xf32, #tpu.memory_space<hbm>> -> memref<10000x8xf32, #tpu.memory_space<hbm>>
      tpu.enqueue_indirect_dma source(%dma_start3A_37 : memref<10000x8xf32, #tpu.memory_space<hbm>>) target(%dma_start3A_31 : memref<128x8xf32, #tpu.memory_space<vmem>>) offsets(%dma_start3A_34 : memref<128xi32, #tpu.memory_space<vmem>>) semaphore(%arg11 : memref<!tpu.dma_semaphore, #tpu.memory_space<semaphore_mem>>)
      %add3A_38 = arith.constant 1 : i32
      %add3A_39 = arith.addi %mul3A_25, %add3A_38 : i32
      %dma_start3A_40 = arith.constant 1 : i32
      %dma_start3A_41 = arith.constant 0 : i32
      %dma_start3A_42 = arith.constant 0 : i32
      %dma_start3A_43 = tpu.memref_slice %arg9[%dma_start3A_40, %dma_start3A_41, %dma_start3A_42] : memref<10x128x8xf32, #tpu.memory_space<vmem>> -> memref<1x128x8xf32, #tpu.memory_space<vmem>>
      %dma_start3A_44 = tpu.memref_squeeze %dma_start3A_43 : memref<1x128x8xf32, #tpu.memory_space<vmem>> -> memref<128x8xf32, #tpu.memory_space<vmem>>
      %dma_start3A_45 = arith.constant 0 : i32
      %dma_start3A_46 = tpu.memref_slice %arg7[%add3A_39, %dma_start3A_45] : memref<80x128xi32, #tpu.memory_space<vmem>> -> memref<1x128xi32, #tpu.memory_space<vmem>>
      %dma_start3A_47 = tpu.memref_squeeze %dma_start3A_46 : memref<1x128xi32, #tpu.memory_space<vmem>> -> memref<128xi32, #tpu.memory_space<vmem>>
      %dma_start3A_48 = arith.constant 0 : i32
      %dma_start3A_49 = arith.constant 0 : i32
      %dma_start3A_50 = tpu.memref_slice %arg2[%dma_start3A_48, %dma_start3A_49] : memref<10000x8xf32, #tpu.memory_space<hbm>> -> memref<10000x8xf32, #tpu.memory_space<hbm>>
      tpu.enqueue_indirect_dma source(%dma_start3A_50 : memref<10000x8xf32, #tpu.memory_space<hbm>>) target(%dma_start3A_44 : memref<128x8xf32, #tpu.memory_space<vmem>>) offsets(%dma_start3A_47 : memref<128xi32, #tpu.memory_space<vmem>>) semaphore(%arg12 : memref<!tpu.dma_semaphore, #tpu.memory_space<semaphore_mem>>)
      %add3A_51 = arith.constant 2 : i32
      %add3A_52 = arith.addi %mul3A_25, %add3A_51 : i32
      %dma_start3A_53 = arith.constant 2 : i32
      %dma_start3A_54 = arith.constant 0 : i32
      %dma_start3A_55 = arith.constant 0 : i32
      %dma_start3A_56 = tpu.memref_slice %arg9[%dma_start3A_53, %dma_start3A_54, %dma_start3A_55] : memref<10x128x8xf32, #tpu.memory_space<vmem>> -> memref<1x128x8xf32, #tpu.memory_space<vmem>>
      %dma_start3A_57 = tpu.memref_squeeze %dma_start3A_56 : memref<1x128x8xf32, #tpu.memory_space<vmem>> -> memref<128x8xf32, #tpu.memory_space<vmem>>
      %dma_start3A_58 = arith.constant 0 : i32
      %dma_start3A_59 = tpu.memref_slice %arg7[%add3A_52, %dma_start3A_58] : memref<80x128xi32, #tpu.memory_space<vmem>> -> memref<1x128xi32, #tpu.memory_space<vmem>>
      %dma_start3A_60 = tpu.memref_squeeze %dma_start3A_59 : memref<1x128xi32, #tpu.memory_space<vmem>> -> memref<128xi32, #tpu.memory_space<vmem>>
      %dma_start3A_61 = arith.constant 0 : i32
      %dma_start3A_62 = arith.constant 0 : i32
      %dma_start3A_63 = tpu.memref_slice %arg2[%dma_start3A_61, %dma_start3A_62] : memref<10000x8xf32, #tpu.memory_space<hbm>> -> memref<10000x8xf32, #tpu.memory_space<hbm>>
      tpu.enqueue_indirect_dma source(%dma_start3A_63 : memref<10000x8xf32, #tpu.memory_space<hbm>>) target(%dma_start3A_57 : memref<128x8xf32, #tpu.memory_space<vmem>>) offsets(%dma_start3A_60 : memref<128xi32, #tpu.memory_space<vmem>>) semaphore(%arg13 : memref<!tpu.dma_semaphore, #tpu.memory_space<semaphore_mem>>)
      %add3A_64 = arith.constant 3 : i32
      %add3A_65 = arith.addi %mul3A_25, %add3A_64 : i32
      %dma_start3A_66 = arith.constant 3 : i32
      %dma_start3A_67 = arith.constant 0 : i32
      %dma_start3A_68 = arith.constant 0 : i32
      %dma_start3A_69 = tpu.memref_slice %arg9[%dma_start3A_66, %dma_start3A_67, %dma_start3A_68] : memref<10x128x8xf32, #tpu.memory_space<vmem>> -> memref<1x128x8xf32, #tpu.memory_space<vmem>>
      %dma_start3A_70 = tpu.memref_squeeze %dma_start3A_69 : memref<1x128x8xf32, #tpu.memory_space<vmem>> -> memref<128x8xf32, #tpu.memory_space<vmem>>
      %dma_start3A_71 = arith.constant 0 : i32
      %dma_start3A_72 = tpu.memref_slice %arg7[%add3A_65, %dma_start3A_71] : memref<80x128xi32, #tpu.memory_space<vmem>> -> memref<1x128xi32, #tpu.memory_space<vmem>>
      %dma_start3A_73 = tpu.memref_squeeze %dma_start3A_72 : memref<1x128xi32, #tpu.memory_space<vmem>> -> memref<128xi32, #tpu.memory_space<vmem>>
      %dma_start3A_74 = arith.constant 0 : i32
      %dma_start3A_75 = arith.constant 0 : i32
      %dma_start3A_76 = tpu.memref_slice %arg2[%dma_start3A_74, %dma_start3A_75] : memref<10000x8xf32, #tpu.memory_space<hbm>> -> memref<10000x8xf32, #tpu.memory_space<hbm>>
      tpu.enqueue_indirect_dma source(%dma_start3A_76 : memref<10000x8xf32, #tpu.memory_space<hbm>>) target(%dma_start3A_70 : memref<128x8xf32, #tpu.memory_space<vmem>>) offsets(%dma_start3A_73 : memref<128xi32, #tpu.memory_space<vmem>>) semaphore(%arg14 : memref<!tpu.dma_semaphore, #tpu.memory_space<semaphore_mem>>)
      %add3A_77 = arith.constant 4 : i32
      %add3A_78 = arith.addi %mul3A_25, %add3A_77 : i32
      %dma_start3A_79 = arith.constant 4 : i32
      %dma_start3A_80 = arith.constant 0 : i32
      %dma_start3A_81 = arith.constant 0 : i32
      %dma_start3A_82 = tpu.memref_slice %arg9[%dma_start3A_79, %dma_start3A_80, %dma_start3A_81] : memref<10x128x8xf32, #tpu.memory_space<vmem>> -> memref<1x128x8xf32, #tpu.memory_space<vmem>>
      %dma_start3A_83 = tpu.memref_squeeze %dma_start3A_82 : memref<1x128x8xf32, #tpu.memory_space<vmem>> -> memref<128x8xf32, #tpu.memory_space<vmem>>
      %dma_start3A_84 = arith.constant 0 : i32
      %dma_start3A_85 = tpu.memref_slice %arg7[%add3A_78, %dma_start3A_84] : memref<80x128xi32, #tpu.memory_space<vmem>> -> memref<1x128xi32, #tpu.memory_space<vmem>>
      %dma_start3A_86 = tpu.memref_squeeze %dma_start3A_85 : memref<1x128xi32, #tpu.memory_space<vmem>> -> memref<128xi32, #tpu.memory_space<vmem>>
      %dma_start3A_87 = arith.constant 0 : i32
      %dma_start3A_88 = arith.constant 0 : i32
      %dma_start3A_89 = tpu.memref_slice %arg2[%dma_start3A_87, %dma_start3A_88] : memref<10000x8xf32, #tpu.memory_space<hbm>> -> memref<10000x8xf32, #tpu.memory_space<hbm>>
      tpu.enqueue_indirect_dma source(%dma_start3A_89 : memref<10000x8xf32, #tpu.memory_space<hbm>>) target(%dma_start3A_83 : memref<128x8xf32, #tpu.memory_space<vmem>>) offsets(%dma_start3A_86 : memref<128xi32, #tpu.memory_space<vmem>>) semaphore(%arg15 : memref<!tpu.dma_semaphore, #tpu.memory_space<semaphore_mem>>)
      %add3A_90 = arith.constant 5 : i32
      %add3A_91 = arith.addi %mul3A_25, %add3A_90 : i32
      %dma_start3A_92 = arith.constant 5 : i32
      %dma_start3A_93 = arith.constant 0 : i32
      %dma_start3A_94 = arith.constant 0 : i32
      %dma_start3A_95 = tpu.memref_slice %arg9[%dma_start3A_92, %dma_start3A_93, %dma_start3A_94] : memref<10x128x8xf32, #tpu.memory_space<vmem>> -> memref<1x128x8xf32, #tpu.memory_space<vmem>>
      %dma_start3A_96 = tpu.memref_squeeze %dma_start3A_95 : memref<1x128x8xf32, #tpu.memory_space<vmem>> -> memref<128x8xf32, #tpu.memory_space<vmem>>
      %dma_start3A_97 = arith.constant 0 : i32
      %dma_start3A_98 = tpu.memref_slice %arg7[%add3A_91, %dma_start3A_97] : memref<80x128xi32, #tpu.memory_space<vmem>> -> memref<1x128xi32, #tpu.memory_space<vmem>>
      %dma_start3A_99 = tpu.memref_squeeze %dma_start3A_98 : memref<1x128xi32, #tpu.memory_space<vmem>> -> memref<128xi32, #tpu.memory_space<vmem>>
      %dma_start3A_100 = arith.constant 0 : i32
      %dma_start3A_101 = arith.constant 0 : i32
      %dma_start3A_102 = tpu.memref_slice %arg2[%dma_start3A_100, %dma_start3A_101] : memref<10000x8xf32, #tpu.memory_space<hbm>> -> memref<10000x8xf32, #tpu.memory_space<hbm>>
      tpu.enqueue_indirect_dma source(%dma_start3A_102 : memref<10000x8xf32, #tpu.memory_space<hbm>>) target(%dma_start3A_96 : memref<128x8xf32, #tpu.memory_space<vmem>>) offsets(%dma_start3A_99 : memref<128xi32, #tpu.memory_space<vmem>>) semaphore(%arg16 : memref<!tpu.dma_semaphore, #tpu.memory_space<semaphore_mem>>)
      %add3A_103 = arith.constant 6 : i32
      %add3A_104 = arith.addi %mul3A_25, %add3A_103 : i32
      %dma_start3A_105 = arith.constant 6 : i32
      %dma_start3A_106 = arith.constant 0 : i32
      %dma_start3A_107 = arith.constant 0 : i32
      %dma_start3A_108 = tpu.memref_slice %arg9[%dma_start3A_105, %dma_start3A_106, %dma_start3A_107] : memref<10x128x8xf32, #tpu.memory_space<vmem>> -> memref<1x128x8xf32, #tpu.memory_space<vmem>>
      %dma_start3A_109 = tpu.memref_squeeze %dma_start3A_108 : memref<1x128x8xf32, #tpu.memory_space<vmem>> -> memref<128x8xf32, #tpu.memory_space<vmem>>
      %dma_start3A_110 = arith.constant 0 : i32
      %dma_start3A_111 = tpu.memref_slice %arg7[%add3A_104, %dma_start3A_110] : memref<80x128xi32, #tpu.memory_space<vmem>> -> memref<1x128xi32, #tpu.memory_space<vmem>>
      %dma_start3A_112 = tpu.memref_squeeze %dma_start3A_111 : memref<1x128xi32, #tpu.memory_space<vmem>> -> memref<128xi32, #tpu.memory_space<vmem>>
      %dma_start3A_113 = arith.constant 0 : i32
      %dma_start3A_114 = arith.constant 0 : i32
      %dma_start3A_115 = tpu.memref_slice %arg2[%dma_start3A_113, %dma_start3A_114] : memref<10000x8xf32, #tpu.memory_space<hbm>> -> memref<10000x8xf32, #tpu.memory_space<hbm>>
      tpu.enqueue_indirect_dma source(%dma_start3A_115 : memref<10000x8xf32, #tpu.memory_space<hbm>>) target(%dma_start3A_109 : memref<128x8xf32, #tpu.memory_space<vmem>>) offsets(%dma_start3A_112 : memref<128xi32, #tpu.memory_space<vmem>>) semaphore(%arg17 : memref<!tpu.dma_semaphore, #tpu.memory_space<semaphore_mem>>)
      %add3A_116 = arith.constant 7 : i32
      %add3A_117 = arith.addi %mul3A_25, %add3A_116 : i32
      %dma_start3A_118 = arith.constant 7 : i32
      %dma_start3A_119 = arith.constant 0 : i32
      %dma_start3A_120 = arith.constant 0 : i32
      %dma_start3A_121 = tpu.memref_slice %arg9[%dma_start3A_118, %dma_start3A_119, %dma_start3A_120] : memref<10x128x8xf32, #tpu.memory_space<vmem>> -> memref<1x128x8xf32, #tpu.memory_space<vmem>>
      %dma_start3A_122 = tpu.memref_squeeze %dma_start3A_121 : memref<1x128x8xf32, #tpu.memory_space<vmem>> -> memref<128x8xf32, #tpu.memory_space<vmem>>
      %dma_start3A_123 = arith.constant 0 : i32
      %dma_start3A_124 = tpu.memref_slice %arg7[%add3A_117, %dma_start3A_123] : memref<80x128xi32, #tpu.memory_space<vmem>> -> memref<1x128xi32, #tpu.memory_space<vmem>>
      %dma_start3A_125 = tpu.memref_squeeze %dma_start3A_124 : memref<1x128xi32, #tpu.memory_space<vmem>> -> memref<128xi32, #tpu.memory_space<vmem>>
      %dma_start3A_126 = arith.constant 0 : i32
      %dma_start3A_127 = arith.constant 0 : i32
      %dma_start3A_128 = tpu.memref_slice %arg2[%dma_start3A_126, %dma_start3A_127] : memref<10000x8xf32, #tpu.memory_space<hbm>> -> memref<10000x8xf32, #tpu.memory_space<hbm>>
      tpu.enqueue_indirect_dma source(%dma_start3A_128 : memref<10000x8xf32, #tpu.memory_space<hbm>>) target(%dma_start3A_122 : memref<128x8xf32, #tpu.memory_space<vmem>>) offsets(%dma_start3A_125 : memref<128xi32, #tpu.memory_space<vmem>>) semaphore(%arg18 : memref<!tpu.dma_semaphore, #tpu.memory_space<semaphore_mem>>)
      %add3A_129 = arith.constant 8 : i32
      %add3A_130 = arith.addi %mul3A_25, %add3A_129 : i32
      %dma_start3A_131 = arith.constant 8 : i32
      %dma_start3A_132 = arith.constant 0 : i32
      %dma_start3A_133 = arith.constant 0 : i32
      %dma_start3A_134 = tpu.memref_slice %arg9[%dma_start3A_131, %dma_start3A_132, %dma_start3A_133] : memref<10x128x8xf32, #tpu.memory_space<vmem>> -> memref<1x128x8xf32, #tpu.memory_space<vmem>>
      %dma_start3A_135 = tpu.memref_squeeze %dma_start3A_134 : memref<1x128x8xf32, #tpu.memory_space<vmem>> -> memref<128x8xf32, #tpu.memory_space<vmem>>
      %dma_start3A_136 = arith.constant 0 : i32
      %dma_start3A_137 = tpu.memref_slice %arg7[%add3A_130, %dma_start3A_136] : memref<80x128xi32, #tpu.memory_space<vmem>> -> memref<1x128xi32, #tpu.memory_space<vmem>>
      %dma_start3A_138 = tpu.memref_squeeze %dma_start3A_137 : memref<1x128xi32, #tpu.memory_space<vmem>> -> memref<128xi32, #tpu.memory_space<vmem>>
      %dma_start3A_139 = arith.constant 0 : i32
      %dma_start3A_140 = arith.constant 0 : i32
      %dma_start3A_141 = tpu.memref_slice %arg2[%dma_start3A_139, %dma_start3A_140] : memref<10000x8xf32, #tpu.memory_space<hbm>> -> memref<10000x8xf32, #tpu.memory_space<hbm>>
      tpu.enqueue_indirect_dma source(%dma_start3A_141 : memref<10000x8xf32, #tpu.memory_space<hbm>>) target(%dma_start3A_135 : memref<128x8xf32, #tpu.memory_space<vmem>>) offsets(%dma_start3A_138 : memref<128xi32, #tpu.memory_space<vmem>>) semaphore(%arg19 : memref<!tpu.dma_semaphore, #tpu.memory_space<semaphore_mem>>)
      %add3A_142 = arith.constant 9 : i32
      %add3A_143 = arith.addi %mul3A_25, %add3A_142 : i32
      %dma_start3A_144 = arith.constant 9 : i32
      %dma_start3A_145 = arith.constant 0 : i32
      %dma_start3A_146 = arith.constant 0 : i32
      %dma_start3A_147 = tpu.memref_slice %arg9[%dma_start3A_144, %dma_start3A_145, %dma_start3A_146] : memref<10x128x8xf32, #tpu.memory_space<vmem>> -> memref<1x128x8xf32, #tpu.memory_space<vmem>>
      %dma_start3A_148 = tpu.memref_squeeze %dma_start3A_147 : memref<1x128x8xf32, #tpu.memory_space<vmem>> -> memref<128x8xf32, #tpu.memory_space<vmem>>
      %dma_start3A_149 = arith.constant 0 : i32
      %dma_start3A_150 = tpu.memref_slice %arg7[%add3A_143, %dma_start3A_149] : memref<80x128xi32, #tpu.memory_space<vmem>> -> memref<1x128xi32, #tpu.memory_space<vmem>>
      %dma_start3A_151 = tpu.memref_squeeze %dma_start3A_150 : memref<1x128xi32, #tpu.memory_space<vmem>> -> memref<128xi32, #tpu.memory_space<vmem>>
      %dma_start3A_152 = arith.constant 0 : i32
      %dma_start3A_153 = arith.constant 0 : i32
      %dma_start3A_154 = tpu.memref_slice %arg2[%dma_start3A_152, %dma_start3A_153] : memref<10000x8xf32, #tpu.memory_space<hbm>> -> memref<10000x8xf32, #tpu.memory_space<hbm>>
      tpu.enqueue_indirect_dma source(%dma_start3A_154 : memref<10000x8xf32, #tpu.memory_space<hbm>>) target(%dma_start3A_148 : memref<128x8xf32, #tpu.memory_space<vmem>>) offsets(%dma_start3A_151 : memref<128xi32, #tpu.memory_space<vmem>>) semaphore(%arg20 : memref<!tpu.dma_semaphore, #tpu.memory_space<semaphore_mem>>)
      %dma_wait3A = arith.constant 0 : i32
      %dma_wait3A_155 = arith.constant 0 : i32
      %dma_wait3A_156 = arith.constant 0 : i32
      %dma_wait3A_157 = tpu.memref_slice %arg9[%dma_wait3A, %dma_wait3A_155, %dma_wait3A_156] : memref<10x128x8xf32, #tpu.memory_space<vmem>> -> memref<1x128x8xf32, #tpu.memory_space<vmem>>
      %dma_wait3A_158 = tpu.memref_squeeze %dma_wait3A_157 : memref<1x128x8xf32, #tpu.memory_space<vmem>> -> memref<128x8xf32, #tpu.memory_space<vmem>>
      %dma_wait3A_159 = arith.constant 0 : i32
      %dma_wait3A_160 = tpu.memref_slice %arg7[%add3A_27, %dma_wait3A_159] : memref<80x128xi32, #tpu.memory_space<vmem>> -> memref<1x128xi32, #tpu.memory_space<vmem>>
      %dma_wait3A_161 = tpu.memref_squeeze %dma_wait3A_160 : memref<1x128xi32, #tpu.memory_space<vmem>> -> memref<128xi32, #tpu.memory_space<vmem>>
      %dma_wait3A_162 = arith.constant 0 : i32
      %dma_wait3A_163 = arith.constant 0 : i32
      %dma_wait3A_164 = tpu.memref_slice %arg2[%dma_wait3A_162, %dma_wait3A_163] : memref<10000x8xf32, #tpu.memory_space<hbm>> -> memref<10000x8xf32, #tpu.memory_space<hbm>>
      tpu.wait_indirect_dma semaphore(%arg11 : memref<!tpu.dma_semaphore, #tpu.memory_space<semaphore_mem>>) src(%dma_wait3A_164 : memref<10000x8xf32, #tpu.memory_space<hbm>>) dst(%dma_wait3A_158 : memref<128x8xf32, #tpu.memory_space<vmem>>)
      %add3A_165 = arith.constant 0 : i32
      %add3A_166 = arith.addi %mul3A_25, %add3A_165 : i32
      %dma_start3A_167 = arith.constant 0 : i32
      %dma_start3A_168 = arith.constant 0 : i32
      %dma_start3A_169 = arith.constant 0 : i32
      %dma_start3A_170 = tpu.memref_slice %arg9[%dma_start3A_167, %dma_start3A_168, %dma_start3A_169] : memref<10x128x8xf32, #tpu.memory_space<vmem>> -> memref<1x128x8xf32, #tpu.memory_space<vmem>>
      %dma_start3A_171 = tpu.memref_squeeze %dma_start3A_170 : memref<1x128x8xf32, #tpu.memory_space<vmem>> -> memref<128x8xf32, #tpu.memory_space<vmem>>
      %dma_start3A_172 = arith.constant 0 : i32
      %dma_start3A_173 = tpu.memref_slice %arg8[%add3A_166, %dma_start3A_172] : memref<80x128xi32, #tpu.memory_space<vmem>> -> memref<1x128xi32, #tpu.memory_space<vmem>>
      %dma_start3A_174 = tpu.memref_squeeze %dma_start3A_173 : memref<1x128xi32, #tpu.memory_space<vmem>> -> memref<128xi32, #tpu.memory_space<vmem>>
      %dma_start3A_175 = arith.constant 0 : i32
      %dma_start3A_176 = arith.constant 0 : i32
      %dma_start3A_177 = tpu.memref_slice %arg10[%dma_start3A_175, %dma_start3A_176] : memref<10008x8xf32, #tpu.memory_space<vmem_shared>> -> memref<10008x8xf32, #tpu.memory_space<vmem_shared>>
      tpu.enqueue_indirect_dma source(%dma_start3A_171 : memref<128x8xf32, #tpu.memory_space<vmem>>) target(%dma_start3A_177 : memref<10008x8xf32, #tpu.memory_space<vmem_shared>>) offsets(%dma_start3A_174 : memref<128xi32, #tpu.memory_space<vmem>>) semaphore(%arg21 : memref<!tpu.dma_semaphore, #tpu.memory_space<semaphore_mem>>) {add = true}
      %dma_wait3A_178 = arith.constant 1 : i32
      %dma_wait3A_179 = arith.constant 0 : i32
      %dma_wait3A_180 = arith.constant 0 : i32
      %dma_wait3A_181 = tpu.memref_slice %arg9[%dma_wait3A_178, %dma_wait3A_179, %dma_wait3A_180] : memref<10x128x8xf32, #tpu.memory_space<vmem>> -> memref<1x128x8xf32, #tpu.memory_space<vmem>>
      %dma_wait3A_182 = tpu.memref_squeeze %dma_wait3A_181 : memref<1x128x8xf32, #tpu.memory_space<vmem>> -> memref<128x8xf32, #tpu.memory_space<vmem>>
      %dma_wait3A_183 = arith.constant 0 : i32
      %dma_wait3A_184 = tpu.memref_slice %arg7[%add3A_39, %dma_wait3A_183] : memref<80x128xi32, #tpu.memory_space<vmem>> -> memref<1x128xi32, #tpu.memory_space<vmem>>
      %dma_wait3A_185 = tpu.memref_squeeze %dma_wait3A_184 : memref<1x128xi32, #tpu.memory_space<vmem>> -> memref<128xi32, #tpu.memory_space<vmem>>
      %dma_wait3A_186 = arith.constant 0 : i32
      %dma_wait3A_187 = arith.constant 0 : i32
      %dma_wait3A_188 = tpu.memref_slice %arg2[%dma_wait3A_186, %dma_wait3A_187] : memref<10000x8xf32, #tpu.memory_space<hbm>> -> memref<10000x8xf32, #tpu.memory_space<hbm>>
      tpu.wait_indirect_dma semaphore(%arg12 : memref<!tpu.dma_semaphore, #tpu.memory_space<semaphore_mem>>) src(%dma_wait3A_188 : memref<10000x8xf32, #tpu.memory_space<hbm>>) dst(%dma_wait3A_182 : memref<128x8xf32, #tpu.memory_space<vmem>>)
      %add3A_189 = arith.constant 1 : i32
      %add3A_190 = arith.addi %mul3A_25, %add3A_189 : i32
      %dma_start3A_191 = arith.constant 1 : i32
      %dma_start3A_192 = arith.constant 0 : i32
      %dma_start3A_193 = arith.constant 0 : i32
      %dma_start3A_194 = tpu.memref_slice %arg9[%dma_start3A_191, %dma_start3A_192, %dma_start3A_193] : memref<10x128x8xf32, #tpu.memory_space<vmem>> -> memref<1x128x8xf32, #tpu.memory_space<vmem>>
      %dma_start3A_195 = tpu.memref_squeeze %dma_start3A_194 : memref<1x128x8xf32, #tpu.memory_space<vmem>> -> memref<128x8xf32, #tpu.memory_space<vmem>>
      %dma_start3A_196 = arith.constant 0 : i32
      %dma_start3A_197 = tpu.memref_slice %arg8[%add3A_190, %dma_start3A_196] : memref<80x128xi32, #tpu.memory_space<vmem>> -> memref<1x128xi32, #tpu.memory_space<vmem>>
      %dma_start3A_198 = tpu.memref_squeeze %dma_start3A_197 : memref<1x128xi32, #tpu.memory_space<vmem>> -> memref<128xi32, #tpu.memory_space<vmem>>
      %dma_start3A_199 = arith.constant 0 : i32
      %dma_start3A_200 = arith.constant 0 : i32
      %dma_start3A_201 = tpu.memref_slice %arg10[%dma_start3A_199, %dma_start3A_200] : memref<10008x8xf32, #tpu.memory_space<vmem_shared>> -> memref<10008x8xf32, #tpu.memory_space<vmem_shared>>
      tpu.enqueue_indirect_dma source(%dma_start3A_195 : memref<128x8xf32, #tpu.memory_space<vmem>>) target(%dma_start3A_201 : memref<10008x8xf32, #tpu.memory_space<vmem_shared>>) offsets(%dma_start3A_198 : memref<128xi32, #tpu.memory_space<vmem>>) semaphore(%arg21 : memref<!tpu.dma_semaphore, #tpu.memory_space<semaphore_mem>>) {add = true}
      %dma_wait3A_202 = arith.constant 2 : i32
      %dma_wait3A_203 = arith.constant 0 : i32
      %dma_wait3A_204 = arith.constant 0 : i32
      %dma_wait3A_205 = tpu.memref_slice %arg9[%dma_wait3A_202, %dma_wait3A_203, %dma_wait3A_204] : memref<10x128x8xf32, #tpu.memory_space<vmem>> -> memref<1x128x8xf32, #tpu.memory_space<vmem>>
      %dma_wait3A_206 = tpu.memref_squeeze %dma_wait3A_205 : memref<1x128x8xf32, #tpu.memory_space<vmem>> -> memref<128x8xf32, #tpu.memory_space<vmem>>
      %dma_wait3A_207 = arith.constant 0 : i32
      %dma_wait3A_208 = tpu.memref_slice %arg7[%add3A_52, %dma_wait3A_207] : memref<80x128xi32, #tpu.memory_space<vmem>> -> memref<1x128xi32, #tpu.memory_space<vmem>>
      %dma_wait3A_209 = tpu.memref_squeeze %dma_wait3A_208 : memref<1x128xi32, #tpu.memory_space<vmem>> -> memref<128xi32, #tpu.memory_space<vmem>>
      %dma_wait3A_210 = arith.constant 0 : i32
      %dma_wait3A_211 = arith.constant 0 : i32
      %dma_wait3A_212 = tpu.memref_slice %arg2[%dma_wait3A_210, %dma_wait3A_211] : memref<10000x8xf32, #tpu.memory_space<hbm>> -> memref<10000x8xf32, #tpu.memory_space<hbm>>
      tpu.wait_indirect_dma semaphore(%arg13 : memref<!tpu.dma_semaphore, #tpu.memory_space<semaphore_mem>>) src(%dma_wait3A_212 : memref<10000x8xf32, #tpu.memory_space<hbm>>) dst(%dma_wait3A_206 : memref<128x8xf32, #tpu.memory_space<vmem>>)
      %add3A_213 = arith.constant 2 : i32
      %add3A_214 = arith.addi %mul3A_25, %add3A_213 : i32
      %dma_start3A_215 = arith.constant 2 : i32
      %dma_start3A_216 = arith.constant 0 : i32
      %dma_start3A_217 = arith.constant 0 : i32
      %dma_start3A_218 = tpu.memref_slice %arg9[%dma_start3A_215, %dma_start3A_216, %dma_start3A_217] : memref<10x128x8xf32, #tpu.memory_space<vmem>> -> memref<1x128x8xf32, #tpu.memory_space<vmem>>
      %dma_start3A_219 = tpu.memref_squeeze %dma_start3A_218 : memref<1x128x8xf32, #tpu.memory_space<vmem>> -> memref<128x8xf32, #tpu.memory_space<vmem>>
      %dma_start3A_220 = arith.constant 0 : i32
      %dma_start3A_221 = tpu.memref_slice %arg8[%add3A_214, %dma_start3A_220] : memref<80x128xi32, #tpu.memory_space<vmem>> -> memref<1x128xi32, #tpu.memory_space<vmem>>
      %dma_start3A_222 = tpu.memref_squeeze %dma_start3A_221 : memref<1x128xi32, #tpu.memory_space<vmem>> -> memref<128xi32, #tpu.memory_space<vmem>>
      %dma_start3A_223 = arith.constant 0 : i32
      %dma_start3A_224 = arith.constant 0 : i32
      %dma_start3A_225 = tpu.memref_slice %arg10[%dma_start3A_223, %dma_start3A_224] : memref<10008x8xf32, #tpu.memory_space<vmem_shared>> -> memref<10008x8xf32, #tpu.memory_space<vmem_shared>>
      tpu.enqueue_indirect_dma source(%dma_start3A_219 : memref<128x8xf32, #tpu.memory_space<vmem>>) target(%dma_start3A_225 : memref<10008x8xf32, #tpu.memory_space<vmem_shared>>) offsets(%dma_start3A_222 : memref<128xi32, #tpu.memory_space<vmem>>) semaphore(%arg21 : memref<!tpu.dma_semaphore, #tpu.memory_space<semaphore_mem>>) {add = true}
      %dma_wait3A_226 = arith.constant 3 : i32
      %dma_wait3A_227 = arith.constant 0 : i32
      %dma_wait3A_228 = arith.constant 0 : i32
      %dma_wait3A_229 = tpu.memref_slice %arg9[%dma_wait3A_226, %dma_wait3A_227, %dma_wait3A_228] : memref<10x128x8xf32, #tpu.memory_space<vmem>> -> memref<1x128x8xf32, #tpu.memory_space<vmem>>
      %dma_wait3A_230 = tpu.memref_squeeze %dma_wait3A_229 : memref<1x128x8xf32, #tpu.memory_space<vmem>> -> memref<128x8xf32, #tpu.memory_space<vmem>>
      %dma_wait3A_231 = arith.constant 0 : i32
      %dma_wait3A_232 = tpu.memref_slice %arg7[%add3A_65, %dma_wait3A_231] : memref<80x128xi32, #tpu.memory_space<vmem>> -> memref<1x128xi32, #tpu.memory_space<vmem>>
      %dma_wait3A_233 = tpu.memref_squeeze %dma_wait3A_232 : memref<1x128xi32, #tpu.memory_space<vmem>> -> memref<128xi32, #tpu.memory_space<vmem>>
      %dma_wait3A_234 = arith.constant 0 : i32
      %dma_wait3A_235 = arith.constant 0 : i32
      %dma_wait3A_236 = tpu.memref_slice %arg2[%dma_wait3A_234, %dma_wait3A_235] : memref<10000x8xf32, #tpu.memory_space<hbm>> -> memref<10000x8xf32, #tpu.memory_space<hbm>>
      tpu.wait_indirect_dma semaphore(%arg14 : memref<!tpu.dma_semaphore, #tpu.memory_space<semaphore_mem>>) src(%dma_wait3A_236 : memref<10000x8xf32, #tpu.memory_space<hbm>>) dst(%dma_wait3A_230 : memref<128x8xf32, #tpu.memory_space<vmem>>)
      %add3A_237 = arith.constant 3 : i32
      %add3A_238 = arith.addi %mul3A_25, %add3A_237 : i32
      %dma_start3A_239 = arith.constant 3 : i32
      %dma_start3A_240 = arith.constant 0 : i32
      %dma_start3A_241 = arith.constant 0 : i32
      %dma_start3A_242 = tpu.memref_slice %arg9[%dma_start3A_239, %dma_start3A_240, %dma_start3A_241] : memref<10x128x8xf32, #tpu.memory_space<vmem>> -> memref<1x128x8xf32, #tpu.memory_space<vmem>>
      %dma_start3A_243 = tpu.memref_squeeze %dma_start3A_242 : memref<1x128x8xf32, #tpu.memory_space<vmem>> -> memref<128x8xf32, #tpu.memory_space<vmem>>
      %dma_start3A_244 = arith.constant 0 : i32
      %dma_start3A_245 = tpu.memref_slice %arg8[%add3A_238, %dma_start3A_244] : memref<80x128xi32, #tpu.memory_space<vmem>> -> memref<1x128xi32, #tpu.memory_space<vmem>>
      %dma_start3A_246 = tpu.memref_squeeze %dma_start3A_245 : memref<1x128xi32, #tpu.memory_space<vmem>> -> memref<128xi32, #tpu.memory_space<vmem>>
      %dma_start3A_247 = arith.constant 0 : i32
      %dma_start3A_248 = arith.constant 0 : i32
      %dma_start3A_249 = tpu.memref_slice %arg10[%dma_start3A_247, %dma_start3A_248] : memref<10008x8xf32, #tpu.memory_space<vmem_shared>> -> memref<10008x8xf32, #tpu.memory_space<vmem_shared>>
      tpu.enqueue_indirect_dma source(%dma_start3A_243 : memref<128x8xf32, #tpu.memory_space<vmem>>) target(%dma_start3A_249 : memref<10008x8xf32, #tpu.memory_space<vmem_shared>>) offsets(%dma_start3A_246 : memref<128xi32, #tpu.memory_space<vmem>>) semaphore(%arg21 : memref<!tpu.dma_semaphore, #tpu.memory_space<semaphore_mem>>) {add = true}
      %dma_wait3A_250 = arith.constant 4 : i32
      %dma_wait3A_251 = arith.constant 0 : i32
      %dma_wait3A_252 = arith.constant 0 : i32
      %dma_wait3A_253 = tpu.memref_slice %arg9[%dma_wait3A_250, %dma_wait3A_251, %dma_wait3A_252] : memref<10x128x8xf32, #tpu.memory_space<vmem>> -> memref<1x128x8xf32, #tpu.memory_space<vmem>>
      %dma_wait3A_254 = tpu.memref_squeeze %dma_wait3A_253 : memref<1x128x8xf32, #tpu.memory_space<vmem>> -> memref<128x8xf32, #tpu.memory_space<vmem>>
      %dma_wait3A_255 = arith.constant 0 : i32
      %dma_wait3A_256 = tpu.memref_slice %arg7[%add3A_78, %dma_wait3A_255] : memref<80x128xi32, #tpu.memory_space<vmem>> -> memref<1x128xi32, #tpu.memory_space<vmem>>
      %dma_wait3A_257 = tpu.memref_squeeze %dma_wait3A_256 : memref<1x128xi32, #tpu.memory_space<vmem>> -> memref<128xi32, #tpu.memory_space<vmem>>
      %dma_wait3A_258 = arith.constant 0 : i32
      %dma_wait3A_259 = arith.constant 0 : i32
      %dma_wait3A_260 = tpu.memref_slice %arg2[%dma_wait3A_258, %dma_wait3A_259] : memref<10000x8xf32, #tpu.memory_space<hbm>> -> memref<10000x8xf32, #tpu.memory_space<hbm>>
      tpu.wait_indirect_dma semaphore(%arg15 : memref<!tpu.dma_semaphore, #tpu.memory_space<semaphore_mem>>) src(%dma_wait3A_260 : memref<10000x8xf32, #tpu.memory_space<hbm>>) dst(%dma_wait3A_254 : memref<128x8xf32, #tpu.memory_space<vmem>>)
      %add3A_261 = arith.constant 4 : i32
      %add3A_262 = arith.addi %mul3A_25, %add3A_261 : i32
      %dma_start3A_263 = arith.constant 4 : i32
      %dma_start3A_264 = arith.constant 0 : i32
      %dma_start3A_265 = arith.constant 0 : i32
      %dma_start3A_266 = tpu.memref_slice %arg9[%dma_start3A_263, %dma_start3A_264, %dma_start3A_265] : memref<10x128x8xf32, #tpu.memory_space<vmem>> -> memref<1x128x8xf32, #tpu.memory_space<vmem>>
      %dma_start3A_267 = tpu.memref_squeeze %dma_start3A_266 : memref<1x128x8xf32, #tpu.memory_space<vmem>> -> memref<128x8xf32, #tpu.memory_space<vmem>>
      %dma_start3A_268 = arith.constant 0 : i32
      %dma_start3A_269 = tpu.memref_slice %arg8[%add3A_262, %dma_start3A_268] : memref<80x128xi32, #tpu.memory_space<vmem>> -> memref<1x128xi32, #tpu.memory_space<vmem>>
      %dma_start3A_270 = tpu.memref_squeeze %dma_start3A_269 : memref<1x128xi32, #tpu.memory_space<vmem>> -> memref<128xi32, #tpu.memory_space<vmem>>
      %dma_start3A_271 = arith.constant 0 : i32
      %dma_start3A_272 = arith.constant 0 : i32
      %dma_start3A_273 = tpu.memref_slice %arg10[%dma_start3A_271, %dma_start3A_272] : memref<10008x8xf32, #tpu.memory_space<vmem_shared>> -> memref<10008x8xf32, #tpu.memory_space<vmem_shared>>
      tpu.enqueue_indirect_dma source(%dma_start3A_267 : memref<128x8xf32, #tpu.memory_space<vmem>>) target(%dma_start3A_273 : memref<10008x8xf32, #tpu.memory_space<vmem_shared>>) offsets(%dma_start3A_270 : memref<128xi32, #tpu.memory_space<vmem>>) semaphore(%arg21 : memref<!tpu.dma_semaphore, #tpu.memory_space<semaphore_mem>>) {add = true}
      %dma_wait3A_274 = arith.constant 5 : i32
      %dma_wait3A_275 = arith.constant 0 : i32
      %dma_wait3A_276 = arith.constant 0 : i32
      %dma_wait3A_277 = tpu.memref_slice %arg9[%dma_wait3A_274, %dma_wait3A_275, %dma_wait3A_276] : memref<10x128x8xf32, #tpu.memory_space<vmem>> -> memref<1x128x8xf32, #tpu.memory_space<vmem>>
      %dma_wait3A_278 = tpu.memref_squeeze %dma_wait3A_277 : memref<1x128x8xf32, #tpu.memory_space<vmem>> -> memref<128x8xf32, #tpu.memory_space<vmem>>
      %dma_wait3A_279 = arith.constant 0 : i32
      %dma_wait3A_280 = tpu.memref_slice %arg7[%add3A_91, %dma_wait3A_279] : memref<80x128xi32, #tpu.memory_space<vmem>> -> memref<1x128xi32, #tpu.memory_space<vmem>>
      %dma_wait3A_281 = tpu.memref_squeeze %dma_wait3A_280 : memref<1x128xi32, #tpu.memory_space<vmem>> -> memref<128xi32, #tpu.memory_space<vmem>>
      %dma_wait3A_282 = arith.constant 0 : i32
      %dma_wait3A_283 = arith.constant 0 : i32
      %dma_wait3A_284 = tpu.memref_slice %arg2[%dma_wait3A_282, %dma_wait3A_283] : memref<10000x8xf32, #tpu.memory_space<hbm>> -> memref<10000x8xf32, #tpu.memory_space<hbm>>
      tpu.wait_indirect_dma semaphore(%arg16 : memref<!tpu.dma_semaphore, #tpu.memory_space<semaphore_mem>>) src(%dma_wait3A_284 : memref<10000x8xf32, #tpu.memory_space<hbm>>) dst(%dma_wait3A_278 : memref<128x8xf32, #tpu.memory_space<vmem>>)
      %add3A_285 = arith.constant 5 : i32
      %add3A_286 = arith.addi %mul3A_25, %add3A_285 : i32
      %dma_start3A_287 = arith.constant 5 : i32
      %dma_start3A_288 = arith.constant 0 : i32
      %dma_start3A_289 = arith.constant 0 : i32
      %dma_start3A_290 = tpu.memref_slice %arg9[%dma_start3A_287, %dma_start3A_288, %dma_start3A_289] : memref<10x128x8xf32, #tpu.memory_space<vmem>> -> memref<1x128x8xf32, #tpu.memory_space<vmem>>
      %dma_start3A_291 = tpu.memref_squeeze %dma_start3A_290 : memref<1x128x8xf32, #tpu.memory_space<vmem>> -> memref<128x8xf32, #tpu.memory_space<vmem>>
      %dma_start3A_292 = arith.constant 0 : i32
      %dma_start3A_293 = tpu.memref_slice %arg8[%add3A_286, %dma_start3A_292] : memref<80x128xi32, #tpu.memory_space<vmem>> -> memref<1x128xi32, #tpu.memory_space<vmem>>
      %dma_start3A_294 = tpu.memref_squeeze %dma_start3A_293 : memref<1x128xi32, #tpu.memory_space<vmem>> -> memref<128xi32, #tpu.memory_space<vmem>>
      %dma_start3A_295 = arith.constant 0 : i32
      %dma_start3A_296 = arith.constant 0 : i32
      %dma_start3A_297 = tpu.memref_slice %arg10[%dma_start3A_295, %dma_start3A_296] : memref<10008x8xf32, #tpu.memory_space<vmem_shared>> -> memref<10008x8xf32, #tpu.memory_space<vmem_shared>>
      tpu.enqueue_indirect_dma source(%dma_start3A_291 : memref<128x8xf32, #tpu.memory_space<vmem>>) target(%dma_start3A_297 : memref<10008x8xf32, #tpu.memory_space<vmem_shared>>) offsets(%dma_start3A_294 : memref<128xi32, #tpu.memory_space<vmem>>) semaphore(%arg21 : memref<!tpu.dma_semaphore, #tpu.memory_space<semaphore_mem>>) {add = true}
      %dma_wait3A_298 = arith.constant 6 : i32
      %dma_wait3A_299 = arith.constant 0 : i32
      %dma_wait3A_300 = arith.constant 0 : i32
      %dma_wait3A_301 = tpu.memref_slice %arg9[%dma_wait3A_298, %dma_wait3A_299, %dma_wait3A_300] : memref<10x128x8xf32, #tpu.memory_space<vmem>> -> memref<1x128x8xf32, #tpu.memory_space<vmem>>
      %dma_wait3A_302 = tpu.memref_squeeze %dma_wait3A_301 : memref<1x128x8xf32, #tpu.memory_space<vmem>> -> memref<128x8xf32, #tpu.memory_space<vmem>>
      %dma_wait3A_303 = arith.constant 0 : i32
      %dma_wait3A_304 = tpu.memref_slice %arg7[%add3A_104, %dma_wait3A_303] : memref<80x128xi32, #tpu.memory_space<vmem>> -> memref<1x128xi32, #tpu.memory_space<vmem>>
      %dma_wait3A_305 = tpu.memref_squeeze %dma_wait3A_304 : memref<1x128xi32, #tpu.memory_space<vmem>> -> memref<128xi32, #tpu.memory_space<vmem>>
      %dma_wait3A_306 = arith.constant 0 : i32
      %dma_wait3A_307 = arith.constant 0 : i32
      %dma_wait3A_308 = tpu.memref_slice %arg2[%dma_wait3A_306, %dma_wait3A_307] : memref<10000x8xf32, #tpu.memory_space<hbm>> -> memref<10000x8xf32, #tpu.memory_space<hbm>>
      tpu.wait_indirect_dma semaphore(%arg17 : memref<!tpu.dma_semaphore, #tpu.memory_space<semaphore_mem>>) src(%dma_wait3A_308 : memref<10000x8xf32, #tpu.memory_space<hbm>>) dst(%dma_wait3A_302 : memref<128x8xf32, #tpu.memory_space<vmem>>)
      %add3A_309 = arith.constant 6 : i32
      %add3A_310 = arith.addi %mul3A_25, %add3A_309 : i32
      %dma_start3A_311 = arith.constant 6 : i32
      %dma_start3A_312 = arith.constant 0 : i32
      %dma_start3A_313 = arith.constant 0 : i32
      %dma_start3A_314 = tpu.memref_slice %arg9[%dma_start3A_311, %dma_start3A_312, %dma_start3A_313] : memref<10x128x8xf32, #tpu.memory_space<vmem>> -> memref<1x128x8xf32, #tpu.memory_space<vmem>>
      %dma_start3A_315 = tpu.memref_squeeze %dma_start3A_314 : memref<1x128x8xf32, #tpu.memory_space<vmem>> -> memref<128x8xf32, #tpu.memory_space<vmem>>
      %dma_start3A_316 = arith.constant 0 : i32
      %dma_start3A_317 = tpu.memref_slice %arg8[%add3A_310, %dma_start3A_316] : memref<80x128xi32, #tpu.memory_space<vmem>> -> memref<1x128xi32, #tpu.memory_space<vmem>>
      %dma_start3A_318 = tpu.memref_squeeze %dma_start3A_317 : memref<1x128xi32, #tpu.memory_space<vmem>> -> memref<128xi32, #tpu.memory_space<vmem>>
      %dma_start3A_319 = arith.constant 0 : i32
      %dma_start3A_320 = arith.constant 0 : i32
      %dma_start3A_321 = tpu.memref_slice %arg10[%dma_start3A_319, %dma_start3A_320] : memref<10008x8xf32, #tpu.memory_space<vmem_shared>> -> memref<10008x8xf32, #tpu.memory_space<vmem_shared>>
      tpu.enqueue_indirect_dma source(%dma_start3A_315 : memref<128x8xf32, #tpu.memory_space<vmem>>) target(%dma_start3A_321 : memref<10008x8xf32, #tpu.memory_space<vmem_shared>>) offsets(%dma_start3A_318 : memref<128xi32, #tpu.memory_space<vmem>>) semaphore(%arg21 : memref<!tpu.dma_semaphore, #tpu.memory_space<semaphore_mem>>) {add = true}
      %dma_wait3A_322 = arith.constant 7 : i32
      %dma_wait3A_323 = arith.constant 0 : i32
      %dma_wait3A_324 = arith.constant 0 : i32
      %dma_wait3A_325 = tpu.memref_slice %arg9[%dma_wait3A_322, %dma_wait3A_323, %dma_wait3A_324] : memref<10x128x8xf32, #tpu.memory_space<vmem>> -> memref<1x128x8xf32, #tpu.memory_space<vmem>>
      %dma_wait3A_326 = tpu.memref_squeeze %dma_wait3A_325 : memref<1x128x8xf32, #tpu.memory_space<vmem>> -> memref<128x8xf32, #tpu.memory_space<vmem>>
      %dma_wait3A_327 = arith.constant 0 : i32
      %dma_wait3A_328 = tpu.memref_slice %arg7[%add3A_117, %dma_wait3A_327] : memref<80x128xi32, #tpu.memory_space<vmem>> -> memref<1x128xi32, #tpu.memory_space<vmem>>
      %dma_wait3A_329 = tpu.memref_squeeze %dma_wait3A_328 : memref<1x128xi32, #tpu.memory_space<vmem>> -> memref<128xi32, #tpu.memory_space<vmem>>
      %dma_wait3A_330 = arith.constant 0 : i32
      %dma_wait3A_331 = arith.constant 0 : i32
      %dma_wait3A_332 = tpu.memref_slice %arg2[%dma_wait3A_330, %dma_wait3A_331] : memref<10000x8xf32, #tpu.memory_space<hbm>> -> memref<10000x8xf32, #tpu.memory_space<hbm>>
      tpu.wait_indirect_dma semaphore(%arg18 : memref<!tpu.dma_semaphore, #tpu.memory_space<semaphore_mem>>) src(%dma_wait3A_332 : memref<10000x8xf32, #tpu.memory_space<hbm>>) dst(%dma_wait3A_326 : memref<128x8xf32, #tpu.memory_space<vmem>>)
      %add3A_333 = arith.constant 7 : i32
      %add3A_334 = arith.addi %mul3A_25, %add3A_333 : i32
      %dma_start3A_335 = arith.constant 7 : i32
      %dma_start3A_336 = arith.constant 0 : i32
      %dma_start3A_337 = arith.constant 0 : i32
      %dma_start3A_338 = tpu.memref_slice %arg9[%dma_start3A_335, %dma_start3A_336, %dma_start3A_337] : memref<10x128x8xf32, #tpu.memory_space<vmem>> -> memref<1x128x8xf32, #tpu.memory_space<vmem>>
      %dma_start3A_339 = tpu.memref_squeeze %dma_start3A_338 : memref<1x128x8xf32, #tpu.memory_space<vmem>> -> memref<128x8xf32, #tpu.memory_space<vmem>>
      %dma_start3A_340 = arith.constant 0 : i32
      %dma_start3A_341 = tpu.memref_slice %arg8[%add3A_334, %dma_start3A_340] : memref<80x128xi32, #tpu.memory_space<vmem>> -> memref<1x128xi32, #tpu.memory_space<vmem>>
      %dma_start3A_342 = tpu.memref_squeeze %dma_start3A_341 : memref<1x128xi32, #tpu.memory_space<vmem>> -> memref<128xi32, #tpu.memory_space<vmem>>
      %dma_start3A_343 = arith.constant 0 : i32
      %dma_start3A_344 = arith.constant 0 : i32
      %dma_start3A_345 = tpu.memref_slice %arg10[%dma_start3A_343, %dma_start3A_344] : memref<10008x8xf32, #tpu.memory_space<vmem_shared>> -> memref<10008x8xf32, #tpu.memory_space<vmem_shared>>
      tpu.enqueue_indirect_dma source(%dma_start3A_339 : memref<128x8xf32, #tpu.memory_space<vmem>>) target(%dma_start3A_345 : memref<10008x8xf32, #tpu.memory_space<vmem_shared>>) offsets(%dma_start3A_342 : memref<128xi32, #tpu.memory_space<vmem>>) semaphore(%arg21 : memref<!tpu.dma_semaphore, #tpu.memory_space<semaphore_mem>>) {add = true}
      %dma_wait3A_346 = arith.constant 8 : i32
      %dma_wait3A_347 = arith.constant 0 : i32
      %dma_wait3A_348 = arith.constant 0 : i32
      %dma_wait3A_349 = tpu.memref_slice %arg9[%dma_wait3A_346, %dma_wait3A_347, %dma_wait3A_348] : memref<10x128x8xf32, #tpu.memory_space<vmem>> -> memref<1x128x8xf32, #tpu.memory_space<vmem>>
      %dma_wait3A_350 = tpu.memref_squeeze %dma_wait3A_349 : memref<1x128x8xf32, #tpu.memory_space<vmem>> -> memref<128x8xf32, #tpu.memory_space<vmem>>
      %dma_wait3A_351 = arith.constant 0 : i32
      %dma_wait3A_352 = tpu.memref_slice %arg7[%add3A_130, %dma_wait3A_351] : memref<80x128xi32, #tpu.memory_space<vmem>> -> memref<1x128xi32, #tpu.memory_space<vmem>>
      %dma_wait3A_353 = tpu.memref_squeeze %dma_wait3A_352 : memref<1x128xi32, #tpu.memory_space<vmem>> -> memref<128xi32, #tpu.memory_space<vmem>>
      %dma_wait3A_354 = arith.constant 0 : i32
      %dma_wait3A_355 = arith.constant 0 : i32
      %dma_wait3A_356 = tpu.memref_slice %arg2[%dma_wait3A_354, %dma_wait3A_355] : memref<10000x8xf32, #tpu.memory_space<hbm>> -> memref<10000x8xf32, #tpu.memory_space<hbm>>
      tpu.wait_indirect_dma semaphore(%arg19 : memref<!tpu.dma_semaphore, #tpu.memory_space<semaphore_mem>>) src(%dma_wait3A_356 : memref<10000x8xf32, #tpu.memory_space<hbm>>) dst(%dma_wait3A_350 : memref<128x8xf32, #tpu.memory_space<vmem>>)
      %add3A_357 = arith.constant 8 : i32
      %add3A_358 = arith.addi %mul3A_25, %add3A_357 : i32
      %dma_start3A_359 = arith.constant 8 : i32
      %dma_start3A_360 = arith.constant 0 : i32
      %dma_start3A_361 = arith.constant 0 : i32
      %dma_start3A_362 = tpu.memref_slice %arg9[%dma_start3A_359, %dma_start3A_360, %dma_start3A_361] : memref<10x128x8xf32, #tpu.memory_space<vmem>> -> memref<1x128x8xf32, #tpu.memory_space<vmem>>
      %dma_start3A_363 = tpu.memref_squeeze %dma_start3A_362 : memref<1x128x8xf32, #tpu.memory_space<vmem>> -> memref<128x8xf32, #tpu.memory_space<vmem>>
      %dma_start3A_364 = arith.constant 0 : i32
      %dma_start3A_365 = tpu.memref_slice %arg8[%add3A_358, %dma_start3A_364] : memref<80x128xi32, #tpu.memory_space<vmem>> -> memref<1x128xi32, #tpu.memory_space<vmem>>
      %dma_start3A_366 = tpu.memref_squeeze %dma_start3A_365 : memref<1x128xi32, #tpu.memory_space<vmem>> -> memref<128xi32, #tpu.memory_space<vmem>>
      %dma_start3A_367 = arith.constant 0 : i32
      %dma_start3A_368 = arith.constant 0 : i32
      %dma_start3A_369 = tpu.memref_slice %arg10[%dma_start3A_367, %dma_start3A_368] : memref<10008x8xf32, #tpu.memory_space<vmem_shared>> -> memref<10008x8xf32, #tpu.memory_space<vmem_shared>>
      tpu.enqueue_indirect_dma source(%dma_start3A_363 : memref<128x8xf32, #tpu.memory_space<vmem>>) target(%dma_start3A_369 : memref<10008x8xf32, #tpu.memory_space<vmem_shared>>) offsets(%dma_start3A_366 : memref<128xi32, #tpu.memory_space<vmem>>) semaphore(%arg21 : memref<!tpu.dma_semaphore, #tpu.memory_space<semaphore_mem>>) {add = true}
      %dma_wait3A_370 = arith.constant 9 : i32
      %dma_wait3A_371 = arith.constant 0 : i32
      %dma_wait3A_372 = arith.constant 0 : i32
      %dma_wait3A_373 = tpu.memref_slice %arg9[%dma_wait3A_370, %dma_wait3A_371, %dma_wait3A_372] : memref<10x128x8xf32, #tpu.memory_space<vmem>> -> memref<1x128x8xf32, #tpu.memory_space<vmem>>
      %dma_wait3A_374 = tpu.memref_squeeze %dma_wait3A_373 : memref<1x128x8xf32, #tpu.memory_space<vmem>> -> memref<128x8xf32, #tpu.memory_space<vmem>>
      %dma_wait3A_375 = arith.constant 0 : i32
      %dma_wait3A_376 = tpu.memref_slice %arg7[%add3A_143, %dma_wait3A_375] : memref<80x128xi32, #tpu.memory_space<vmem>> -> memref<1x128xi32, #tpu.memory_space<vmem>>
      %dma_wait3A_377 = tpu.memref_squeeze %dma_wait3A_376 : memref<1x128xi32, #tpu.memory_space<vmem>> -> memref<128xi32, #tpu.memory_space<vmem>>
      %dma_wait3A_378 = arith.constant 0 : i32
      %dma_wait3A_379 = arith.constant 0 : i32
      %dma_wait3A_380 = tpu.memref_slice %arg2[%dma_wait3A_378, %dma_wait3A_379] : memref<10000x8xf32, #tpu.memory_space<hbm>> -> memref<10000x8xf32, #tpu.memory_space<hbm>>
      tpu.wait_indirect_dma semaphore(%arg20 : memref<!tpu.dma_semaphore, #tpu.memory_space<semaphore_mem>>) src(%dma_wait3A_380 : memref<10000x8xf32, #tpu.memory_space<hbm>>) dst(%dma_wait3A_374 : memref<128x8xf32, #tpu.memory_space<vmem>>)
      %add3A_381 = arith.constant 9 : i32
      %add3A_382 = arith.addi %mul3A_25, %add3A_381 : i32
      %dma_start3A_383 = arith.constant 9 : i32
      %dma_start3A_384 = arith.constant 0 : i32
      %dma_start3A_385 = arith.constant 0 : i32
      %dma_start3A_386 = tpu.memref_slice %arg9[%dma_start3A_383, %dma_start3A_384, %dma_start3A_385] : memref<10x128x8xf32, #tpu.memory_space<vmem>> -> memref<1x128x8xf32, #tpu.memory_space<vmem>>
      %dma_start3A_387 = tpu.memref_squeeze %dma_start3A_386 : memref<1x128x8xf32, #tpu.memory_space<vmem>> -> memref<128x8xf32, #tpu.memory_space<vmem>>
      %dma_start3A_388 = arith.constant 0 : i32
      %dma_start3A_389 = tpu.memref_slice %arg8[%add3A_382, %dma_start3A_388] : memref<80x128xi32, #tpu.memory_space<vmem>> -> memref<1x128xi32, #tpu.memory_space<vmem>>
      %dma_start3A_390 = tpu.memref_squeeze %dma_start3A_389 : memref<1x128xi32, #tpu.memory_space<vmem>> -> memref<128xi32, #tpu.memory_space<vmem>>
      %dma_start3A_391 = arith.constant 0 : i32
      %dma_start3A_392 = arith.constant 0 : i32
      %dma_start3A_393 = tpu.memref_slice %arg10[%dma_start3A_391, %dma_start3A_392] : memref<10008x8xf32, #tpu.memory_space<vmem_shared>> -> memref<10008x8xf32, #tpu.memory_space<vmem_shared>>
      tpu.enqueue_indirect_dma source(%dma_start3A_387 : memref<128x8xf32, #tpu.memory_space<vmem>>) target(%dma_start3A_393 : memref<10008x8xf32, #tpu.memory_space<vmem_shared>>) offsets(%dma_start3A_390 : memref<128xi32, #tpu.memory_space<vmem>>) semaphore(%arg21 : memref<!tpu.dma_semaphore, #tpu.memory_space<semaphore_mem>>) {add = true}
      %dma_wait3A_394 = arith.constant 0 : i32
      %dma_wait3A_395 = arith.constant 0 : i32
      %dma_wait3A_396 = arith.constant 0 : i32
      %dma_wait3A_397 = tpu.memref_slice %arg9[%dma_wait3A_394, %dma_wait3A_395, %dma_wait3A_396] : memref<10x128x8xf32, #tpu.memory_space<vmem>> -> memref<1x128x8xf32, #tpu.memory_space<vmem>>
      %dma_wait3A_398 = tpu.memref_squeeze %dma_wait3A_397 : memref<1x128x8xf32, #tpu.memory_space<vmem>> -> memref<128x8xf32, #tpu.memory_space<vmem>>
      %dma_wait3A_399 = arith.constant 0 : i32
      %dma_wait3A_400 = tpu.memref_slice %arg8[%add3A_166, %dma_wait3A_399] : memref<80x128xi32, #tpu.memory_space<vmem>> -> memref<1x128xi32, #tpu.memory_space<vmem>>
      %dma_wait3A_401 = tpu.memref_squeeze %dma_wait3A_400 : memref<1x128xi32, #tpu.memory_space<vmem>> -> memref<128xi32, #tpu.memory_space<vmem>>
      %dma_wait3A_402 = arith.constant 0 : i32
      %dma_wait3A_403 = arith.constant 0 : i32
      %dma_wait3A_404 = tpu.memref_slice %arg10[%dma_wait3A_402, %dma_wait3A_403] : memref<10008x8xf32, #tpu.memory_space<vmem_shared>> -> memref<10008x8xf32, #tpu.memory_space<vmem_shared>>
      tpu.wait_indirect_dma semaphore(%arg21 : memref<!tpu.dma_semaphore, #tpu.memory_space<semaphore_mem>>) src(%dma_wait3A_398 : memref<128x8xf32, #tpu.memory_space<vmem>>) dst(%dma_wait3A_404 : memref<10008x8xf32, #tpu.memory_space<vmem_shared>>)
      %dma_wait3A_405 = arith.constant 1 : i32
      %dma_wait3A_406 = arith.constant 0 : i32
      %dma_wait3A_407 = arith.constant 0 : i32
      %dma_wait3A_408 = tpu.memref_slice %arg9[%dma_wait3A_405, %dma_wait3A_406, %dma_wait3A_407] : memref<10x128x8xf32, #tpu.memory_space<vmem>> -> memref<1x128x8xf32, #tpu.memory_space<vmem>>
      %dma_wait3A_409 = tpu.memref_squeeze %dma_wait3A_408 : memref<1x128x8xf32, #tpu.memory_space<vmem>> -> memref<128x8xf32, #tpu.memory_space<vmem>>
      %dma_wait3A_410 = arith.constant 0 : i32
      %dma_wait3A_411 = tpu.memref_slice %arg8[%add3A_190, %dma_wait3A_410] : memref<80x128xi32, #tpu.memory_space<vmem>> -> memref<1x128xi32, #tpu.memory_space<vmem>>
      %dma_wait3A_412 = tpu.memref_squeeze %dma_wait3A_411 : memref<1x128xi32, #tpu.memory_space<vmem>> -> memref<128xi32, #tpu.memory_space<vmem>>
      %dma_wait3A_413 = arith.constant 0 : i32
      %dma_wait3A_414 = arith.constant 0 : i32
      %dma_wait3A_415 = tpu.memref_slice %arg10[%dma_wait3A_413, %dma_wait3A_414] : memref<10008x8xf32, #tpu.memory_space<vmem_shared>> -> memref<10008x8xf32, #tpu.memory_space<vmem_shared>>
      tpu.wait_indirect_dma semaphore(%arg21 : memref<!tpu.dma_semaphore, #tpu.memory_space<semaphore_mem>>) src(%dma_wait3A_409 : memref<128x8xf32, #tpu.memory_space<vmem>>) dst(%dma_wait3A_415 : memref<10008x8xf32, #tpu.memory_space<vmem_shared>>)
      %dma_wait3A_416 = arith.constant 2 : i32
      %dma_wait3A_417 = arith.constant 0 : i32
      %dma_wait3A_418 = arith.constant 0 : i32
      %dma_wait3A_419 = tpu.memref_slice %arg9[%dma_wait3A_416, %dma_wait3A_417, %dma_wait3A_418] : memref<10x128x8xf32, #tpu.memory_space<vmem>> -> memref<1x128x8xf32, #tpu.memory_space<vmem>>
      %dma_wait3A_420 = tpu.memref_squeeze %dma_wait3A_419 : memref<1x128x8xf32, #tpu.memory_space<vmem>> -> memref<128x8xf32, #tpu.memory_space<vmem>>
      %dma_wait3A_421 = arith.constant 0 : i32
      %dma_wait3A_422 = tpu.memref_slice %arg8[%add3A_214, %dma_wait3A_421] : memref<80x128xi32, #tpu.memory_space<vmem>> -> memref<1x128xi32, #tpu.memory_space<vmem>>
      %dma_wait3A_423 = tpu.memref_squeeze %dma_wait3A_422 : memref<1x128xi32, #tpu.memory_space<vmem>> -> memref<128xi32, #tpu.memory_space<vmem>>
      %dma_wait3A_424 = arith.constant 0 : i32
      %dma_wait3A_425 = arith.constant 0 : i32
      %dma_wait3A_426 = tpu.memref_slice %arg10[%dma_wait3A_424, %dma_wait3A_425] : memref<10008x8xf32, #tpu.memory_space<vmem_shared>> -> memref<10008x8xf32, #tpu.memory_space<vmem_shared>>
      tpu.wait_indirect_dma semaphore(%arg21 : memref<!tpu.dma_semaphore, #tpu.memory_space<semaphore_mem>>) src(%dma_wait3A_420 : memref<128x8xf32, #tpu.memory_space<vmem>>) dst(%dma_wait3A_426 : memref<10008x8xf32, #tpu.memory_space<vmem_shared>>)
      %dma_wait3A_427 = arith.constant 3 : i32
      %dma_wait3A_428 = arith.constant 0 : i32
      %dma_wait3A_429 = arith.constant 0 : i32
      %dma_wait3A_430 = tpu.memref_slice %arg9[%dma_wait3A_427, %dma_wait3A_428, %dma_wait3A_429] : memref<10x128x8xf32, #tpu.memory_space<vmem>> -> memref<1x128x8xf32, #tpu.memory_space<vmem>>
      %dma_wait3A_431 = tpu.memref_squeeze %dma_wait3A_430 : memref<1x128x8xf32, #tpu.memory_space<vmem>> -> memref<128x8xf32, #tpu.memory_space<vmem>>
      %dma_wait3A_432 = arith.constant 0 : i32
      %dma_wait3A_433 = tpu.memref_slice %arg8[%add3A_238, %dma_wait3A_432] : memref<80x128xi32, #tpu.memory_space<vmem>> -> memref<1x128xi32, #tpu.memory_space<vmem>>
      %dma_wait3A_434 = tpu.memref_squeeze %dma_wait3A_433 : memref<1x128xi32, #tpu.memory_space<vmem>> -> memref<128xi32, #tpu.memory_space<vmem>>
      %dma_wait3A_435 = arith.constant 0 : i32
      %dma_wait3A_436 = arith.constant 0 : i32
      %dma_wait3A_437 = tpu.memref_slice %arg10[%dma_wait3A_435, %dma_wait3A_436] : memref<10008x8xf32, #tpu.memory_space<vmem_shared>> -> memref<10008x8xf32, #tpu.memory_space<vmem_shared>>
      tpu.wait_indirect_dma semaphore(%arg21 : memref<!tpu.dma_semaphore, #tpu.memory_space<semaphore_mem>>) src(%dma_wait3A_431 : memref<128x8xf32, #tpu.memory_space<vmem>>) dst(%dma_wait3A_437 : memref<10008x8xf32, #tpu.memory_space<vmem_shared>>)
      %dma_wait3A_438 = arith.constant 4 : i32
      %dma_wait3A_439 = arith.constant 0 : i32
      %dma_wait3A_440 = arith.constant 0 : i32
      %dma_wait3A_441 = tpu.memref_slice %arg9[%dma_wait3A_438, %dma_wait3A_439, %dma_wait3A_440] : memref<10x128x8xf32, #tpu.memory_space<vmem>> -> memref<1x128x8xf32, #tpu.memory_space<vmem>>
      %dma_wait3A_442 = tpu.memref_squeeze %dma_wait3A_441 : memref<1x128x8xf32, #tpu.memory_space<vmem>> -> memref<128x8xf32, #tpu.memory_space<vmem>>
      %dma_wait3A_443 = arith.constant 0 : i32
      %dma_wait3A_444 = tpu.memref_slice %arg8[%add3A_262, %dma_wait3A_443] : memref<80x128xi32, #tpu.memory_space<vmem>> -> memref<1x128xi32, #tpu.memory_space<vmem>>
      %dma_wait3A_445 = tpu.memref_squeeze %dma_wait3A_444 : memref<1x128xi32, #tpu.memory_space<vmem>> -> memref<128xi32, #tpu.memory_space<vmem>>
      %dma_wait3A_446 = arith.constant 0 : i32
      %dma_wait3A_447 = arith.constant 0 : i32
      %dma_wait3A_448 = tpu.memref_slice %arg10[%dma_wait3A_446, %dma_wait3A_447] : memref<10008x8xf32, #tpu.memory_space<vmem_shared>> -> memref<10008x8xf32, #tpu.memory_space<vmem_shared>>
      tpu.wait_indirect_dma semaphore(%arg21 : memref<!tpu.dma_semaphore, #tpu.memory_space<semaphore_mem>>) src(%dma_wait3A_442 : memref<128x8xf32, #tpu.memory_space<vmem>>) dst(%dma_wait3A_448 : memref<10008x8xf32, #tpu.memory_space<vmem_shared>>)
      %dma_wait3A_449 = arith.constant 5 : i32
      %dma_wait3A_450 = arith.constant 0 : i32
      %dma_wait3A_451 = arith.constant 0 : i32
      %dma_wait3A_452 = tpu.memref_slice %arg9[%dma_wait3A_449, %dma_wait3A_450, %dma_wait3A_451] : memref<10x128x8xf32, #tpu.memory_space<vmem>> -> memref<1x128x8xf32, #tpu.memory_space<vmem>>
      %dma_wait3A_453 = tpu.memref_squeeze %dma_wait3A_452 : memref<1x128x8xf32, #tpu.memory_space<vmem>> -> memref<128x8xf32, #tpu.memory_space<vmem>>
      %dma_wait3A_454 = arith.constant 0 : i32
      %dma_wait3A_455 = tpu.memref_slice %arg8[%add3A_286, %dma_wait3A_454] : memref<80x128xi32, #tpu.memory_space<vmem>> -> memref<1x128xi32, #tpu.memory_space<vmem>>
      %dma_wait3A_456 = tpu.memref_squeeze %dma_wait3A_455 : memref<1x128xi32, #tpu.memory_space<vmem>> -> memref<128xi32, #tpu.memory_space<vmem>>
      %dma_wait3A_457 = arith.constant 0 : i32
      %dma_wait3A_458 = arith.constant 0 : i32
      %dma_wait3A_459 = tpu.memref_slice %arg10[%dma_wait3A_457, %dma_wait3A_458] : memref<10008x8xf32, #tpu.memory_space<vmem_shared>> -> memref<10008x8xf32, #tpu.memory_space<vmem_shared>>
      tpu.wait_indirect_dma semaphore(%arg21 : memref<!tpu.dma_semaphore, #tpu.memory_space<semaphore_mem>>) src(%dma_wait3A_453 : memref<128x8xf32, #tpu.memory_space<vmem>>) dst(%dma_wait3A_459 : memref<10008x8xf32, #tpu.memory_space<vmem_shared>>)
      %dma_wait3A_460 = arith.constant 6 : i32
      %dma_wait3A_461 = arith.constant 0 : i32
      %dma_wait3A_462 = arith.constant 0 : i32
      %dma_wait3A_463 = tpu.memref_slice %arg9[%dma_wait3A_460, %dma_wait3A_461, %dma_wait3A_462] : memref<10x128x8xf32, #tpu.memory_space<vmem>> -> memref<1x128x8xf32, #tpu.memory_space<vmem>>
      %dma_wait3A_464 = tpu.memref_squeeze %dma_wait3A_463 : memref<1x128x8xf32, #tpu.memory_space<vmem>> -> memref<128x8xf32, #tpu.memory_space<vmem>>
      %dma_wait3A_465 = arith.constant 0 : i32
      %dma_wait3A_466 = tpu.memref_slice %arg8[%add3A_310, %dma_wait3A_465] : memref<80x128xi32, #tpu.memory_space<vmem>> -> memref<1x128xi32, #tpu.memory_space<vmem>>
      %dma_wait3A_467 = tpu.memref_squeeze %dma_wait3A_466 : memref<1x128xi32, #tpu.memory_space<vmem>> -> memref<128xi32, #tpu.memory_space<vmem>>
      %dma_wait3A_468 = arith.constant 0 : i32
      %dma_wait3A_469 = arith.constant 0 : i32
      %dma_wait3A_470 = tpu.memref_slice %arg10[%dma_wait3A_468, %dma_wait3A_469] : memref<10008x8xf32, #tpu.memory_space<vmem_shared>> -> memref<10008x8xf32, #tpu.memory_space<vmem_shared>>
      tpu.wait_indirect_dma semaphore(%arg21 : memref<!tpu.dma_semaphore, #tpu.memory_space<semaphore_mem>>) src(%dma_wait3A_464 : memref<128x8xf32, #tpu.memory_space<vmem>>) dst(%dma_wait3A_470 : memref<10008x8xf32, #tpu.memory_space<vmem_shared>>)
      %dma_wait3A_471 = arith.constant 7 : i32
      %dma_wait3A_472 = arith.constant 0 : i32
      %dma_wait3A_473 = arith.constant 0 : i32
      %dma_wait3A_474 = tpu.memref_slice %arg9[%dma_wait3A_471, %dma_wait3A_472, %dma_wait3A_473] : memref<10x128x8xf32, #tpu.memory_space<vmem>> -> memref<1x128x8xf32, #tpu.memory_space<vmem>>
      %dma_wait3A_475 = tpu.memref_squeeze %dma_wait3A_474 : memref<1x128x8xf32, #tpu.memory_space<vmem>> -> memref<128x8xf32, #tpu.memory_space<vmem>>
      %dma_wait3A_476 = arith.constant 0 : i32
      %dma_wait3A_477 = tpu.memref_slice %arg8[%add3A_334, %dma_wait3A_476] : memref<80x128xi32, #tpu.memory_space<vmem>> -> memref<1x128xi32, #tpu.memory_space<vmem>>
      %dma_wait3A_478 = tpu.memref_squeeze %dma_wait3A_477 : memref<1x128xi32, #tpu.memory_space<vmem>> -> memref<128xi32, #tpu.memory_space<vmem>>
      %dma_wait3A_479 = arith.constant 0 : i32
      %dma_wait3A_480 = arith.constant 0 : i32
      %dma_wait3A_481 = tpu.memref_slice %arg10[%dma_wait3A_479, %dma_wait3A_480] : memref<10008x8xf32, #tpu.memory_space<vmem_shared>> -> memref<10008x8xf32, #tpu.memory_space<vmem_shared>>
      tpu.wait_indirect_dma semaphore(%arg21 : memref<!tpu.dma_semaphore, #tpu.memory_space<semaphore_mem>>) src(%dma_wait3A_475 : memref<128x8xf32, #tpu.memory_space<vmem>>) dst(%dma_wait3A_481 : memref<10008x8xf32, #tpu.memory_space<vmem_shared>>)
      %dma_wait3A_482 = arith.constant 8 : i32
      %dma_wait3A_483 = arith.constant 0 : i32
      %dma_wait3A_484 = arith.constant 0 : i32
      %dma_wait3A_485 = tpu.memref_slice %arg9[%dma_wait3A_482, %dma_wait3A_483, %dma_wait3A_484] : memref<10x128x8xf32, #tpu.memory_space<vmem>> -> memref<1x128x8xf32, #tpu.memory_space<vmem>>
      %dma_wait3A_486 = tpu.memref_squeeze %dma_wait3A_485 : memref<1x128x8xf32, #tpu.memory_space<vmem>> -> memref<128x8xf32, #tpu.memory_space<vmem>>
      %dma_wait3A_487 = arith.constant 0 : i32
      %dma_wait3A_488 = tpu.memref_slice %arg8[%add3A_358, %dma_wait3A_487] : memref<80x128xi32, #tpu.memory_space<vmem>> -> memref<1x128xi32, #tpu.memory_space<vmem>>
      %dma_wait3A_489 = tpu.memref_squeeze %dma_wait3A_488 : memref<1x128xi32, #tpu.memory_space<vmem>> -> memref<128xi32, #tpu.memory_space<vmem>>
      %dma_wait3A_490 = arith.constant 0 : i32
      %dma_wait3A_491 = arith.constant 0 : i32
      %dma_wait3A_492 = tpu.memref_slice %arg10[%dma_wait3A_490, %dma_wait3A_491] : memref<10008x8xf32, #tpu.memory_space<vmem_shared>> -> memref<10008x8xf32, #tpu.memory_space<vmem_shared>>
      tpu.wait_indirect_dma semaphore(%arg21 : memref<!tpu.dma_semaphore, #tpu.memory_space<semaphore_mem>>) src(%dma_wait3A_486 : memref<128x8xf32, #tpu.memory_space<vmem>>) dst(%dma_wait3A_492 : memref<10008x8xf32, #tpu.memory_space<vmem_shared>>)
      %dma_wait3A_493 = arith.constant 9 : i32
      %dma_wait3A_494 = arith.constant 0 : i32
      %dma_wait3A_495 = arith.constant 0 : i32
      %dma_wait3A_496 = tpu.memref_slice %arg9[%dma_wait3A_493, %dma_wait3A_494, %dma_wait3A_495] : memref<10x128x8xf32, #tpu.memory_space<vmem>> -> memref<1x128x8xf32, #tpu.memory_space<vmem>>
      %dma_wait3A_497 = tpu.memref_squeeze %dma_wait3A_496 : memref<1x128x8xf32, #tpu.memory_space<vmem>> -> memref<128x8xf32, #tpu.memory_space<vmem>>
      %dma_wait3A_498 = arith.constant 0 : i32
      %dma_wait3A_499 = tpu.memref_slice %arg8[%add3A_382, %dma_wait3A_498] : memref<80x128xi32, #tpu.memory_space<vmem>> -> memref<1x128xi32, #tpu.memory_space<vmem>>
      %dma_wait3A_500 = tpu.memref_squeeze %dma_wait3A_499 : memref<1x128xi32, #tpu.memory_space<vmem>> -> memref<128xi32, #tpu.memory_space<vmem>>
      %dma_wait3A_501 = arith.constant 0 : i32
      %dma_wait3A_502 = arith.constant 0 : i32
      %dma_wait3A_503 = tpu.memref_slice %arg10[%dma_wait3A_501, %dma_wait3A_502] : memref<10008x8xf32, #tpu.memory_space<vmem_shared>> -> memref<10008x8xf32, #tpu.memory_space<vmem_shared>>
      tpu.wait_indirect_dma semaphore(%arg21 : memref<!tpu.dma_semaphore, #tpu.memory_space<semaphore_mem>>) src(%dma_wait3A_497 : memref<128x8xf32, #tpu.memory_space<vmem>>) dst(%dma_wait3A_503 : memref<10008x8xf32, #tpu.memory_space<vmem_shared>>)
    }
    %scan3A_13 = arith.constant 8 : i32
    %barrier3A_14 = arith.constant 0 : index
    tpu.barrier barrier_id(%barrier3A_14)
    %mul3A_15 = arith.constant 10000 : i32
    %mul3A_16 = arith.muli %arg0, %mul3A_15 : i32
    %add3A_17 = arith.addi %mul3A_16, %mul3A_2 : i32
    "tpu.region"() ({
      %run_scoped3A = tpu.sem_alloc : memref<!tpu.dma_semaphore, #tpu.memory_space<semaphore_mem>>
      %dma_start3A = arith.constant 0 : i32
      %dma_start3A_23 = tpu.memref_slice %arg6[%add3A_17, %dma_start3A] : memref<20000x8xf32, #tpu.memory_space<hbm>> -> memref<624x8xf32, #tpu.memory_space<hbm>>
      %dma_start3A_24 = arith.constant 0 : i32
      %dma_start3A_25 = tpu.memref_slice %arg10[%mul3A_2, %dma_start3A_24] : memref<10008x8xf32, #tpu.memory_space<vmem_shared>> -> memref<624x8xf32, #tpu.memory_space<vmem_shared>>
      tpu.enqueue_dma source(%dma_start3A_25 : memref<624x8xf32, #tpu.memory_space<vmem_shared>>) target(%dma_start3A_23 : memref<624x8xf32, #tpu.memory_space<hbm>>) target_semaphore(%run_scoped3A : memref<!tpu.dma_semaphore, #tpu.memory_space<semaphore_mem>>)
      %dma_wait3A = arith.constant 0 : i32
      %dma_wait3A_26 = tpu.memref_slice %arg6[%add3A_17, %dma_wait3A] : memref<20000x8xf32, #tpu.memory_space<hbm>> -> memref<624x8xf32, #tpu.memory_space<hbm>>
      %dma_wait3A_27 = arith.constant 0 : i32
      %dma_wait3A_28 = tpu.memref_slice %arg10[%mul3A_2, %dma_wait3A_27] : memref<10008x8xf32, #tpu.memory_space<vmem_shared>> -> memref<624x8xf32, #tpu.memory_space<vmem_shared>>
      tpu.wait_dma2 semaphore(%run_scoped3A : memref<!tpu.dma_semaphore, #tpu.memory_space<semaphore_mem>>) src(%dma_wait3A_28 : memref<624x8xf32, #tpu.memory_space<vmem_shared>>) dst(%dma_wait3A_26 : memref<624x8xf32, #tpu.memory_space<hbm>>)
      tpu.yield
    }) : () -> ()
    %eq3A_18 = arith.constant 15 : i32
    %eq3A_19 = arith.cmpi eq, %arg1, %eq3A_18 : i32
    %convert_element_type3A_20 = arith.extui %eq3A_19 : i1 to i32
    %cond3A_21 = arith.constant 0 : i32
    %cond3A_22 = arith.cmpi ne, %convert_element_type3A_20, %cond3A_21 : i32
    scf.if %cond3A_22 {
      %mul3A_23 = arith.constant 10000 : i32
      %mul3A_24 = arith.muli %arg0, %mul3A_23 : i32
      %add3A_25 = arith.constant 9984 : i32
      %add3A_26 = arith.addi %mul3A_24, %add3A_25 : i32
      "tpu.region"() ({
        %run_scoped3A = tpu.sem_alloc : memref<!tpu.dma_semaphore, #tpu.memory_space<semaphore_mem>>
        %dma_start3A = arith.constant 0 : i32
        %dma_start3A_27 = tpu.memref_slice %arg6[%add3A_26, %dma_start3A] : memref<20000x8xf32, #tpu.memory_space<hbm>> -> memref<16x8xf32, #tpu.memory_space<hbm>>
        %dma_start3A_28 = arith.constant 9984 : i32
        %dma_start3A_29 = arith.constant 0 : i32
        %dma_start3A_30 = tpu.memref_slice %arg10[%dma_start3A_28, %dma_start3A_29] : memref<10008x8xf32, #tpu.memory_space<vmem_shared>> -> memref<16x8xf32, #tpu.memory_space<vmem_shared>>
        tpu.enqueue_dma source(%dma_start3A_30 : memref<16x8xf32, #tpu.memory_space<vmem_shared>>) target(%dma_start3A_27 : memref<16x8xf32, #tpu.memory_space<hbm>>) target_semaphore(%run_scoped3A : memref<!tpu.dma_semaphore, #tpu.memory_space<semaphore_mem>>)
        %dma_wait3A = arith.constant 0 : i32
        %dma_wait3A_31 = tpu.memref_slice %arg6[%add3A_26, %dma_wait3A] : memref<20000x8xf32, #tpu.memory_space<hbm>> -> memref<16x8xf32, #tpu.memory_space<hbm>>
        %dma_wait3A_32 = arith.constant 9984 : i32
        %dma_wait3A_33 = arith.constant 0 : i32
        %dma_wait3A_34 = tpu.memref_slice %arg10[%dma_wait3A_32, %dma_wait3A_33] : memref<10008x8xf32, #tpu.memory_space<vmem_shared>> -> memref<16x8xf32, #tpu.memory_space<vmem_shared>>
        tpu.wait_dma2 semaphore(%run_scoped3A : memref<!tpu.dma_semaphore, #tpu.memory_space<semaphore_mem>>) src(%dma_wait3A_34 : memref<16x8xf32, #tpu.memory_space<vmem_shared>>) dst(%dma_wait3A_31 : memref<16x8xf32, #tpu.memory_space<hbm>>)
        tpu.yield
      }) : () -> ()
    } else {
    }
    return
  }
}

module attributes {stable_mosaic.version = 14 : i64} {
  func.func @_tc_dense_body(%arg0: i32, %arg1: memref<2x1000x64xf32, #tpu.memory_space<vmem>>, %arg2: memref<2x1000x8xf32, #tpu.memory_space<vmem>>, %arg3: memref<1000x128xf32, #tpu.memory_space<vmem>>, %arg4: memref<128x128xf32, #tpu.memory_space<vmem>>, %arg5: memref<128x128xf32, #tpu.memory_space<vmem>>, %arg6: memref<128xf32, #tpu.memory_space<vmem>>, %arg7: memref<4x128xf32, #tpu.memory_space<vmem>>, %arg8: memref<4x128xf32, #tpu.memory_space<vmem>>, %arg9: memref<4xf32, #tpu.memory_space<vmem>>, %arg10: memref<2x4xf32, #tpu.memory_space<vmem>>, %arg11: memref<2xf32, #tpu.memory_space<vmem>>, %arg12: memref<1000x8xf32, #tpu.memory_space<vmem>>, %arg13: memref<1000x2xf32, #tpu.memory_space<vmem>>) attributes {dimension_semantics = [#tpu.dimension_semantics<arbitrary>], iteration_bounds = array<i64: 10>, scalar_prefetch = 0 : i64, scratch_operands = 0 : i64, tpu.core_type = #tpu.core_type<tc>, window_params = [{transform_indices = @transform_0, window_bounds = array<i64: 2, 1000, 64>}, {transform_indices = @transform_1, window_bounds = array<i64: 2, 1000, 8>}, {transform_indices = @transform_2, window_bounds = array<i64: 1000, 128>}, {pipeline_mode = #tpu.pipeline_mode<synchronous>, transform_indices = @transform_3, window_bounds = array<i64: 128, 128>}, {pipeline_mode = #tpu.pipeline_mode<synchronous>, transform_indices = @transform_4, window_bounds = array<i64: 128, 128>}, {pipeline_mode = #tpu.pipeline_mode<synchronous>, transform_indices = @transform_5, window_bounds = array<i64: 128>}, {pipeline_mode = #tpu.pipeline_mode<synchronous>, transform_indices = @transform_6, window_bounds = array<i64: 4, 128>}, {pipeline_mode = #tpu.pipeline_mode<synchronous>, transform_indices = @transform_7, window_bounds = array<i64: 4, 128>}, {pipeline_mode = #tpu.pipeline_mode<synchronous>, transform_indices = @transform_8, window_bounds = array<i64: 4>}, {pipeline_mode = #tpu.pipeline_mode<synchronous>, transform_indices = @transform_9, window_bounds = array<i64: 2, 4>}, {pipeline_mode = #tpu.pipeline_mode<synchronous>, transform_indices = @transform_10, window_bounds = array<i64: 2>}, {transform_indices = @transform_11, window_bounds = array<i64: 1000, 8>}, {transform_indices = @transform_12, window_bounds = array<i64: 1000, 2>}]} {
    %get3A = arith.constant 0 : index
    %get3A_0 = arith.constant 0 : index
    %get3A_1 = arith.constant 0 : index
    %get3A_2 = vector.load %arg1[%get3A, %get3A_0, %get3A_1] : memref<2x1000x64xf32, #tpu.memory_space<vmem>>, vector<2x1000x64xf32>
    %get3A_3 = arith.constant 0 : index
    %get3A_4 = arith.constant 0 : index
    %get3A_5 = arith.constant 0 : index
    %get3A_6 = vector.load %arg2[%get3A_3, %get3A_4, %get3A_5] : memref<2x1000x8xf32, #tpu.memory_space<vmem>>, vector<2x1000x8xf32>
    %slice3A = vector.extract_strided_slice %get3A_6 {offsets = [0, 0, 0], sizes = [1, 1000, 1], strides = [1, 1, 1]} : vector<2x1000x8xf32> to vector<1x1000x1xf32>
    %squeeze3A = vector.shape_cast %slice3A : vector<1x1000x1xf32> to vector<1000xf32>
    %slice3A_7 = vector.extract_strided_slice %get3A_6 {offsets = [1, 0, 0], sizes = [1, 1000, 1], strides = [1, 1, 1]} : vector<2x1000x8xf32> to vector<1x1000x1xf32>
    %squeeze3A_8 = vector.shape_cast %slice3A_7 : vector<1x1000x1xf32> to vector<1000xf32>
    %add3A = arith.addf %squeeze3A, %squeeze3A_8 : vector<1000xf32>
    %max3A = arith.constant 1.000000e+00 : f32
    %max3A_9 = vector.broadcast %max3A : f32 to vector<1000xf32>
    %max3A_10 = arith.maximumf %add3A, %max3A_9 : vector<1000xf32>
    %div3A = arith.constant 1.000000e+00 : f32
    %div3A_11 = vector.broadcast %div3A : f32 to vector<1000xf32>
    %div3A_12 = arith.divf %div3A_11, %max3A_10 : vector<1000xf32>
    %slice3A_13 = vector.extract_strided_slice %get3A_2 {offsets = [0, 0, 0], sizes = [1, 1000, 64], strides = [1, 1, 1]} : vector<2x1000x64xf32> to vector<1x1000x64xf32>
    %squeeze3A_14 = vector.shape_cast %slice3A_13 : vector<1x1000x64xf32> to vector<1000x64xf32>
    %slice3A_15 = vector.extract_strided_slice %get3A_2 {offsets = [1, 0, 0], sizes = [1, 1000, 64], strides = [1, 1, 1]} : vector<2x1000x64xf32> to vector<1x1000x64xf32>
    %squeeze3A_16 = vector.shape_cast %slice3A_15 : vector<1x1000x64xf32> to vector<1000x64xf32>
    %concatenate3A = tpu.concatenate %squeeze3A_14, %squeeze3A_16 in 1 : vector<1000x64xf32>, vector<1000x64xf32> -> vector<1000x128xf32>
    %broadcast_in_dim3A = vector.shape_cast %div3A_12 : vector<1000xf32> to vector<1000x1xf32>
    %mul3A = vector.broadcast %broadcast_in_dim3A : vector<1000x1xf32> to vector<1000x128xf32>
    %mul3A_17 = arith.mulf %concatenate3A, %mul3A : vector<1000x128xf32>
    %get3A_18 = arith.constant 0 : index
    %get3A_19 = arith.constant 0 : index
    %get3A_20 = vector.load %arg4[%get3A_18, %get3A_19] : memref<128x128xf32, #tpu.memory_space<vmem>>, vector<128x128xf32>
    %dot_general3A = arith.constant dense<0.000000e+00> : vector<1000x128xf32>
    %dot_general3A_21 = tpu.matmul %mul3A_17, %get3A_20, %dot_general3A {dimension_numbers = #tpu.dot_dimension_numbers<[1], [1], [0], [0], [0, 0, 1, 0], [], []>, transpose_lhs_hint = false} : vector<1000x128xf32>, vector<128x128xf32>, vector<1000x128xf32> -> vector<1000x128xf32>
    %get3A_22 = arith.constant 0 : index
    %get3A_23 = arith.constant 0 : index
    %get3A_24 = vector.load %arg3[%get3A_22, %get3A_23] : memref<1000x128xf32, #tpu.memory_space<vmem>>, vector<1000x128xf32>
    %get3A_25 = arith.constant 0 : index
    %get3A_26 = arith.constant 0 : index
    %get3A_27 = vector.load %arg5[%get3A_25, %get3A_26] : memref<128x128xf32, #tpu.memory_space<vmem>>, vector<128x128xf32>
    %dot_general3A_28 = arith.constant dense<0.000000e+00> : vector<1000x128xf32>
    %dot_general3A_29 = tpu.matmul %get3A_24, %get3A_27, %dot_general3A_28 {dimension_numbers = #tpu.dot_dimension_numbers<[1], [1], [0], [0], [0, 0, 1, 0], [], []>, transpose_lhs_hint = false} : vector<1000x128xf32>, vector<128x128xf32>, vector<1000x128xf32> -> vector<1000x128xf32>
    %add3A_30 = arith.addf %dot_general3A_21, %dot_general3A_29 : vector<1000x128xf32>
    %get3A_31 = arith.constant 0 : index
    %get3A_32 = vector.load %arg6[%get3A_31] : memref<128xf32, #tpu.memory_space<vmem>>, vector<128xf32>
    %broadcast_in_dim3A_33 = vector.shape_cast %get3A_32 : vector<128xf32> to vector<1x128xf32>
    %add3A_34 = vector.broadcast %broadcast_in_dim3A_33 : vector<1x128xf32> to vector<1000x128xf32>
    %add3A_35 = arith.addf %add3A_30, %add3A_34 : vector<1000x128xf32>
    %max3A_36 = arith.constant 0.000000e+00 : f32
    %max3A_37 = vector.broadcast %max3A_36 : f32 to vector<1000x128xf32>
    %max3A_38 = arith.maximumf %add3A_35, %max3A_37 : vector<1000x128xf32>
    %get3A_39 = arith.constant 0 : index
    %get3A_40 = arith.constant 0 : index
    %get3A_41 = vector.load %arg10[%get3A_39, %get3A_40] : memref<2x4xf32, #tpu.memory_space<vmem>>, vector<2x4xf32>
    %get3A_42 = arith.constant 0 : index
    %get3A_43 = arith.constant 0 : index
    %get3A_44 = vector.load %arg7[%get3A_42, %get3A_43] : memref<4x128xf32, #tpu.memory_space<vmem>>, vector<4x128xf32>
    %dot_general3A_45 = arith.constant dense<0.000000e+00> : vector<2x128xf32>
    %dot_general3A_46 = tpu.matmul %get3A_41, %get3A_44, %dot_general3A_45 {dimension_numbers = #tpu.dot_dimension_numbers<[1], [0], [0], [1], [0, 0, 1, 1], [], []>, transpose_lhs_hint = false} : vector<2x4xf32>, vector<4x128xf32>, vector<2x128xf32> -> vector<2x128xf32>
    %get3A_47 = arith.constant 0 : index
    %get3A_48 = arith.constant 0 : index
    %get3A_49 = vector.load %arg8[%get3A_47, %get3A_48] : memref<4x128xf32, #tpu.memory_space<vmem>>, vector<4x128xf32>
    %dot_general3A_50 = arith.constant dense<0.000000e+00> : vector<2x128xf32>
    %dot_general3A_51 = tpu.matmul %get3A_41, %get3A_49, %dot_general3A_50 {dimension_numbers = #tpu.dot_dimension_numbers<[1], [0], [0], [1], [0, 0, 1, 1], [], []>, transpose_lhs_hint = false} : vector<2x4xf32>, vector<4x128xf32>, vector<2x128xf32> -> vector<2x128xf32>
    %get3A_52 = arith.constant 0 : index
    %get3A_53 = vector.load %arg9[%get3A_52] : memref<4xf32, #tpu.memory_space<vmem>>, vector<4xf32>
    %broadcast_in_dim3A_54 = vector.shape_cast %get3A_53 : vector<4xf32> to vector<1x4xf32>
    %mul3A_55 = vector.broadcast %broadcast_in_dim3A_54 : vector<1x4xf32> to vector<2x4xf32>
    %mul3A_56 = arith.mulf %get3A_41, %mul3A_55 : vector<2x4xf32>
    %reduce_sum3A = arith.constant dense<0.000000e+00> : vector<2xf32>
    %reduce_sum3A_57 = vector.multi_reduction <add>, %mul3A_56, %reduce_sum3A [1] : vector<2x4xf32> to vector<2xf32>
    %get3A_58 = arith.constant 0 : index
    %get3A_59 = vector.load %arg11[%get3A_58] : memref<2xf32, #tpu.memory_space<vmem>>, vector<2xf32>
    %add3A_60 = arith.addf %reduce_sum3A_57, %get3A_59 : vector<2xf32>
    %dot_general3A_61 = arith.constant dense<0.000000e+00> : vector<1000x2xf32>
    %dot_general3A_62 = tpu.matmul %max3A_38, %dot_general3A_46, %dot_general3A_61 {dimension_numbers = #tpu.dot_dimension_numbers<[1], [1], [0], [0], [0, 0, 1, 0], [], []>, transpose_lhs_hint = false} : vector<1000x128xf32>, vector<2x128xf32>, vector<1000x2xf32> -> vector<1000x2xf32>
    %broadcast_in_dim3A_63 = arith.constant 0.000000e+00 : f32
    %broadcast_in_dim3A_64 = vector.broadcast %broadcast_in_dim3A_63 : f32 to vector<1000x6xf32>
    %concatenate3A_65 = tpu.concatenate %dot_general3A_62, %broadcast_in_dim3A_64 in 1 : vector<1000x2xf32>, vector<1000x6xf32> -> vector<1000x8xf32>
    %swap3A = arith.constant 0 : index
    %swap3A_66 = arith.constant 0 : index
    %swap3A_67 = vector.load %arg12[%swap3A, %swap3A_66] : memref<1000x8xf32, #tpu.memory_space<vmem>>, vector<1000x8xf32>
    tpu.vector_store %arg12[%swap3A, %swap3A_66], %concatenate3A_65 {strides = array<i32>} : memref<1000x8xf32, #tpu.memory_space<vmem>>, vector<1000x8xf32>,
    %dot_general3A_68 = arith.constant dense<0.000000e+00> : vector<1000x2xf32>
    %dot_general3A_69 = tpu.matmul %max3A_38, %dot_general3A_51, %dot_general3A_68 {dimension_numbers = #tpu.dot_dimension_numbers<[1], [1], [0], [0], [0, 0, 1, 0], [], []>, transpose_lhs_hint = false} : vector<1000x128xf32>, vector<2x128xf32>, vector<1000x2xf32> -> vector<1000x2xf32>
    %broadcast_in_dim3A_70 = vector.shape_cast %add3A_60 : vector<2xf32> to vector<1x2xf32>
    %add3A_71 = vector.broadcast %broadcast_in_dim3A_70 : vector<1x2xf32> to vector<1000x2xf32>
    %add3A_72 = arith.addf %dot_general3A_69, %add3A_71 : vector<1000x2xf32>
    %swap3A_73 = arith.constant 0 : index
    %swap3A_74 = arith.constant 0 : index
    %swap3A_75 = vector.load %arg13[%swap3A_73, %swap3A_74] : memref<1000x2xf32, #tpu.memory_space<vmem>>, vector<1000x2xf32>
    tpu.vector_store %arg13[%swap3A_73, %swap3A_74], %add3A_72 {strides = array<i32>} : memref<1000x2xf32, #tpu.memory_space<vmem>>, vector<1000x2xf32>,
    return
  }
  func.func @transform_0(%arg0: i32) -> (i32, i32, i32) {
    %c0_i32 = arith.constant 0 : i32
    %c0_i32_0 = arith.constant 0 : i32
    %c0_i32_1 = arith.constant 0 : i32
    return %c0_i32, %arg0, %c0_i32_0 : i32, i32, i32
  }
  func.func @transform_1(%arg0: i32) -> (i32, i32, i32) {
    %c0_i32 = arith.constant 0 : i32
    %c0_i32_0 = arith.constant 0 : i32
    %c0_i32_1 = arith.constant 0 : i32
    return %c0_i32, %arg0, %c0_i32_0 : i32, i32, i32
  }
  func.func @transform_2(%arg0: i32) -> (i32, i32) {
    %c0_i32 = arith.constant 0 : i32
    %c0_i32_0 = arith.constant 0 : i32
    return %arg0, %c0_i32 : i32, i32
  }
  func.func @transform_3(%arg0: i32) -> (i32, i32) {
    %c0_i32 = arith.constant 0 : i32
    %c0_i32_0 = arith.constant 0 : i32
    %c0_i32_1 = arith.constant 0 : i32
    return %c0_i32, %c0_i32_0 : i32, i32
  }
  func.func @transform_4(%arg0: i32) -> (i32, i32) {
    %c0_i32 = arith.constant 0 : i32
    %c0_i32_0 = arith.constant 0 : i32
    %c0_i32_1 = arith.constant 0 : i32
    return %c0_i32, %c0_i32_0 : i32, i32
  }
  func.func @transform_5(%arg0: i32) -> i32 {
    %c0_i32 = arith.constant 0 : i32
    %c0_i32_0 = arith.constant 0 : i32
    return %c0_i32 : i32
  }
  func.func @transform_6(%arg0: i32) -> (i32, i32) {
    %c0_i32 = arith.constant 0 : i32
    %c0_i32_0 = arith.constant 0 : i32
    %c0_i32_1 = arith.constant 0 : i32
    return %c0_i32, %c0_i32_0 : i32, i32
  }
  func.func @transform_7(%arg0: i32) -> (i32, i32) {
    %c0_i32 = arith.constant 0 : i32
    %c0_i32_0 = arith.constant 0 : i32
    %c0_i32_1 = arith.constant 0 : i32
    return %c0_i32, %c0_i32_0 : i32, i32
  }
  func.func @transform_8(%arg0: i32) -> i32 {
    %c0_i32 = arith.constant 0 : i32
    %c0_i32_0 = arith.constant 0 : i32
    return %c0_i32 : i32
  }
  func.func @transform_9(%arg0: i32) -> (i32, i32) {
    %c0_i32 = arith.constant 0 : i32
    %c0_i32_0 = arith.constant 0 : i32
    %c0_i32_1 = arith.constant 0 : i32
    return %c0_i32, %c0_i32_0 : i32, i32
  }
  func.func @transform_10(%arg0: i32) -> i32 {
    %c0_i32 = arith.constant 0 : i32
    %c0_i32_0 = arith.constant 0 : i32
    return %c0_i32 : i32
  }
  func.func @transform_11(%arg0: i32) -> (i32, i32) {
    %c0_i32 = arith.constant 0 : i32
    %c0_i32_0 = arith.constant 0 : i32
    return %arg0, %c0_i32 : i32, i32
  }
  func.func @transform_12(%arg0: i32) -> (i32, i32) {
    %c0_i32 = arith.constant 0 : i32
    %c0_i32_0 = arith.constant 0 : i32
    return %arg0, %c0_i32 : i32, i32
  }
}

module attributes {stable_mosaic.version = 14 : i64} {
  func.func @_tc_final_body(%arg0: i32, %arg1: memref<2x1000x8xf32, #tpu.memory_space<vmem>>, %arg2: memref<2x1000x8xf32, #tpu.memory_space<vmem>>, %arg3: memref<1000x2xf32, #tpu.memory_space<vmem>>, %arg4: memref<1000x2xf32, #tpu.memory_space<vmem>>) attributes {dimension_semantics = [#tpu.dimension_semantics<arbitrary>], iteration_bounds = array<i64: 10>, scalar_prefetch = 0 : i64, scratch_operands = 0 : i64, tpu.core_type = #tpu.core_type<tc>, window_params = [{transform_indices = @transform_0, window_bounds = array<i64: 2, 1000, 8>}, {transform_indices = @transform_1, window_bounds = array<i64: 2, 1000, 8>}, {transform_indices = @transform_2, window_bounds = array<i64: 1000, 2>}, {transform_indices = @transform_3, window_bounds = array<i64: 1000, 2>}]} {
    %get3A = arith.constant 0 : index
    %get3A_0 = arith.constant 0 : index
    %get3A_1 = arith.constant 0 : index
    %get3A_2 = vector.load %arg1[%get3A, %get3A_0, %get3A_1] : memref<2x1000x8xf32, #tpu.memory_space<vmem>>, vector<2x1000x8xf32>
    %get3A_3 = arith.constant 0 : index
    %get3A_4 = arith.constant 0 : index
    %get3A_5 = arith.constant 0 : index
    %get3A_6 = vector.load %arg2[%get3A_3, %get3A_4, %get3A_5] : memref<2x1000x8xf32, #tpu.memory_space<vmem>>, vector<2x1000x8xf32>
    %slice3A = vector.extract_strided_slice %get3A_6 {offsets = [0, 0, 0], sizes = [1, 1000, 1], strides = [1, 1, 1]} : vector<2x1000x8xf32> to vector<1x1000x1xf32>
    %squeeze3A = vector.shape_cast %slice3A : vector<1x1000x1xf32> to vector<1000xf32>
    %slice3A_7 = vector.extract_strided_slice %get3A_6 {offsets = [1, 0, 0], sizes = [1, 1000, 1], strides = [1, 1, 1]} : vector<2x1000x8xf32> to vector<1x1000x1xf32>
    %squeeze3A_8 = vector.shape_cast %slice3A_7 : vector<1x1000x1xf32> to vector<1000xf32>
    %add3A = arith.addf %squeeze3A, %squeeze3A_8 : vector<1000xf32>
    %max3A = arith.constant 1.000000e+00 : f32
    %max3A_9 = vector.broadcast %max3A : f32 to vector<1000xf32>
    %max3A_10 = arith.maximumf %add3A, %max3A_9 : vector<1000xf32>
    %div3A = arith.constant 1.000000e+00 : f32
    %div3A_11 = vector.broadcast %div3A : f32 to vector<1000xf32>
    %div3A_12 = arith.divf %div3A_11, %max3A_10 : vector<1000xf32>
    %slice3A_13 = vector.extract_strided_slice %get3A_2 {offsets = [0, 0, 0], sizes = [1, 1000, 2], strides = [1, 1, 1]} : vector<2x1000x8xf32> to vector<1x1000x2xf32>
    %squeeze3A_14 = vector.shape_cast %slice3A_13 : vector<1x1000x2xf32> to vector<1000x2xf32>
    %slice3A_15 = vector.extract_strided_slice %get3A_2 {offsets = [1, 0, 0], sizes = [1, 1000, 2], strides = [1, 1, 1]} : vector<2x1000x8xf32> to vector<1x1000x2xf32>
    %squeeze3A_16 = vector.shape_cast %slice3A_15 : vector<1x1000x2xf32> to vector<1000x2xf32>
    %add3A_17 = arith.addf %squeeze3A_14, %squeeze3A_16 : vector<1000x2xf32>
    %broadcast_in_dim3A = vector.shape_cast %div3A_12 : vector<1000xf32> to vector<1000x1xf32>
    %mul3A = vector.broadcast %broadcast_in_dim3A : vector<1000x1xf32> to vector<1000x2xf32>
    %mul3A_18 = arith.mulf %add3A_17, %mul3A : vector<1000x2xf32>
    %get3A_19 = arith.constant 0 : index
    %get3A_20 = arith.constant 0 : index
    %get3A_21 = vector.load %arg3[%get3A_19, %get3A_20] : memref<1000x2xf32, #tpu.memory_space<vmem>>, vector<1000x2xf32>
    %add3A_22 = arith.addf %mul3A_18, %get3A_21 : vector<1000x2xf32>
    %swap3A = arith.constant 0 : index
    %swap3A_23 = arith.constant 0 : index
    %swap3A_24 = vector.load %arg4[%swap3A, %swap3A_23] : memref<1000x2xf32, #tpu.memory_space<vmem>>, vector<1000x2xf32>
    tpu.vector_store %arg4[%swap3A, %swap3A_23], %add3A_22 {strides = array<i32>} : memref<1000x2xf32, #tpu.memory_space<vmem>>, vector<1000x2xf32>,
    return
  }
  func.func @transform_0(%arg0: i32) -> (i32, i32, i32) {
    %c0_i32 = arith.constant 0 : i32
    %c0_i32_0 = arith.constant 0 : i32
    %c0_i32_1 = arith.constant 0 : i32
    return %c0_i32, %arg0, %c0_i32_0 : i32, i32, i32
  }
  func.func @transform_1(%arg0: i32) -> (i32, i32, i32) {
    %c0_i32 = arith.constant 0 : i32
    %c0_i32_0 = arith.constant 0 : i32
    %c0_i32_1 = arith.constant 0 : i32
    return %c0_i32, %arg0, %c0_i32_0 : i32, i32, i32
  }
  func.func @transform_2(%arg0: i32) -> (i32, i32) {
    %c0_i32 = arith.constant 0 : i32
    %c0_i32_0 = arith.constant 0 : i32
    return %arg0, %c0_i32 : i32, i32
  }
  func.func @transform_3(%arg0: i32) -> (i32, i32) {
    %c0_i32 = arith.constant 0 : i32
    %c0_i32_0 = arith.constant 0 : i32
    return %arg0, %c0_i32 : i32, i32
  }
}

</mosaic_0001>

<sc_bundles>
// kernel: kernel.6.cloned.1.call-start
scs
__scs_entry_jumppad:
0x0: {  	(pc) =	sbr.rel $0x88, $3  }
0x1: {  	(tag) =	ssettag $0x0;
	lr =	simm.s32 $0x1  }
0x2: {  	[smem:$0x3F97] =	sst lr;
	_ =	strace $0xD0000000  }
0x3: {  	_ = 	snop  }
0x4: {  	_ = 	snop  }
0x5: {  	_ = 	snop  }
0x6: {  	_ = 	snop  }
0x7: {  	_ = 	snop  }
__scs_overlays_trampoline_lowered:
0x8: {  	[smem:$0x3FA6] =	sst s0  }
0x9: {  	[smem:$0x3FA7] =	sst s1  }
0xa: {  	[smem:$0x3FA8] =	sst s2  }
0xb: {  	[smem:$0x3FA9] =	sst s3  }
0xc: {  	[smem:$0x3FAA] =	sst s4  }
0xd: {  	[smem:$0x3FAB] =	sst s5  }
0xe: {  	[smem:$0x3FAC] =	sst s6  }
0xf: {  	[smem:$0x3FAD] =	sst s7  }
0x10: {  	[smem:$0x3FAE] =	sst s8  }
0x11: {  	[smem:$0x3FAF] =	sst s9;
	s0 =	simm.s32 @!p0 $0x0  }
0x12: {  	s1 =	sld [smem:$0x3F95];
	s0 =	simm.s32 @p0 $0x1  }
0x13: {  	[smem:$0x3FB0] =	sst s0;
	s0 =	simm.s32 @!p1 $0x0  }
0x14: {  	s2 =	sld [smem:$0x3F94];
	s0 =	simm.s32 @p1 $0x1  }
0x15: {  	[smem:$0x3FB1] =	sst s0;
	s0 =	simm.s32 @!p2 $0x0  }
0x16: {  	s3 =	sld [smem:$0x3FDB];
	s0 =	simm.s32 @p2 $0x1  }
0x17: {  	s4 =	simm.s32 $0x1BF5;
	[smem:$0x3FB3] =	sst s0  }
0x18: {  	s0 =	sld [smem:$0x3F96];
	_ =	swait.ge [sflag:s4], $0x0  }
0x19: {  	s7 =	sld [smem:$0x3F97]  }
0x1a: {  	s8 =	sadd.s32 $0xFFFFE003, lr  }
0x1b: {  	s9 =	sadd.s32 $0xFFFFFEF7, lr;
	s5 =	simm.s32 $0xFFFFFFFF;
	p2 =	slt.u32 s8, $0xFFFFF086  }
0x1c: {  	p1 =	slt.u32 s9, $0xF7A;
	s5 =	simm.s32 @!p2 $0x0  }
0x1d: {  	s5 =	simm.s32 @p1 $0x1;
	p0 =	seq.s32 s7, s2  }
0x1e: {  	s7 =	smul.u32 @!p0 $0xF7A, s2;
	p2 =	seq.s32 @!p0 s5, $0x0  }
0x1f: {  	s9 =	smul.u32 $0xF7A, s1;
	s8 =	simm.s32 @!p0 $0x1BF5;
	p2 =	por !p2, p0  }
0x20: {  	[sflag:s8] =	ssyncset.s32 @!p0 $0xFFFFF086;
	s6 =	sadd.s32 @!p0 s3, s7;
	s7 =	simm.s32 @!p0 $0x108  }
0x21: {  	s3 =	sadd.s32 s3, s9;
	s6 =	sadd.s32 @!p0 $0x88, s6;
	s7 =	simm.s32 @p2 $0x1082  }
0x22: {  	[simem:s7], [sflag:s8] =	dma.local @!p0 [hbm:s6], $0xF7A  }
0x23: {  	s9 =	sor.u32 $0xD0000000, s2;
	s6 =	simm.s32 $0x108;
	_ =	swait.ge @!p0 [sflag:s8], $0x0  }
0x24: {  	s3 =	sadd.s32 $0x88, s3;
	s6 =	simm.s32 @!p1 $0x1082;
	[sflag:s4] =	ssyncset.s32 $0xFFFFF086  }
0x25: {  	[simem:s6], [sflag:s4] =	dma.local [hbm:s3], $0xF7A  }
0x26: {  	[smem:$0x3F97] =	sst s1;
	(tag) =	ssettag s2;
	_ =	strace s9  }
0x27: {  	s1 =	sld [smem:$0x3FA7]  }
0x28: {  	s2 =	sld [smem:$0x3FA8]  }
0x29: {  	s4 =	sld [smem:$0x3FAA]  }
0x2a: {  	p0 =	seq.s32 s5, $0x0;
	s5 =	sld [smem:$0x3FAB]  }
0x2b: {  	s6 =	sld [smem:$0x3FAC]  }
0x2c: {  	s7 =	sld [smem:$0x3FAD]  }
0x2d: {  	s3 =	simm.s32 $0x108;
	s8 =	sld [smem:$0x3FAE]  }
0x2e: {  	s3 =	simm.s32 @!p0 $0x1082;
	s9 =	sld [smem:$0x3FAF]  }
0x2f: {  	lr =	sadd.s32 s0, s3;
	s0 =	sld [smem:$0x3FA6]  }
0x30: {  	s3 =	sld [smem:$0x3FA9]  }
0x31: {  	[smem:$0x3FB2] =	sst s10  }
0x32: {  	s10 =	sld [smem:$0x3FB0];
	_ =	sdelay $0x3  }
0x33: {  	p0 =	seq.s32 s10, $0x1;
	s10 =	sld [smem:$0x3FB2];
	_ =	sdelay $0x3  }
0x34: {  	[smem:$0x3FB2] =	sst s10  }
0x35: {  	s10 =	sld [smem:$0x3FB1];
	_ =	sdelay $0x3  }
0x36: {  	p1 =	seq.s32 s10, $0x1;
	s10 =	sld [smem:$0x3FB2];
	_ =	sdelay $0x3  }
0x37: {  	[smem:$0x3FB2] =	sst s10  }
0x38: {  	s10 =	sld [smem:$0x3FB3]  }
0x39: {  	_ = 	snop;
	(pc) =	sbr.ind lr, $3  }
0x3a: {  	_ = 	snop  }
0x3b: {  	_ = 	snop  }
0x3c: {  	p2 =	seq.s32 s10, $0x1;
	s10 =	sld [smem:$0x3FB2]  }
0x3d: {  	_ =	shalt  }
0x3e: {  	_ =	shalt  }
0x3f: {  	_ =	shalt  }
0x40: {  	_ =	shalt  }
0x41: {  	_ =	shalt  }
0x42: {  	_ =	shalt  }
0x43: {  	_ =	shalt  }
0x44: {  	_ =	shalt  }
0x45: {  	_ =	shalt  }
0x46: {  	_ =	shalt  }
0x47: {  	_ =	shalt  }
0x48: {  	_ =	shalt  }
0x49: {  	_ =	shalt  }
0x4a: {  	_ =	shalt  }
0x4b: {  	_ =	shalt  }
0x4c: {  	_ =	shalt  }
0x4d: {  	_ =	shalt  }
0x4e: {  	_ =	shalt  }
0x4f: {  	_ =	shalt  }
0x50: {  	_ =	shalt  }
0x51: {  	_ =	shalt  }
0x52: {  	_ =	shalt  }
0x53: {  	_ =	shalt  }
0x54: {  	_ =	shalt  }
0x55: {  	_ =	shalt  }
0x56: {  	_ =	shalt  }
0x57: {  	_ =	shalt  }
0x58: {  	_ =	shalt  }
0x59: {  	_ =	shalt  }
0x5a: {  	_ =	shalt  }
0x5b: {  	_ =	shalt  }
0x5c: {  	_ =	shalt  }
0x5d: {  	_ =	shalt  }
0x5e: {  	_ =	shalt  }
0x5f: {  	_ =	shalt  }
0x60: {  	_ =	shalt  }
0x61: {  	_ =	shalt  }
0x62: {  	_ =	shalt  }
0x63: {  	_ =	shalt  }
0x64: {  	_ =	shalt  }
0x65: {  	_ =	shalt  }
0x66: {  	_ =	shalt  }
0x67: {  	_ =	shalt  }
0x68: {  	_ =	shalt  }
0x69: {  	_ =	shalt  }
0x6a: {  	_ =	shalt  }
0x6b: {  	_ =	shalt  }
0x6c: {  	_ =	shalt  }
0x6d: {  	_ =	shalt  }
0x6e: {  	_ =	shalt  }
0x6f: {  	_ =	shalt  }
0x70: {  	_ =	shalt  }
0x71: {  	_ =	shalt  }
0x72: {  	_ =	shalt  }
0x73: {  	_ =	shalt  }
0x74: {  	_ =	shalt  }
0x75: {  	_ =	shalt  }
0x76: {  	_ =	shalt  }
0x77: {  	_ =	shalt  }
0x78: {  	_ =	shalt  }
0x79: {  	_ =	shalt  }
0x7a: {  	_ =	shalt  }
0x7b: {  	_ =	shalt  }
0x7c: {  	_ =	shalt  }
0x7d: {  	_ =	shalt  }
0x7e: {  	_ =	shalt  }
0x7f: {  	_ =	shalt  }
0x80: {  	_ =	shalt  }
0x81: {  	_ =	shalt  }
0x82: {  	_ =	shalt  }
0x83: {  	_ =	shalt  }
0x84: {  	_ =	shalt  }
0x85: {  	_ =	shalt  }
0x86: {  	_ =	shalt  }
0x87: {  	_ =	shalt  }
.Lfunc_end0:
.L_simem_size_0:
called_computation_lowered:
.L_overlay_start_0:
0x88: {  	s2 =	sld [smem:$0x3FD9]  }
0x89: {  	s3 =	sld [smem:$0x3FFE];
	_ =	sdelay $0x1  }
0x8a: {  	s1 =	srdreg.scid  }
0x8b: {  	s0 =	sand.u32 $0x1, s1  }
0x8c: {  	s17 =	sshll.u32 s0, $0xA;
	s2 =	sadd.s32 s3, s2  }
0x8d: {  	s2 =	sadd.s32 s2, s17  }
0x8e: {  	[smem:$0x3FBE] =	sst s2  }
0x8f: {  	_ = 	snop  }
0x90: {  	s2 =	sld [smem:$0x3FD0];
	(tm) =	ssettm $0x1  }
0x91: {  	s18 =	sld [smem:$0x3FFB];
	_ =	sdelay $0x3  }
0x92: {  	_ =	strace s18  }
0x93: {  	s3 =	sld [smem:$0x3FFC];
	_ =	sdelay $0x3  }
0x94: {  	_ =	strace s3  }
0x95: {  	s3 =	sld [smem:$0x3FFD];
	_ =	sdelay $0x3  }
0x96: {  	_ =	strace s3  }
0x97: {  	_ =	strace $0x8FFFFFFF  }
0x98: {  	s19 =	sld [smem:$0x3FDB];
	_ =	sdelay $0x1  }
0x99: {  	s4 =	simm.s32 $_scs_section_size  }
0x9a: {  	s5 =	simm.s32 $_size__tile_overlayer_lowered;
	s6 =	simm.s32 $_tile_overlayer_lowered  }
0x9b: {  	s22 =	simm.s32 $0x1BFF;
	s21 =	sshll.u32 s6, $0x1;
	s3 =	sadd.s32 s4, s19  }
0x9c: {  	s7 =	simm.s32 $0x0;
	s20 =	sshll.u32 s5, $0x1;
	s5 =	sadd.s32 s21, s3  }
0x9d: {  	[timem:s7], [sflag:s22] =	dma.local [hbm:s5], s20  }
0x9e: {  	_ =	swait.ge [sflag:s22], s20  }
0x9f: {  	s4 =	ssub.s32 $0x0, s20;
	[sflag:s22] =	ssyncset.done $0x0  }
0xa0: {  	[sflag:s22] =	ssyncadd.s32 s4;
	_ =	sdelay $0x1  }
0xa1: {  	s23 =	simm.s32 $0x1B8B  }
0xa2: {  	_ =	swait.ge [sflag:s23], $0x1  }
0xa3: {  	[sflag:s23] =	ssyncset.done $0x0  }
0xa4: {  	s25 =	simm.s32 $0x1B8E;
	s24 =	sld [smem:$0x3FFE];
	[sflag:s23] =	ssyncadd.s32 $0xFFFFFFFF  }
0xa5: {  	s26 =	simm.s32 $execute0_lowered;
	[smem:$0x3FD2] =	sst s25  }
0xa6: {  	s5 =	sshll.u32 s26, $0x1;
	_ =	strace $0x80000046;
	[dreg:$0x1] =	wrdreg $0xFFFFFFFF  }
0xa7: {  	s28 =	simm.s32 $_size_execute0_lowered;
	s3 =	sadd.s32 s3, s5;
	[dreg:$0x0] =	wrdreg $0x0  }
0xa8: {  	s5 =	sshll.u32 s28, $0x1;
	[dreg:$0x2] =	wrdreg s3  }
0xa9: {  	[dreg:$0x3] =	wrdreg s5  }
0xaa: {  	[dreg:$0x4] =	wrdreg $0xC0  }
0xab: {  	_ =	task [dreg:s7], $0x5FFFF  }
0xac: {  	[dreg:$0x1] =	wrdreg $0xFFFFFFFF  }
0xad: {  	[dreg:$0x0] =	wrdreg $0x60  }
0xae: {  	[dreg:$0x2] =	wrdreg s24  }
0xaf: {  	[dreg:$0x3] =	wrdreg s2  }
0xb0: {  	[dreg:$0x4] =	wrdreg $0x144000  }
0xb1: {  	[dreg:$0x5] =	wrdreg $0x1E0600  }
0xb2: {  	[dreg:$0x6] =	wrdreg $0x9  }
0xb3: {  	_ =	task.clear_ibuf [dreg:s7], $0x7FFFF;
	_ =	strace $0x90000046  }
0xb4: {  	s29 =	simm.s32 $0x9;
	_ =	strace $0x80000048  }
0xb5: {  	_ =	swait.ge [sflag:s29], $0x1  }
0xb6: {  	[sflag:s29] =	ssyncadd.s32 $0xFFFFFFFF  }
0xb7: {  	_ =	strace $0x90000048  }
0xb8: {  	_ =	sfence  }
0xb9: {  	s30 =	sld [smem:$0x0];
	_ =	sdelay $0x2  }
0xba: {  	s31 =	sshll.u32 s1, $0xD;
	s1 =	sshrl.u32 s1, $0x2  }
0xbb: {  	s3 =	sand.u32 $0x4000, s31;
	s1 =	sadd.s32 s1, s30  }
0xbc: {  	s0 =	sor.u32 s3, s0;
	s1 =	sshll.u32 s1, $0x11  }
0xbd: {  	s0 =	sor.u32 s1, s0  }
0xbe: {  	s0 =	sadd.s32 $0x8F2B, s0  }
0xbf: {  	[sflag:s0] =	ssyncadd.remote.s32 $0x1  }
0xc0: {  	_ =	sfence.sel $0xFFFF  }
0xc1: {  	[dreg:$0x0] =	wrdreg $0xFFFFFFFF;
	(pc) =	sbr.abs _section_cstart, $3  }
0xc2: {  	[dreg:$0x1] =	wrdreg $0xFFFFFFFF  }
0xc3: {  	_ =	task.clear_ibuf [dreg:s7], $0x2FFFF;
	_ =	strace $0x9FFFFFFF  }
0xc4: {  	(tm) =	ssettm $0x7FFFFFFF  }
0xc5: {  	_ =	shalt  }
tec
execute0_lowered:
.L_overlay_start_1:
0x0: {  	(tag) =	ssettag $0x1  }
0x1: {  	s0 =	rddreg [dreg:$0x0]  }
0x2: {  	s3 =	rddreg [dreg:$0x2];
	s1 =	srdreg.scid  }
0x3: {  	s4 =	rddreg [dreg:$0x3];
	s5 =	stileid.u32;
	s6 =	simm.s32 $0x0  }
0x4: {  	s28 =	simm.s32 $0xC000;
	s29 =	simm.s32 $0xE000;
	s30 =	simm.s32 $0x10000  }
0x5: {  	s31 =	simm.s32 $0x12000;
	s1 =	sand.u32 $0x1, s1;
	s7 =	smul.u32 $0xA00, s5  }
0x6: {  	[smem:$0x7FF] =	sst s6;
	s6 =	sadd.s32 $0xBE00, s0;
	s24 =	sadd.s32 $0x51200, s0  }
0x7: {  	s25 =	sadd.s32 $0x51000, s0;
	s10 =	smul.u32 $0x27000, s5;
	s11 =	sadd.s32 $0x52600, s0  }
0x8: {  	s13 =	smul.u32 $0x270, s5;
	_ =	strace $0x80000047;
	[dreg:$0x5] =	wrdreg s24  }
0x9: {  	s15 =	sshll.u32 s5, $0x6;
	s17 =	sadd.s32 $0x9C000, s3;
	[dreg:$0x6] =	wrdreg s25  }
0xa: {  	s18 =	sadd.s32 $0x13800, s4;
	p0 =	sne.s32 s5, $0xF;
	[dreg:$0x8] =	wrdreg s17  }
0xb: {  	s2 =	smul.u32 $0xA000, s1;
	s9 =	ssub.s32 $0x2, s1;
	[dreg:$0x9] =	wrdreg s18  }
0xc: {  	p1 =	seq.s32 s1, $0x0;
	s8 =	sadd.s32 s7, s0;
	s12 =	sshrl.u32 s9, $0x1  }
0xd: {  	s26 =	sshrl.u32 s10, $0x2;
	s2 =	sadd.s32 s7, s2;
	s12 =	ssub.s32 s9, s12  }
0xe: {  	s7 =	smul.u32 $0x4E00, s5;
	s14 =	sadd.s32 s26, s3;
	s9 =	sor.u32 $0x1C08, s15  }
0xf: {  	s15 =	smul.u32 $0x2710, s1;
	s21 =	sadd.s32 $0x33000, s8;
	s1 =	simm.s32 $0x2  }
0x10: {  	s8 =	simm.s32 $0x0;
	s2 =	sadd.s32 s2, s0;
	s0 =	sadd.s32 $0x79800, s0  }
0x11: {  	[dreg:$0xb] =	wrdreg s21;
	s26 =	smax.u32 s12, $0x1;
	s21 =	simm.s32 $0x8  }
0x12: {  	s10 =	sshrl.u32 s7, $0x2;
	s2 =	sadd.s32 $0x3D000, s2;
	s19 =	sadd.s32 s13, s15  }
0x13: {  	s20 =	sadd.s32 $0x2700, s15;
	[dreg:$0x10] =	wrdreg s26;
	s26 =	simm.s32 $0xA000  }
0x14: {  	s16 =	sadd.s32 s10, s4;
	[dreg:$0xa] =	wrdreg s2;
	s22 =	sshll.u32 s19, $0x3  }
0x15: {  	s23 =	sshll.u32 s20, $0x3;
	s2 =	sadd.s32 s0, s19;
	[dreg:$0x7] =	wrdreg s16  }
0x16: {  	s0 =	sadd.s32 s0, s20;
	s10 =	sshrl.u32 s14, $0x3;
	[dreg:$0xd] =	wrdreg s2  }
0x17: {  	s24 =	sadd.s32 s11, s22;
	s25 =	sadd.s32 s11, s23;
	[dreg:$0xf] =	wrdreg s0  }
0x18: {  	s2 =	simm.s32 $0x3;
	s22 =	simm.s32 $0x4;
	[dreg:$0x11] =	wrdreg s10  }
0x19: {  	s23 =	simm.s32 $0x5;
	s0 =	simm.s32 $0x6;
	[dreg:$0xc] =	wrdreg s24  }
0x1a: {  	[dreg:$0xe] =	wrdreg s25;
	s24 =	simm.s32 $0x1;
	s25 =	simm.s32 $0x80  }
.LBB2_1:
0x1b: {  	s7 =	rddreg [dreg:$0x5]  }
0x1c: {  	[spmem:s10], [sflag:s9] =	dma.local [hbm:s7], $0x1380  }
0x1d: {  	_ =	swait.ge [sflag:s21], $0x1380  }
0x1e: {  	[sflag:s21] =	ssyncset.done $0x0  }
0x1f: {  	s5 =	rddreg [dreg:$0x7];
	[sflag:s21] =	ssyncadd.s32 $0xFFFFEC80  }
0x20: {  	s17 =	sshrl.u32 s5, $0x3;
	s5 =	rddreg [dreg:$0x1]  }
0x21: {  	[dreg:$0x12] =	wrdreg s17  }
0x22: {  	[spmem:s17], [sflag:s9] =	dma.local [hbm:s5], $0x270  }
0x23: {  	_ =	swait.ge [sflag:s21], $0x270  }
0x24: {  	[sflag:s21] =	ssyncset.done $0x0;
	s10 =	rddreg [dreg:$0x8]  }
0x25: {  	s13 =	simm.s32 @!p0 $0x8;
	[sflag:s21] =	ssyncadd.s32 $0xFFFFFD90;
	s11 =	sshrl.u32 @!p0 s10, $0x3  }
0x26: {  	[spmem:s11], [sflag:s9] =	dma.local @!p0 [hbm:s7], $0xC0  }
0x27: {  	_ =	swait.ge @!p0 [sflag:s13], $0xC0  }
0x28: {  	[sflag:s13] =	ssyncset.done @!p0 $0x0;
	s7 =	rddreg [dreg:$0x9]  }
0x29: {  	[sflag:s13] =	ssyncadd.s32 @!p0 $0xFFFFFF40;
	s12 =	sshrl.u32 @!p0 s7, $0x3  }
0x2a: {  	[spmem:s12], [sflag:s9] =	dma.local @!p0 [hbm:s5], $0x18  }
0x2b: {  	_ =	swait.ge @!p0 [sflag:s13], $0x18  }
0x2c: {  	s18 =	simm.s32 $0x0;
	[sflag:s13] =	ssyncset.done @!p0 $0x0  }
0x2d: {  	s20 =	simm.s32 $0x14000;
	s19 =	rddreg [dreg:$0x6];
	[sflag:s13] =	ssyncadd.s32 @!p0 $0xFFFFFFE8  }
0x2e: {  	[tilespmem:s20], [sflag:$0x8] =	stream.linear.gather [hbm4b:s19+s18], $0x400, $0x38;
	[tilespmem:$0x1F3F0] =	vst v63  }
0x2f: {  	_ =	swait.ge [sflag:s21], $0x400  }
0x30: {  	[sflag:s21] =	ssyncset.done $0x0  }
0x31: {  	[sflag:s21] =	ssyncadd.s32 $0xFFFFFC00  }
0x32: {  	[bflag:$0x0] =	sbarrier.arrive $0xFFFF  }
0x33: {  	s13 =	rddreg [dreg:$0xa]  }
0x34: {  	[tilespmem:s18], [sflag:$0x8] =	stream.linear.gather [hbm4b:s13+s18], $0x5000, $0x38;
	[tilespmem:$0x1F3F0] =	vst v63  }
0x35: {  	_ =	swait.ge [sflag:s21], $0x5000  }
0x36: {  	[sflag:s21] =	ssyncset.done $0x0  }
0x37: {  	s15 =	simm.s32 $0x5000;
	s14 =	rddreg [dreg:$0xb];
	[sflag:s21] =	ssyncadd.s32 $0xFFFFB000  }
0x38: {  	[tilespmem:s15], [sflag:$0x8] =	stream.linear.gather [hbm4b:s14+s18], $0x5000, $0x38;
	[tilespmem:$0x1F3F0] =	vst v63  }
0x39: {  	_ =	swait.ge [sflag:s21], $0x5000  }
0x3a: {  	[sflag:s21] =	ssyncset.done $0x0  }
0x3b: {  	s16 =	simm.s32 $0x0;
	[sflag:s21] =	ssyncadd.s32 $0xFFFFB000  }
0x3c: {  	[tilespmem:s26], [sflag:$0x1] =	stream.indirect.gather [hbm4b:s6+s25], $0x40, s16, s25, $0xb8;
	[tilespmem:$0x1F3F0] =	vst v63  }
0x3d: {  	s17 =	simm.s32 $0x80  }
0x3e: {  	[tilespmem:s28], [sflag:$0x2] =	stream.indirect.gather [hbm4b:s6+s25], $0x40, s17, s25, $0xb8;
	[tilespmem:$0x1F3F0] =	vst v63  }
0x3f: {  	s18 =	simm.s32 $0x100  }
0x40: {  	[tilespmem:s29], [sflag:$0x3] =	stream.indirect.gather [hbm4b:s6+s25], $0x40, s18, s25, $0xb8;
	[tilespmem:$0x1F3F0] =	vst v63  }
0x41: {  	s19 =	simm.s32 $0x180  }
0x42: {  	[tilespmem:s30], [sflag:$0x4] =	stream.indirect.gather [hbm4b:s6+s25], $0x40, s19, s25, $0xb8;
	[tilespmem:$0x1F3F0] =	vst v63  }
0x43: {  	s20 =	simm.s32 $0x200  }
0x44: {  	[tilespmem:s31], [sflag:$0x5] =	stream.indirect.gather [hbm4b:s6+s25], $0x40, s20, s25, $0xb8;
	[tilespmem:$0x1F3F0] =	vst v63  }
0x45: {  	_ =	swait.ge [sflag:s24], $0x2000  }
0x46: {  	[sflag:s24] =	ssyncset.done $0x0  }
0x47: {  	s14 =	simm.s32 $0x5000;
	[sflag:s24] =	ssyncadd.s32 $0xFFFFE000  }
0x48: {  	[spmem:s3] =	stream.indirect.scatter.add.f32 [tilespmem:s26], [sflag:$0x6], $0x40, s14, s25, $0xb8;
	[tilespmem:$0x1F3F0] =	vst v63  }
0x49: {  	_ =	swait.ge [sflag:s1], $0x2000  }
0x4a: {  	[sflag:s1] =	ssyncset.done $0x0  }
0x4b: {  	s15 =	simm.s32 $0x5080;
	[sflag:s1] =	ssyncadd.s32 $0xFFFFE000  }
0x4c: {  	[spmem:s3] =	stream.indirect.scatter.add.f32 [tilespmem:s28], [sflag:$0x6], $0x40, s15, s25, $0xb8;
	[tilespmem:$0x1F3F0] =	vst v63  }
0x4d: {  	_ =	swait.ge [sflag:s2], $0x2000  }
0x4e: {  	[sflag:s2] =	ssyncset.done $0x0  }
0x4f: {  	s16 =	simm.s32 $0x5100;
	[sflag:s2] =	ssyncadd.s32 $0xFFFFE000  }
0x50: {  	[spmem:s3] =	stream.indirect.scatter.add.f32 [tilespmem:s29], [sflag:$0x6], $0x40, s16, s25, $0xb8;
	[tilespmem:$0x1F3F0] =	vst v63  }
0x51: {  	_ =	swait.ge [sflag:s22], $0x2000  }
0x52: {  	[sflag:s22] =	ssyncset.done $0x0  }
0x53: {  	p2 =	por $0x0, $0x0;
	s17 =	simm.s32 $0x5180;
	[sflag:s22] =	ssyncadd.s32 $0xFFFFE000  }
0x54: {  	[spmem:s3] =	stream.indirect.scatter.add.f32 [tilespmem:s30], [sflag:$0x6], $0x40, s17, s25, $0xb8;
	[tilespmem:$0x1F3F0] =	vst v63  }
0x55: {  	s13 =	simm.s32 $0x1;
	s18 =	simm.s32 $0x1;
	_ =	swait.ge [sflag:s23], $0x2000  }
0x56: {  	s13 =	simm.s32 @!p1 $0x0;
	s18 =	simm.s32 @!p2 $0x0;
	[sflag:s23] =	ssyncset.done $0x0  }
0x57: {  	s19 =	simm.s32 $0x5200;
	p2 =	seq.s32 s13, s18;
	[sflag:s23] =	ssyncadd.s32 $0xFFFFE000  }
0x58: {  	[spmem:s3] =	stream.indirect.scatter.add.f32 [tilespmem:s31], [sflag:$0x6], $0x40, s19, s25, $0xb8;
	[tilespmem:$0x1F3F0] =	vst v63  }
0x59: {  	s18 =	simm.s32 @!p2 $0x80;
	s5 =	simm.s32 @!p2 $0x14000  }
0x5a: {  	[spmem:s4] =	stream.indirect.scatter.add.f32 @!p2 [tilespmem:s5], [sflag:$0x7], $0x8, s14, s18, $0xb8;
	[tilespmem:$0x1F3F0] =	vst v63  }
0x5b: {  	_ = 	snop  }
0x5c: {  	[spmem:s4] =	stream.indirect.scatter.add.f32 @!p2 [tilespmem:s5], [sflag:$0x7], $0x8, s15, s18, $0xb8;
	[tilespmem:$0x1F3F0] =	vst v63  }
0x5d: {  	_ = 	snop  }
0x5e: {  	[spmem:s4] =	stream.indirect.scatter.add.f32 @!p2 [tilespmem:s5], [sflag:$0x7], $0x8, s16, s18, $0xb8;
	[tilespmem:$0x1F3F0] =	vst v63  }
0x5f: {  	_ = 	snop  }
0x60: {  	[spmem:s4] =	stream.indirect.scatter.add.f32 @!p2 [tilespmem:s5], [sflag:$0x7], $0x8, s17, s18, $0xb8;
	[tilespmem:$0x1F3F0] =	vst v63  }
0x61: {  	_ = 	snop  }
0x62: {  	[spmem:s4] =	stream.indirect.scatter.add.f32 @!p2 [tilespmem:s5], [sflag:$0x7], $0x8, s19, s18, $0xb8;
	[tilespmem:$0x1F3F0] =	vst v63  }
0x63: {  	s5 =	simm.s32 @!p2 $0x7  }
0x64: {  	_ =	swait.ge @!p2 [sflag:s5], $0x400  }
0x65: {  	[sflag:s5] =	ssyncset.done @!p2 $0x0  }
0x66: {  	[sflag:s5] =	ssyncadd.s32 @!p2 $0xFFFFFC00  }
0x67: {  	_ =	swait.ge @!p2 [sflag:s5], $0x400  }
0x68: {  	[sflag:s5] =	ssyncset.done @!p2 $0x0  }
0x69: {  	[sflag:s5] =	ssyncadd.s32 @!p2 $0xFFFFFC00  }
0x6a: {  	_ =	swait.ge @!p2 [sflag:s5], $0x400  }
0x6b: {  	[sflag:s5] =	ssyncset.done @!p2 $0x0  }
0x6c: {  	[sflag:s5] =	ssyncadd.s32 @!p2 $0xFFFFFC00  }
0x6d: {  	_ =	swait.ge @!p2 [sflag:s5], $0x400  }
0x6e: {  	[sflag:s5] =	ssyncset.done @!p2 $0x0  }
0x6f: {  	[sflag:s5] =	ssyncadd.s32 @!p2 $0xFFFFFC00  }
0x70: {  	_ =	swait.ge @!p2 [sflag:s5], $0x400  }
0x71: {  	[sflag:s5] =	ssyncset.done @!p2 $0x0  }
0x72: {  	[sflag:s5] =	ssyncadd.s32 @!p2 $0xFFFFFC00  }
0x73: {  	_ =	swait.ge [sflag:s0], $0x2000  }
0x74: {  	[sflag:s0] =	ssyncset.done $0x0  }
0x75: {  	[sflag:s0] =	ssyncadd.s32 $0xFFFFE000  }
0x76: {  	_ =	swait.ge [sflag:s0], $0x2000  }
0x77: {  	[sflag:s0] =	ssyncset.done $0x0  }
0x78: {  	[sflag:s0] =	ssyncadd.s32 $0xFFFFE000  }
0x79: {  	_ =	swait.ge [sflag:s0], $0x2000  }
0x7a: {  	[sflag:s0] =	ssyncset.done $0x0  }
0x7b: {  	[sflag:s0] =	ssyncadd.s32 $0xFFFFE000  }
0x7c: {  	_ =	swait.ge [sflag:s0], $0x2000  }
0x7d: {  	[sflag:s0] =	ssyncset.done $0x0  }
0x7e: {  	s14 =	simm.s32 $0x1;
	[sflag:s0] =	ssyncadd.s32 $0xFFFFE000  }
0x7f: {  	s15 =	simm.s32 $0xA00;
	s16 =	simm.s32 $0x1400;
	_ =	swait.ge [sflag:s0], $0x2000  }
.LBB2_2:
0x80: {  	s17 =	sshra.s32 s15, $0x2  }
0x81: {  	[sflag:s0] =	ssyncset.done $0x0;
	s15 =	smov.u32 s16;
	s16 =	sadd.s32 $0xA00, s16  }
0x82: {  	p2 =	sne.s32 s16, $0x14000;
	[sflag:s0] =	ssyncadd.s32 $0xFFFFE000  }
0x83: {  	[tilespmem:s26], [sflag:$0x1] =	stream.indirect.gather [hbm4b:s6+s25], $0x40, s17, s25, $0xb8;
	[tilespmem:$0x1F3F0] =	vst v63  }
0x84: {  	s5 =	sadd.s32 $0x80, s17  }
0x85: {  	[tilespmem:s28], [sflag:$0x2] =	stream.indirect.gather [hbm4b:s6+s25], $0x40, s5, s25, $0xb8;
	[tilespmem:$0x1F3F0] =	vst v63  }
0x86: {  	s5 =	sadd.s32 $0x100, s17  }
0x87: {  	[tilespmem:s29], [sflag:$0x3] =	stream.indirect.gather [hbm4b:s6+s25], $0x40, s5, s25, $0xb8;
	[tilespmem:$0x1F3F0] =	vst v63  }
0x88: {  	s5 =	sadd.s32 $0x180, s17  }
0x89: {  	[tilespmem:s30], [sflag:$0x4] =	stream.indirect.gather [hbm4b:s6+s25], $0x40, s5, s25, $0xb8;
	[tilespmem:$0x1F3F0] =	vst v63  }
0x8a: {  	s5 =	sadd.s32 $0x200, s17  }
0x8b: {  	[tilespmem:s31], [sflag:$0x5] =	stream.indirect.gather [hbm4b:s6+s25], $0x40, s5, s25, $0xb8;
	[tilespmem:$0x1F3F0] =	vst v63  }
0x8c: {  	_ =	swait.ge [sflag:s24], $0x2000  }
0x8d: {  	s5 =	sadd.s32 $0x5000, s17;
	[sflag:s24] =	ssyncset.done $0x0  }
0x8e: {  	[sflag:s24] =	ssyncadd.s32 $0xFFFFE000  }
0x8f: {  	[spmem:s3] =	stream.indirect.scatter.add.f32 [tilespmem:s26], [sflag:$0x6], $0x40, s5, s25, $0xb8;
	[tilespmem:$0x1F3F0] =	vst v63  }
0x90: {  	_ =	swait.ge [sflag:s1], $0x2000  }
0x91: {  	s18 =	sadd.s32 $0x5080, s17;
	[sflag:s1] =	ssyncset.done $0x0  }
0x92: {  	[sflag:s1] =	ssyncadd.s32 $0xFFFFE000  }
0x93: {  	[spmem:s3] =	stream.indirect.scatter.add.f32 [tilespmem:s28], [sflag:$0x6], $0x40, s18, s25, $0xb8;
	[tilespmem:$0x1F3F0] =	vst v63  }
0x94: {  	_ =	swait.ge [sflag:s2], $0x2000  }
0x95: {  	s19 =	sadd.s32 $0x5100, s17;
	[sflag:s2] =	ssyncset.done $0x0  }
0x96: {  	[sflag:s2] =	ssyncadd.s32 $0xFFFFE000  }
0x97: {  	[spmem:s3] =	stream.indirect.scatter.add.f32 [tilespmem:s29], [sflag:$0x6], $0x40, s19, s25, $0xb8;
	[tilespmem:$0x1F3F0] =	vst v63  }
0x98: {  	_ =	swait.ge [sflag:s22], $0x2000  }
0x99: {  	s7 =	sadd.s32 $0x5180, s17;
	[sflag:s22] =	ssyncset.done $0x0  }
0x9a: {  	[sflag:s22] =	ssyncadd.s32 $0xFFFFE000  }
0x9b: {  	[spmem:s3] =	stream.indirect.scatter.add.f32 [tilespmem:s30], [sflag:$0x6], $0x40, s7, s25, $0xb8;
	[tilespmem:$0x1F3F0] =	vst v63  }
0x9c: {  	p3 =	sgt.u32 s14, $0xF;
	s20 =	simm.s32 $0x1;
	_ =	swait.ge [sflag:s23], $0x2000  }
0x9d: {  	s20 =	simm.s32 @!p3 $0x0;
	s17 =	sadd.s32 $0x5200, s17;
	[sflag:s23] =	ssyncset.done $0x0  }
0x9e: {  	p3 =	seq.s32 s13, s20;
	[sflag:s23] =	ssyncadd.s32 $0xFFFFE000  }
0x9f: {  	[spmem:s3] =	stream.indirect.scatter.add.f32 [tilespmem:s31], [sflag:$0x6], $0x40, s17, s25, $0xb8;
	[tilespmem:$0x1F3F0] =	vst v63  }
0xa0: {  	s20 =	simm.s32 @!p3 $0x80;
	s10 =	simm.s32 @!p3 $0x14000  }
0xa1: {  	[spmem:s4] =	stream.indirect.scatter.add.f32 @!p3 [tilespmem:s10], [sflag:$0x7], $0x8, s5, s20, $0xb8;
	[tilespmem:$0x1F3F0] =	vst v63  }
0xa2: {  	_ = 	snop  }
0xa3: {  	[spmem:s4] =	stream.indirect.scatter.add.f32 @!p3 [tilespmem:s10], [sflag:$0x7], $0x8, s18, s20, $0xb8;
	[tilespmem:$0x1F3F0] =	vst v63  }
0xa4: {  	_ = 	snop  }
0xa5: {  	[spmem:s4] =	stream.indirect.scatter.add.f32 @!p3 [tilespmem:s10], [sflag:$0x7], $0x8, s19, s20, $0xb8;
	[tilespmem:$0x1F3F0] =	vst v63  }
0xa6: {  	_ = 	snop  }
0xa7: {  	[spmem:s4] =	stream.indirect.scatter.add.f32 @!p3 [tilespmem:s10], [sflag:$0x7], $0x8, s7, s20, $0xb8;
	[tilespmem:$0x1F3F0] =	vst v63  }
0xa8: {  	s5 =	simm.s32 @!p3 $0x7  }
0xa9: {  	[spmem:s4] =	stream.indirect.scatter.add.f32 @!p3 [tilespmem:s10], [sflag:$0x7], $0x8, s17, s20, $0xb8;
	[tilespmem:$0x1F3F0] =	vst v63  }
0xaa: {  	_ =	swait.ge @!p3 [sflag:s5], $0x400  }
0xab: {  	[sflag:s5] =	ssyncset.done @!p3 $0x0  }
0xac: {  	[sflag:s5] =	ssyncadd.s32 @!p3 $0xFFFFFC00  }
0xad: {  	_ =	swait.ge @!p3 [sflag:s5], $0x400  }
0xae: {  	[sflag:s5] =	ssyncset.done @!p3 $0x0  }
0xaf: {  	[sflag:s5] =	ssyncadd.s32 @!p3 $0xFFFFFC00  }
0xb0: {  	_ =	swait.ge @!p3 [sflag:s5], $0x400  }
0xb1: {  	[sflag:s5] =	ssyncset.done @!p3 $0x0  }
0xb2: {  	[sflag:s5] =	ssyncadd.s32 @!p3 $0xFFFFFC00  }
0xb3: {  	_ =	swait.ge @!p3 [sflag:s5], $0x400  }
0xb4: {  	[sflag:s5] =	ssyncset.done @!p3 $0x0  }
0xb5: {  	[sflag:s5] =	ssyncadd.s32 @!p3 $0xFFFFFC00  }
0xb6: {  	_ =	swait.ge @!p3 [sflag:s5], $0x400  }
0xb7: {  	[sflag:s5] =	ssyncset.done @!p3 $0x0  }
0xb8: {  	[sflag:s5] =	ssyncadd.s32 @!p3 $0xFFFFFC00  }
0xb9: {  	_ =	swait.ge [sflag:s0], $0x2000  }
0xba: {  	[sflag:s0] =	ssyncset.done $0x0  }
0xbb: {  	[sflag:s0] =	ssyncadd.s32 $0xFFFFE000  }
0xbc: {  	_ =	swait.ge [sflag:s0], $0x2000  }
0xbd: {  	[sflag:s0] =	ssyncset.done $0x0  }
0xbe: {  	[sflag:s0] =	ssyncadd.s32 $0xFFFFE000  }
0xbf: {  	_ =	swait.ge [sflag:s0], $0x2000  }
0xc0: {  	[sflag:s0] =	ssyncset.done $0x0  }
.Ltmp0:
0xc1: {  	[sflag:s0] =	ssyncadd.s32 $0xFFFFE000;
	(pc) =	sbr.rel @p2 .LBB2_2-.Ltmp0, $4  }
0xc2: {  	_ =	swait.ge [sflag:s0], $0x2000  }
0xc3: {  	[sflag:s0] =	ssyncset.done $0x0  }
0xc4: {  	[sflag:s0] =	ssyncadd.s32 $0xFFFFE000  }
0xc5: {  	s14 =	sadd.s32 $0x1, s14;
	_ =	swait.ge [sflag:s0], $0x2000  }
0xc6: {  	[sflag:s0] =	ssyncset.done $0x0  }
0xc7: {  	s5 =	sshra.s32 s15, $0x2;
	[sflag:s0] =	ssyncadd.s32 $0xFFFFE000  }
0xc8: {  	[tilespmem:s26], [sflag:$0x1] =	stream.indirect.gather [hbm4b:s6+s25], $0x40, s5, s25, $0xb8;
	[tilespmem:$0x1F3F0] =	vst v63  }
0xc9: {  	s7 =	sadd.s32 $0x80, s5  }
0xca: {  	[tilespmem:s28], [sflag:$0x2] =	stream.indirect.gather [hbm4b:s6+s25], $0x40, s7, s25, $0xb8;
	[tilespmem:$0x1F3F0] =	vst v63  }
0xcb: {  	s10 =	sadd.s32 $0x100, s5  }
0xcc: {  	[tilespmem:s29], [sflag:$0x3] =	stream.indirect.gather [hbm4b:s6+s25], $0x40, s10, s25, $0xb8;
	[tilespmem:$0x1F3F0] =	vst v63  }
0xcd: {  	s15 =	sadd.s32 $0x180, s5  }
0xce: {  	[tilespmem:s30], [sflag:$0x4] =	stream.indirect.gather [hbm4b:s6+s25], $0x40, s15, s25, $0xb8;
	[tilespmem:$0x1F3F0] =	vst v63  }
0xcf: {  	s16 =	sadd.s32 $0x200, s5  }
0xd0: {  	[tilespmem:s31], [sflag:$0x5] =	stream.indirect.gather [hbm4b:s6+s25], $0x40, s16, s25, $0xb8;
	[tilespmem:$0x1F3F0] =	vst v63  }
0xd1: {  	_ =	swait.ge [sflag:s24], $0x2000  }
0xd2: {  	[sflag:s24] =	ssyncset.done $0x0  }
0xd3: {  	s7 =	sadd.s32 $0x5000, s5;
	[sflag:s24] =	ssyncadd.s32 $0xFFFFE000  }
0xd4: {  	[spmem:s3] =	stream.indirect.scatter.add.f32 [tilespmem:s26], [sflag:$0x6], $0x40, s7, s25, $0xb8;
	[tilespmem:$0x1F3F0] =	vst v63  }
0xd5: {  	_ =	swait.ge [sflag:s1], $0x2000  }
0xd6: {  	[sflag:s1] =	ssyncset.done $0x0  }
0xd7: {  	s10 =	sadd.s32 $0x5080, s5;
	[sflag:s1] =	ssyncadd.s32 $0xFFFFE000  }
0xd8: {  	[spmem:s3] =	stream.indirect.scatter.add.f32 [tilespmem:s28], [sflag:$0x6], $0x40, s10, s25, $0xb8;
	[tilespmem:$0x1F3F0] =	vst v63  }
0xd9: {  	_ =	swait.ge [sflag:s2], $0x2000  }
0xda: {  	[sflag:s2] =	ssyncset.done $0x0  }
0xdb: {  	s15 =	sadd.s32 $0x5100, s5;
	[sflag:s2] =	ssyncadd.s32 $0xFFFFE000  }
0xdc: {  	[spmem:s3] =	stream.indirect.scatter.add.f32 [tilespmem:s29], [sflag:$0x6], $0x40, s15, s25, $0xb8;
	[tilespmem:$0x1F3F0] =	vst v63  }
0xdd: {  	_ =	swait.ge [sflag:s22], $0x2000  }
0xde: {  	[sflag:s22] =	ssyncset.done $0x0  }
0xdf: {  	s16 =	sadd.s32 $0x5180, s5;
	[sflag:s22] =	ssyncadd.s32 $0xFFFFE000  }
0xe0: {  	[spmem:s3] =	stream.indirect.scatter.add.f32 [tilespmem:s30], [sflag:$0x6], $0x40, s16, s25, $0xb8;
	[tilespmem:$0x1F3F0] =	vst v63  }
0xe1: {  	p2 =	sgt.u32 s14, $0xF;
	s14 =	simm.s32 $0x1;
	_ =	swait.ge [sflag:s23], $0x2000  }
0xe2: {  	s14 =	simm.s32 @!p2 $0x0;
	[sflag:s23] =	ssyncset.done $0x0  }
0xe3: {  	p2 =	seq.s32 s13, s14;
	s5 =	sadd.s32 $0x5200, s5;
	[sflag:s23] =	ssyncadd.s32 $0xFFFFE000  }
0xe4: {  	[spmem:s3] =	stream.indirect.scatter.add.f32 [tilespmem:s31], [sflag:$0x6], $0x40, s5, s25, $0xb8;
	[tilespmem:$0x1F3F0] =	vst v63  }
0xe5: {  	s13 =	simm.s32 @!p2 $0x80;
	s14 =	simm.s32 @!p2 $0x14000  }
0xe6: {  	[spmem:s4] =	stream.indirect.scatter.add.f32 @!p2 [tilespmem:s14], [sflag:$0x7], $0x8, s7, s13, $0xb8;
	[tilespmem:$0x1F3F0] =	vst v63  }
0xe7: {  	_ = 	snop  }
0xe8: {  	[spmem:s4] =	stream.indirect.scatter.add.f32 @!p2 [tilespmem:s14], [sflag:$0x7], $0x8, s10, s13, $0xb8;
	[tilespmem:$0x1F3F0] =	vst v63  }
0xe9: {  	_ = 	snop  }
0xea: {  	[spmem:s4] =	stream.indirect.scatter.add.f32 @!p2 [tilespmem:s14], [sflag:$0x7], $0x8, s15, s13, $0xb8;
	[tilespmem:$0x1F3F0] =	vst v63  }
0xeb: {  	_ = 	snop  }
0xec: {  	[spmem:s4] =	stream.indirect.scatter.add.f32 @!p2 [tilespmem:s14], [sflag:$0x7], $0x8, s16, s13, $0xb8;
	[tilespmem:$0x1F3F0] =	vst v63  }
0xed: {  	_ = 	snop  }
0xee: {  	[spmem:s4] =	stream.indirect.scatter.add.f32 @!p2 [tilespmem:s14], [sflag:$0x7], $0x8, s5, s13, $0xb8;
	[tilespmem:$0x1F3F0] =	vst v63  }
0xef: {  	s5 =	simm.s32 @!p2 $0x7  }
0xf0: {  	_ =	swait.ge @!p2 [sflag:s5], $0x400  }
0xf1: {  	[sflag:s5] =	ssyncset.done @!p2 $0x0  }
0xf2: {  	[sflag:s5] =	ssyncadd.s32 @!p2 $0xFFFFFC00  }
0xf3: {  	_ =	swait.ge @!p2 [sflag:s5], $0x400  }
0xf4: {  	[sflag:s5] =	ssyncset.done @!p2 $0x0  }
0xf5: {  	[sflag:s5] =	ssyncadd.s32 @!p2 $0xFFFFFC00  }
0xf6: {  	_ =	swait.ge @!p2 [sflag:s5], $0x400  }
0xf7: {  	[sflag:s5] =	ssyncset.done @!p2 $0x0  }
0xf8: {  	[sflag:s5] =	ssyncadd.s32 @!p2 $0xFFFFFC00  }
0xf9: {  	_ =	swait.ge @!p2 [sflag:s5], $0x400  }
0xfa: {  	[sflag:s5] =	ssyncset.done @!p2 $0x0  }
0xfb: {  	[sflag:s5] =	ssyncadd.s32 @!p2 $0xFFFFFC00  }
0xfc: {  	_ =	swait.ge @!p2 [sflag:s5], $0x400  }
0xfd: {  	[sflag:s5] =	ssyncset.done @!p2 $0x0  }
0xfe: {  	[sflag:s5] =	ssyncadd.s32 @!p2 $0xFFFFFC00  }
0xff: {  	_ =	swait.ge [sflag:s0], $0x2000  }
0x100: {  	[sflag:s0] =	ssyncset.done $0x0  }
0x101: {  	[sflag:s0] =	ssyncadd.s32 $0xFFFFE000  }
0x102: {  	_ =	swait.ge [sflag:s0], $0x2000  }
0x103: {  	[sflag:s0] =	ssyncset.done $0x0  }
0x104: {  	[sflag:s0] =	ssyncadd.s32 $0xFFFFE000  }
0x105: {  	_ =	swait.ge [sflag:s0], $0x2000  }
0x106: {  	[sflag:s0] =	ssyncset.done $0x0  }
0x107: {  	[sflag:s0] =	ssyncadd.s32 $0xFFFFE000  }
0x108: {  	_ =	swait.ge [sflag:s0], $0x2000  }
0x109: {  	[sflag:s0] =	ssyncset.done $0x0  }
0x10a: {  	[sflag:s0] =	ssyncadd.s32 $0xFFFFE000  }
0x10b: {  	_ =	swait.ge [sflag:s0], $0x2000  }
0x10c: {  	[sflag:s0] =	ssyncset.done $0x0  }
0x10d: {  	[sflag:s0] =	ssyncadd.s32 $0xFFFFE000  }
0x10e: {  	[bflag:$0x0] =	sbarrier.arrive $0xFFFF  }
0x10f: {  	s17 =	rddreg [dreg:$0xc]  }
0x110: {  	s10 =	rddreg [dreg:$0x11]  }
0x111: {  	[hbm:s17], [sflag:s9] =	dma.local [spmem:s10], $0x1380  }
0x112: {  	_ =	swait.ge [sflag:s21], $0x1380  }
0x113: {  	[sflag:s21] =	ssyncset.done $0x0;
	s18 =	rddreg [dreg:$0xd]  }
0x114: {  	s19 =	rddreg [dreg:$0x12];
	[sflag:s21] =	ssyncadd.s32 $0xFFFFEC80  }
0x115: {  	[hbm:s18], [sflag:s9] =	dma.local [spmem:s19], $0x270  }
0x116: {  	_ =	swait.ge [sflag:s21], $0x270  }
0x117: {  	[sflag:s21] =	ssyncset.done $0x0  }
0x118: {  	s5 =	rddreg [dreg:$0xe];
	[sflag:s21] =	ssyncadd.s32 $0xFFFFFD90  }
0x119: {  	[hbm:s5], [sflag:s9] =	dma.local @!p0 [spmem:s11], $0x80  }
0x11a: {  	s5 =	simm.s32 @!p0 $0x8  }
0x11b: {  	_ =	swait.ge @!p0 [sflag:s5], $0x80  }
0x11c: {  	[sflag:s5] =	ssyncset.done @!p0 $0x0  }
0x11d: {  	s7 =	rddreg [dreg:$0xf];
	[sflag:s5] =	ssyncadd.s32 @!p0 $0xFFFFFF80  }
0x11e: {  	[hbm:s7], [sflag:s9] =	dma.local @!p0 [spmem:s12], $0x10  }
0x11f: {  	_ =	swait.ge @!p0 [sflag:s5], $0x10  }
0x120: {  	s8 =	sadd.s32 $0x1, s8;
	s20 =	rddreg [dreg:$0x10]  }
0x121: {  	p2 =	sne.s32 s8, s20  }
.Ltmp1:
0x122: {  	_ = 	snop;
	(pc) =	sbr.rel @p2 .LBB2_1-.Ltmp1, $3  }
0x123: {  	_ =	sdelay $0x1  }
0x124: {  	[sflag:s5] =	ssyncset.done @!p0 $0x0  }
0x125: {  	[sflag:s5] =	ssyncadd.s32 @!p0 $0xFFFFFFF0  }
0x126: {  	_ =	sfence.sel $0x180000  }
0x127: {  	[bflag:$0x0] =	sbarrier.arrive $0xFFFF  }
0x128: {  	_ =	strace $0x90000047  }
0x129: {  	s0 =	stileid.u32;
	[bflag:$0x2] =	sbarrier.arrive $0xFFFF  }
0x12a: {  	p0 =	sne.s32 s0, $0x0;
	s0 =	rddreg [dreg:$0x4]  }
0x12b: {  	s0 =	sadd.s32 @!p0 $0x100000, s0  }
0x12c: {  	[sflag:s0] =	ssyncadd.tile.s32 @!p0 $0x1;
	_ =	shalt  }
.Lfunc_end2:
_tile_overlayer_lowered:
.L_overlay_start_2:
0x12d: {  	(tag) =	ssettag $0x2  }
0x12e: {  	s0 =	rddreg [dreg:$0x0];
	s2 =	stileid.u32  }
0x12f: {  	s1 =	rddreg [dreg:$0x1];
	p0 =	sne.s32 s2, $0x0  }
0x130: {  	s3 =	rddreg [dreg:$0x2];
	[bflag:$0x3] =	sbarrier.arrive $0xFFFF;
	s2 =	simm.s32 @!p0 $0x1C08  }
0x131: {  	[timem:s3], [sflag:s2] =	dma.local @!p0 [hbm:s0], s1  }
0x132: {  	s0 =	simm.s32 @!p0 $0x8  }
0x133: {  	_ =	swait.ge @!p0 [sflag:s0], s1  }
0x134: {  	s1 =	ssub.s32 @!p0 $0x0, s1;
	[sflag:s0] =	ssyncset.done @!p0 $0x0  }
0x135: {  	[sflag:s0] =	ssyncadd.s32 @!p0 s1  }
0x136: {  	[bflag:$0x3] =	sbarrier.arrive $0xFFFF  }
0x137: {  	_ =	shalt  }

// kernel: kernel.9.cloned.1.call-start
scs
__scs_entry_jumppad:
0x0: {  	(pc) =	sbr.rel $0x88, $3  }
0x1: {  	(tag) =	ssettag $0x0;
	lr =	simm.s32 $0x1  }
0x2: {  	[smem:$0x3F97] =	sst lr;
	_ =	strace $0xD0000000  }
0x3: {  	_ = 	snop  }
0x4: {  	_ = 	snop  }
0x5: {  	_ = 	snop  }
0x6: {  	_ = 	snop  }
0x7: {  	_ = 	snop  }
__scs_overlays_trampoline_lowered:
0x8: {  	[smem:$0x3FA6] =	sst s0  }
0x9: {  	[smem:$0x3FA7] =	sst s1  }
0xa: {  	[smem:$0x3FA8] =	sst s2  }
0xb: {  	[smem:$0x3FA9] =	sst s3  }
0xc: {  	[smem:$0x3FAA] =	sst s4  }
0xd: {  	[smem:$0x3FAB] =	sst s5  }
0xe: {  	[smem:$0x3FAC] =	sst s6  }
0xf: {  	[smem:$0x3FAD] =	sst s7  }
0x10: {  	[smem:$0x3FAE] =	sst s8  }
0x11: {  	[smem:$0x3FAF] =	sst s9;
	s0 =	simm.s32 @!p0 $0x0  }
0x12: {  	s1 =	sld [smem:$0x3F95];
	s0 =	simm.s32 @p0 $0x1  }
0x13: {  	[smem:$0x3FB0] =	sst s0;
	s0 =	simm.s32 @!p1 $0x0  }
0x14: {  	s2 =	sld [smem:$0x3F94];
	s0 =	simm.s32 @p1 $0x1  }
0x15: {  	[smem:$0x3FB1] =	sst s0;
	s0 =	simm.s32 @!p2 $0x0  }
0x16: {  	s3 =	sld [smem:$0x3FDB];
	s0 =	simm.s32 @p2 $0x1  }
0x17: {  	s4 =	simm.s32 $0x1BF5;
	[smem:$0x3FB3] =	sst s0  }
0x18: {  	s0 =	sld [smem:$0x3F96];
	_ =	swait.ge [sflag:s4], $0x0  }
0x19: {  	s7 =	sld [smem:$0x3F97]  }
0x1a: {  	s8 =	sadd.s32 $0xFFFFE003, lr  }
0x1b: {  	s9 =	sadd.s32 $0xFFFFFEF7, lr;
	s5 =	simm.s32 $0xFFFFFFFF;
	p2 =	slt.u32 s8, $0xFFFFF086  }
0x1c: {  	p1 =	slt.u32 s9, $0xF7A;
	s5 =	simm.s32 @!p2 $0x0  }
0x1d: {  	s5 =	simm.s32 @p1 $0x1;
	p0 =	seq.s32 s7, s2  }
0x1e: {  	s7 =	smul.u32 @!p0 $0xF7A, s2;
	p2 =	seq.s32 @!p0 s5, $0x0  }
0x1f: {  	s9 =	smul.u32 $0xF7A, s1;
	s8 =	simm.s32 @!p0 $0x1BF5;
	p2 =	por !p2, p0  }
0x20: {  	[sflag:s8] =	ssyncset.s32 @!p0 $0xFFFFF086;
	s6 =	sadd.s32 @!p0 s3, s7;
	s7 =	simm.s32 @!p0 $0x108  }
0x21: {  	s3 =	sadd.s32 s3, s9;
	s6 =	sadd.s32 @!p0 $0x88, s6;
	s7 =	simm.s32 @p2 $0x1082  }
0x22: {  	[simem:s7], [sflag:s8] =	dma.local @!p0 [hbm:s6], $0xF7A  }
0x23: {  	s9 =	sor.u32 $0xD0000000, s2;
	s6 =	simm.s32 $0x108;
	_ =	swait.ge @!p0 [sflag:s8], $0x0  }
0x24: {  	s3 =	sadd.s32 $0x88, s3;
	s6 =	simm.s32 @!p1 $0x1082;
	[sflag:s4] =	ssyncset.s32 $0xFFFFF086  }
0x25: {  	[simem:s6], [sflag:s4] =	dma.local [hbm:s3], $0xF7A  }
0x26: {  	[smem:$0x3F97] =	sst s1;
	(tag) =	ssettag s2;
	_ =	strace s9  }
0x27: {  	s1 =	sld [smem:$0x3FA7]  }
0x28: {  	s2 =	sld [smem:$0x3FA8]  }
0x29: {  	s4 =	sld [smem:$0x3FAA]  }
0x2a: {  	p0 =	seq.s32 s5, $0x0;
	s5 =	sld [smem:$0x3FAB]  }
0x2b: {  	s6 =	sld [smem:$0x3FAC]  }
0x2c: {  	s7 =	sld [smem:$0x3FAD]  }
0x2d: {  	s3 =	simm.s32 $0x108;
	s8 =	sld [smem:$0x3FAE]  }
0x2e: {  	s3 =	simm.s32 @!p0 $0x1082;
	s9 =	sld [smem:$0x3FAF]  }
0x2f: {  	lr =	sadd.s32 s0, s3;
	s0 =	sld [smem:$0x3FA6]  }
0x30: {  	s3 =	sld [smem:$0x3FA9]  }
0x31: {  	[smem:$0x3FB2] =	sst s10  }
0x32: {  	s10 =	sld [smem:$0x3FB0];
	_ =	sdelay $0x3  }
0x33: {  	p0 =	seq.s32 s10, $0x1;
	s10 =	sld [smem:$0x3FB2];
	_ =	sdelay $0x3  }
0x34: {  	[smem:$0x3FB2] =	sst s10  }
0x35: {  	s10 =	sld [smem:$0x3FB1];
	_ =	sdelay $0x3  }
0x36: {  	p1 =	seq.s32 s10, $0x1;
	s10 =	sld [smem:$0x3FB2];
	_ =	sdelay $0x3  }
0x37: {  	[smem:$0x3FB2] =	sst s10  }
0x38: {  	s10 =	sld [smem:$0x3FB3]  }
0x39: {  	_ = 	snop;
	(pc) =	sbr.ind lr, $3  }
0x3a: {  	_ = 	snop  }
0x3b: {  	_ = 	snop  }
0x3c: {  	p2 =	seq.s32 s10, $0x1;
	s10 =	sld [smem:$0x3FB2]  }
0x3d: {  	_ =	shalt  }
0x3e: {  	_ =	shalt  }
0x3f: {  	_ =	shalt  }
0x40: {  	_ =	shalt  }
0x41: {  	_ =	shalt  }
0x42: {  	_ =	shalt  }
0x43: {  	_ =	shalt  }
0x44: {  	_ =	shalt  }
0x45: {  	_ =	shalt  }
0x46: {  	_ =	shalt  }
0x47: {  	_ =	shalt  }
0x48: {  	_ =	shalt  }
0x49: {  	_ =	shalt  }
0x4a: {  	_ =	shalt  }
0x4b: {  	_ =	shalt  }
0x4c: {  	_ =	shalt  }
0x4d: {  	_ =	shalt  }
0x4e: {  	_ =	shalt  }
0x4f: {  	_ =	shalt  }
0x50: {  	_ =	shalt  }
0x51: {  	_ =	shalt  }
0x52: {  	_ =	shalt  }
0x53: {  	_ =	shalt  }
0x54: {  	_ =	shalt  }
0x55: {  	_ =	shalt  }
0x56: {  	_ =	shalt  }
0x57: {  	_ =	shalt  }
0x58: {  	_ =	shalt  }
0x59: {  	_ =	shalt  }
0x5a: {  	_ =	shalt  }
0x5b: {  	_ =	shalt  }
0x5c: {  	_ =	shalt  }
0x5d: {  	_ =	shalt  }
0x5e: {  	_ =	shalt  }
0x5f: {  	_ =	shalt  }
0x60: {  	_ =	shalt  }
0x61: {  	_ =	shalt  }
0x62: {  	_ =	shalt  }
0x63: {  	_ =	shalt  }
0x64: {  	_ =	shalt  }
0x65: {  	_ =	shalt  }
0x66: {  	_ =	shalt  }
0x67: {  	_ =	shalt  }
0x68: {  	_ =	shalt  }
0x69: {  	_ =	shalt  }
0x6a: {  	_ =	shalt  }
0x6b: {  	_ =	shalt  }
0x6c: {  	_ =	shalt  }
0x6d: {  	_ =	shalt  }
0x6e: {  	_ =	shalt  }
0x6f: {  	_ =	shalt  }
0x70: {  	_ =	shalt  }
0x71: {  	_ =	shalt  }
0x72: {  	_ =	shalt  }
0x73: {  	_ =	shalt  }
0x74: {  	_ =	shalt  }
0x75: {  	_ =	shalt  }
0x76: {  	_ =	shalt  }
0x77: {  	_ =	shalt  }
0x78: {  	_ =	shalt  }
0x79: {  	_ =	shalt  }
0x7a: {  	_ =	shalt  }
0x7b: {  	_ =	shalt  }
0x7c: {  	_ =	shalt  }
0x7d: {  	_ =	shalt  }
0x7e: {  	_ =	shalt  }
0x7f: {  	_ =	shalt  }
0x80: {  	_ =	shalt  }
0x81: {  	_ =	shalt  }
0x82: {  	_ =	shalt  }
0x83: {  	_ =	shalt  }
0x84: {  	_ =	shalt  }
0x85: {  	_ =	shalt  }
0x86: {  	_ =	shalt  }
0x87: {  	_ =	shalt  }
.Lfunc_end0:
.L_simem_size_0:
called_computation.1_lowered:
.L_overlay_start_0:
0x88: {  	s2 =	sld [smem:$0x3FD9]  }
0x89: {  	s3 =	sld [smem:$0x3FFE];
	_ =	sdelay $0x1  }
0x8a: {  	s1 =	srdreg.scid  }
0x8b: {  	s0 =	sand.u32 $0x1, s1  }
0x8c: {  	s17 =	sshll.u32 s0, $0xA;
	s2 =	sadd.s32 s3, s2  }
0x8d: {  	s2 =	sadd.s32 s2, s17  }
0x8e: {  	[smem:$0x3FBE] =	sst s2  }
0x8f: {  	_ = 	snop  }
0x90: {  	s2 =	sld [smem:$0x3FD0];
	(tm) =	ssettm $0x1  }
0x91: {  	s18 =	sld [smem:$0x3FFB];
	_ =	sdelay $0x3  }
0x92: {  	_ =	strace s18  }
0x93: {  	s3 =	sld [smem:$0x3FFC];
	_ =	sdelay $0x3  }
0x94: {  	_ =	strace s3  }
0x95: {  	s3 =	sld [smem:$0x3FFD];
	_ =	sdelay $0x3  }
0x96: {  	_ =	strace s3  }
0x97: {  	_ =	strace $0x8FFFFFFF  }
0x98: {  	s19 =	sld [smem:$0x3FDB];
	_ =	sdelay $0x1  }
0x99: {  	s4 =	simm.s32 $_scs_section_size  }
0x9a: {  	s5 =	simm.s32 $_size__tile_overlayer_lowered;
	s6 =	simm.s32 $_tile_overlayer_lowered  }
0x9b: {  	s22 =	simm.s32 $0x1BFF;
	s21 =	sshll.u32 s6, $0x1;
	s3 =	sadd.s32 s4, s19  }
0x9c: {  	s7 =	simm.s32 $0x0;
	s20 =	sshll.u32 s5, $0x1;
	s5 =	sadd.s32 s21, s3  }
0x9d: {  	[timem:s7], [sflag:s22] =	dma.local [hbm:s5], s20  }
0x9e: {  	_ =	swait.ge [sflag:s22], s20  }
0x9f: {  	s4 =	ssub.s32 $0x0, s20;
	[sflag:s22] =	ssyncset.done $0x0  }
0xa0: {  	[sflag:s22] =	ssyncadd.s32 s4;
	_ =	sdelay $0x1  }
0xa1: {  	s23 =	simm.s32 $0x1B8B  }
0xa2: {  	_ =	swait.ge [sflag:s23], $0x1  }
0xa3: {  	[sflag:s23] =	ssyncset.done $0x0  }
0xa4: {  	s25 =	simm.s32 $0x1B8E;
	s24 =	sld [smem:$0x3FFE];
	[sflag:s23] =	ssyncadd.s32 $0xFFFFFFFF  }
0xa5: {  	s26 =	simm.s32 $execute0_lowered;
	[smem:$0x3FD2] =	sst s25  }
0xa6: {  	s5 =	sshll.u32 s26, $0x1;
	_ =	strace $0x80000049;
	[dreg:$0x1] =	wrdreg $0xFFFFFFFF  }
0xa7: {  	s28 =	simm.s32 $_size_execute0_lowered;
	s3 =	sadd.s32 s3, s5;
	[dreg:$0x0] =	wrdreg $0x0  }
0xa8: {  	s5 =	sshll.u32 s28, $0x1;
	[dreg:$0x2] =	wrdreg s3  }
0xa9: {  	[dreg:$0x3] =	wrdreg s5  }
0xaa: {  	[dreg:$0x4] =	wrdreg $0xC0  }
0xab: {  	_ =	task [dreg:s7], $0x5FFFF  }
0xac: {  	[dreg:$0x1] =	wrdreg $0xFFFFFFFF  }
0xad: {  	[dreg:$0x0] =	wrdreg $0x60  }
0xae: {  	[dreg:$0x2] =	wrdreg s24  }
0xaf: {  	[dreg:$0x3] =	wrdreg s2  }
0xb0: {  	[dreg:$0x4] =	wrdreg $0x78000  }
0xb1: {  	[dreg:$0x5] =	wrdreg $0x9  }
0xb2: {  	_ =	task.clear_ibuf [dreg:s7], $0x6FFFF;
	_ =	strace $0x90000049  }
0xb3: {  	s29 =	simm.s32 $0x9;
	_ =	strace $0x8000004B  }
0xb4: {  	_ =	swait.ge [sflag:s29], $0x1  }
0xb5: {  	[sflag:s29] =	ssyncadd.s32 $0xFFFFFFFF  }
0xb6: {  	_ =	strace $0x9000004B  }
0xb7: {  	_ =	sfence  }
0xb8: {  	s30 =	sld [smem:$0x0];
	_ =	sdelay $0x2  }
0xb9: {  	s31 =	sshll.u32 s1, $0xD;
	s1 =	sshrl.u32 s1, $0x2  }
0xba: {  	s3 =	sand.u32 $0x4000, s31;
	s1 =	sadd.s32 s1, s30  }
0xbb: {  	s0 =	sor.u32 s3, s0;
	s1 =	sshll.u32 s1, $0x11  }
0xbc: {  	s0 =	sor.u32 s1, s0  }
0xbd: {  	s0 =	sadd.s32 $0x8F2B, s0  }
0xbe: {  	[sflag:s0] =	ssyncadd.remote.s32 $0x1  }
0xbf: {  	_ =	sfence.sel $0xFFFF  }
0xc0: {  	[dreg:$0x0] =	wrdreg $0xFFFFFFFF;
	(pc) =	sbr.abs _section_cstart, $3  }
0xc1: {  	[dreg:$0x1] =	wrdreg $0xFFFFFFFF  }
0xc2: {  	_ =	task.clear_ibuf [dreg:s7], $0x2FFFF;
	_ =	strace $0x9FFFFFFF  }
0xc3: {  	(tm) =	ssettm $0x7FFFFFFF  }
tec
execute0_lowered:
.L_overlay_start_1:
0x0: {  	(tag) =	ssettag $0x1  }
0x1: {  	s0 =	rddreg [dreg:$0x0]  }
0x2: {  	s3 =	rddreg [dreg:$0x2]  }
0x3: {  	s1 =	srdreg.scid;
	s11 =	stileid.u32;
	s4 =	simm.s32 $0x0  }
0x4: {  	s13 =	simm.s32 $0xC;
	s16 =	simm.s32 $0x80;
	s17 =	simm.s32 $0x5000  }
0x5: {  	s18 =	simm.s32 $0x5400;
	s19 =	simm.s32 $0x5800;
	s20 =	simm.s32 $0x5C00  }
0x6: {  	s21 =	simm.s32 $0x6000;
	s22 =	simm.s32 $0x6400;
	s28 =	simm.s32 $0x1  }
0x7: {  	s29 =	simm.s32 $0x2;
	s30 =	simm.s32 $0x3;
	s31 =	simm.s32 $0x4  }
0x8: {  	s15 =	simm.s32 $0x7;
	s1 =	sand.u32 $0x1, s1;
	s2 =	sshll.u32 s11, $0x1  }
0x9: {  	[smem:$0x7FF] =	sst s4;
	s5 =	sadd.s32 $0xBE00, s0;
	s6 =	smul.u32 $0x4E00, s11  }
0xa: {  	s24 =	smul.u32 $0x270, s11;
	s25 =	sshll.u32 s11, $0x6;
	s10 =	sadd.s32 $0x13800, s3  }
0xb: {  	p0 =	sne.s32 s11, $0xF;
	s2 =	sor.u32 s1, s2;
	s9 =	smul.u32 $0x13880, s1  }
0xc: {  	_ =	strace $0x8000004A;
	s23 =	ssub.s32 $0x2, s1;
	s1 =	smul.u32 $0x2710, s1  }
0xd: {  	s14 =	sshrl.u32 @!p0 s10, $0x3;
	s2 =	smul.u32 $0x500, s2;
	s7 =	sshrl.u32 s23, $0x1  }
0xe: {  	s6 =	sshrl.u32 s6, $0x2;
	[dreg:$0xa] =	wrdreg s14;
	s4 =	ssub.s32 s23, s7  }
0xf: {  	s8 =	sadd.s32 s6, s3;
	s6 =	sor.u32 $0x1C0C, s25;
	s9 =	sshrl.u32 s9, $0x3  }
0x10: {  	s23 =	simm.s32 $0x6800;
	s25 =	simm.s32 $0x7000;
	s2 =	sadd.s32 s2, s0  }
0x11: {  	s0 =	sadd.s32 $0xE600, s0;
	s26 =	smax.u32 s4, $0x1;
	s4 =	simm.s32 $0x9  }
0x12: {  	s12 =	sadd.s32 $0x1E00, s2;
	s7 =	sadd.s32 s0, s24;
	s2 =	sadd.s32 $0x33000, s2  }
0x13: {  	s0 =	sadd.s32 s0, s9;
	[dreg:$0x8] =	wrdreg s26;
	s24 =	simm.s32 $0x6C00  }
0x14: {  	s26 =	simm.s32 $0x7400;
	s9 =	simm.s32 $0x0;
	[dreg:$0x4] =	wrdreg s12  }
0x15: {  	[dreg:$0x5] =	wrdreg s2;
	s1 =	sadd.s32 s1, s7;
	s0 =	sadd.s32 $0x2700, s0  }
0x16: {  	s12 =	sshrl.u32 s8, $0x3;
	s2 =	simm.s32 $0x8;
	[dreg:$0x6] =	wrdreg s1  }
0x17: {  	s7 =	simm.s32 $0xA;
	s8 =	simm.s32 $0xB;
	[dreg:$0x7] =	wrdreg s0  }
0x18: {  	s0 =	simm.s32 $0x5;
	s1 =	simm.s32 $0x6;
	[dreg:$0x9] =	wrdreg s12  }
.LBB2_1:
0x19: {  	s10 =	rddreg [dreg:$0x1]  }
0x1a: {  	[spmem:s12], [sflag:s6] =	dma.local [hbm:s10], $0x270  }
0x1b: {  	_ =	swait.ge [sflag:s13], $0x270  }
0x1c: {  	[sflag:s13] =	ssyncset.done $0x0  }
0x1d: {  	[sflag:s13] =	ssyncadd.s32 $0xFFFFFD90  }
0x1e: {  	[spmem:s14], [sflag:s6] =	dma.local @!p0 [hbm:s10], $0x18  }
0x1f: {  	s10 =	simm.s32 @!p0 $0xC  }
0x20: {  	_ =	swait.ge @!p0 [sflag:s10], $0x18  }
0x21: {  	[sflag:s10] =	ssyncset.done @!p0 $0x0  }
0x22: {  	s11 =	rddreg [dreg:$0x4];
	[sflag:s10] =	ssyncadd.s32 @!p0 $0xFFFFFFE8;
	s10 =	simm.s32 $0x0  }
0x23: {  	[tilespmem:s10], [sflag:$0xC] =	stream.linear.gather [hbm4b:s11+s10], $0x2800, $0x38;
	[tilespmem:$0x8B90] =	vst v63  }
0x24: {  	_ =	swait.ge [sflag:s13], $0x2800  }
0x25: {  	[sflag:s13] =	ssyncset.done $0x0  }
0x26: {  	s14 =	simm.s32 $0x2800;
	s12 =	rddreg [dreg:$0x5];
	[sflag:s13] =	ssyncadd.s32 $0xFFFFD800  }
0x27: {  	[tilespmem:s14], [sflag:$0xC] =	stream.linear.gather [hbm4b:s12+s10], $0x2800, $0x38;
	[tilespmem:$0x8B90] =	vst v63  }
0x28: {  	_ =	swait.ge [sflag:s13], $0x2800  }
0x29: {  	[sflag:s13] =	ssyncset.done $0x0  }
0x2a: {  	[sflag:s13] =	ssyncadd.s32 $0xFFFFD800  }
0x2b: {  	s12 =	simm.s32 $0x0;
	[bflag:$0x0] =	sbarrier.arrive $0xFFFF  }
0x2c: {  	[tilespmem:s17], [sflag:$0x1] =	stream.indirect.gather [hbm4b:s5+s16], $0x8, s12, s16, $0xb8;
	[tilespmem:$0x8B90] =	vst v63  }
0x2d: {  	s14 =	simm.s32 $0x80  }
0x2e: {  	[tilespmem:s18], [sflag:$0x2] =	stream.indirect.gather [hbm4b:s5+s16], $0x8, s14, s16, $0xb8;
	[tilespmem:$0x8B90] =	vst v63  }
0x2f: {  	s11 =	simm.s32 $0x100  }
0x30: {  	[tilespmem:s19], [sflag:$0x3] =	stream.indirect.gather [hbm4b:s5+s16], $0x8, s11, s16, $0xb8;
	[tilespmem:$0x8B90] =	vst v63  }
0x31: {  	s12 =	simm.s32 $0x180  }
0x32: {  	[tilespmem:s20], [sflag:$0x4] =	stream.indirect.gather [hbm4b:s5+s16], $0x8, s12, s16, $0xb8;
	[tilespmem:$0x8B90] =	vst v63  }
0x33: {  	s14 =	simm.s32 $0x200  }
0x34: {  	[tilespmem:s21], [sflag:$0x5] =	stream.indirect.gather [hbm4b:s5+s16], $0x8, s14, s16, $0xb8;
	[tilespmem:$0x8B90] =	vst v63  }
0x35: {  	s11 =	simm.s32 $0x280  }
0x36: {  	[tilespmem:s22], [sflag:$0x6] =	stream.indirect.gather [hbm4b:s5+s16], $0x8, s11, s16, $0xb8;
	[tilespmem:$0x8B90] =	vst v63  }
0x37: {  	s12 =	simm.s32 $0x300  }
0x38: {  	[tilespmem:s23], [sflag:$0x7] =	stream.indirect.gather [hbm4b:s5+s16], $0x8, s12, s16, $0xb8;
	[tilespmem:$0x8B90] =	vst v63  }
0x39: {  	s14 =	simm.s32 $0x380  }
0x3a: {  	[tilespmem:s24], [sflag:$0x8] =	stream.indirect.gather [hbm4b:s5+s16], $0x8, s14, s16, $0xb8;
	[tilespmem:$0x8B90] =	vst v63  }
0x3b: {  	s11 =	simm.s32 $0x400  }
0x3c: {  	[tilespmem:s25], [sflag:$0x9] =	stream.indirect.gather [hbm4b:s5+s16], $0x8, s11, s16, $0xb8;
	[tilespmem:$0x8B90] =	vst v63  }
0x3d: {  	s12 =	simm.s32 $0x480  }
0x3e: {  	[tilespmem:s26], [sflag:$0xA] =	stream.indirect.gather [hbm4b:s5+s16], $0x8, s12, s16, $0xb8;
	[tilespmem:$0x8B90] =	vst v63  }
0x3f: {  	_ =	swait.ge [sflag:s28], $0x400  }
0x40: {  	[sflag:s28] =	ssyncset.done $0x0  }
0x41: {  	s14 =	simm.s32 $0x2800;
	[sflag:s28] =	ssyncadd.s32 $0xFFFFFC00  }
0x42: {  	[spmem:s3] =	stream.indirect.scatter.add.f32 [tilespmem:s17], [sflag:$0xB], $0x8, s14, s16, $0xb8;
	[tilespmem:$0x8B90] =	vst v63  }
0x43: {  	_ =	swait.ge [sflag:s29], $0x400  }
0x44: {  	[sflag:s29] =	ssyncset.done $0x0  }
0x45: {  	s11 =	simm.s32 $0x2880;
	[sflag:s29] =	ssyncadd.s32 $0xFFFFFC00  }
0x46: {  	[spmem:s3] =	stream.indirect.scatter.add.f32 [tilespmem:s18], [sflag:$0xB], $0x8, s11, s16, $0xb8;
	[tilespmem:$0x8B90] =	vst v63  }
0x47: {  	_ =	swait.ge [sflag:s30], $0x400  }
0x48: {  	[sflag:s30] =	ssyncset.done $0x0  }
0x49: {  	s12 =	simm.s32 $0x2900;
	[sflag:s30] =	ssyncadd.s32 $0xFFFFFC00  }
0x4a: {  	[spmem:s3] =	stream.indirect.scatter.add.f32 [tilespmem:s19], [sflag:$0xB], $0x8, s12, s16, $0xb8;
	[tilespmem:$0x8B90] =	vst v63  }
0x4b: {  	_ =	swait.ge [sflag:s31], $0x400  }
0x4c: {  	[sflag:s31] =	ssyncset.done $0x0  }
0x4d: {  	s14 =	simm.s32 $0x2980;
	[sflag:s31] =	ssyncadd.s32 $0xFFFFFC00  }
0x4e: {  	[spmem:s3] =	stream.indirect.scatter.add.f32 [tilespmem:s20], [sflag:$0xB], $0x8, s14, s16, $0xb8;
	[tilespmem:$0x8B90] =	vst v63  }
0x4f: {  	_ =	swait.ge [sflag:s0], $0x400  }
0x50: {  	[sflag:s0] =	ssyncset.done $0x0  }
0x51: {  	s11 =	simm.s32 $0x2A00;
	[sflag:s0] =	ssyncadd.s32 $0xFFFFFC00  }
0x52: {  	[spmem:s3] =	stream.indirect.scatter.add.f32 [tilespmem:s21], [sflag:$0xB], $0x8, s11, s16, $0xb8;
	[tilespmem:$0x8B90] =	vst v63  }
0x53: {  	_ =	swait.ge [sflag:s1], $0x400  }
0x54: {  	[sflag:s1] =	ssyncset.done $0x0  }
0x55: {  	s12 =	simm.s32 $0x2A80;
	[sflag:s1] =	ssyncadd.s32 $0xFFFFFC00  }
0x56: {  	[spmem:s3] =	stream.indirect.scatter.add.f32 [tilespmem:s22], [sflag:$0xB], $0x8, s12, s16, $0xb8;
	[tilespmem:$0x8B90] =	vst v63  }
0x57: {  	_ =	swait.ge [sflag:s15], $0x400  }
0x58: {  	[sflag:s15] =	ssyncset.done $0x0  }
0x59: {  	s14 =	simm.s32 $0x2B00;
	[sflag:s15] =	ssyncadd.s32 $0xFFFFFC00  }
0x5a: {  	[spmem:s3] =	stream.indirect.scatter.add.f32 [tilespmem:s23], [sflag:$0xB], $0x8, s14, s16, $0xb8;
	[tilespmem:$0x8B90] =	vst v63  }
0x5b: {  	_ =	swait.ge [sflag:s2], $0x400  }
0x5c: {  	[sflag:s2] =	ssyncset.done $0x0  }
0x5d: {  	s11 =	simm.s32 $0x2B80;
	[sflag:s2] =	ssyncadd.s32 $0xFFFFFC00  }
0x5e: {  	[spmem:s3] =	stream.indirect.scatter.add.f32 [tilespmem:s24], [sflag:$0xB], $0x8, s11, s16, $0xb8;
	[tilespmem:$0x8B90] =	vst v63  }
0x5f: {  	_ =	swait.ge [sflag:s4], $0x400  }
0x60: {  	[sflag:s4] =	ssyncset.done $0x0  }
0x61: {  	s12 =	simm.s32 $0x2C00;
	[sflag:s4] =	ssyncadd.s32 $0xFFFFFC00  }
0x62: {  	[spmem:s3] =	stream.indirect.scatter.add.f32 [tilespmem:s25], [sflag:$0xB], $0x8, s12, s16, $0xb8;
	[tilespmem:$0x8B90] =	vst v63  }
0x63: {  	_ =	swait.ge [sflag:s7], $0x400  }
0x64: {  	[sflag:s7] =	ssyncset.done $0x0  }
0x65: {  	s14 =	simm.s32 $0x2C80;
	[sflag:s7] =	ssyncadd.s32 $0xFFFFFC00  }
0x66: {  	[spmem:s3] =	stream.indirect.scatter.add.f32 [tilespmem:s26], [sflag:$0xB], $0x8, s14, s16, $0xb8;
	[tilespmem:$0x8B90] =	vst v63  }
0x67: {  	_ =	swait.ge [sflag:s8], $0x400  }
0x68: {  	[sflag:s8] =	ssyncset.done $0x0  }
0x69: {  	[sflag:s8] =	ssyncadd.s32 $0xFFFFFC00  }
0x6a: {  	_ =	swait.ge [sflag:s8], $0x400  }
0x6b: {  	[sflag:s8] =	ssyncset.done $0x0  }
0x6c: {  	[sflag:s8] =	ssyncadd.s32 $0xFFFFFC00  }
0x6d: {  	_ =	swait.ge [sflag:s8], $0x400  }
0x6e: {  	[sflag:s8] =	ssyncset.done $0x0  }
0x6f: {  	[sflag:s8] =	ssyncadd.s32 $0xFFFFFC00  }
0x70: {  	_ =	swait.ge [sflag:s8], $0x400  }
0x71: {  	[sflag:s8] =	ssyncset.done $0x0  }
0x72: {  	[sflag:s8] =	ssyncadd.s32 $0xFFFFFC00  }
0x73: {  	_ =	swait.ge [sflag:s8], $0x400  }
0x74: {  	[sflag:s8] =	ssyncset.done $0x0  }
0x75: {  	[sflag:s8] =	ssyncadd.s32 $0xFFFFFC00  }
0x76: {  	_ =	swait.ge [sflag:s8], $0x400  }
0x77: {  	[sflag:s8] =	ssyncset.done $0x0  }
0x78: {  	[sflag:s8] =	ssyncadd.s32 $0xFFFFFC00  }
0x79: {  	_ =	swait.ge [sflag:s8], $0x400  }
0x7a: {  	[sflag:s8] =	ssyncset.done $0x0  }
0x7b: {  	[sflag:s8] =	ssyncadd.s32 $0xFFFFFC00  }
0x7c: {  	_ =	swait.ge [sflag:s8], $0x400  }
0x7d: {  	[sflag:s8] =	ssyncset.done $0x0  }
0x7e: {  	[sflag:s8] =	ssyncadd.s32 $0xFFFFFC00  }
0x7f: {  	_ =	swait.ge [sflag:s8], $0x400  }
0x80: {  	[sflag:s8] =	ssyncset.done $0x0  }
0x81: {  	[sflag:s8] =	ssyncadd.s32 $0xFFFFFC00  }
0x82: {  	_ =	swait.ge [sflag:s8], $0x400  }
0x83: {  	s10 =	simm.s32 $0x1400;
	s11 =	simm.s32 $0x2800;
	[sflag:s8] =	ssyncset.done $0x0  }
.LBB2_2:
0x84: {  	s12 =	sshra.s32 s10, $0x2  }
0x85: {  	[sflag:s8] =	ssyncadd.s32 $0xFFFFFC00;
	s10 =	smov.u32 s11;
	s14 =	sadd.s32 $0x1400, s11  }
0x86: {  	[tilespmem:s17], [sflag:$0x1] =	stream.indirect.gather [hbm4b:s5+s16], $0x8, s12, s16, $0xb8;
	[tilespmem:$0x8B90] =	vst v63  }
0x87: {  	p1 =	sne.s32 s11, $0x8C00;
	s11 =	sadd.s32 $0x80, s12  }
0x88: {  	[tilespmem:s18], [sflag:$0x2] =	stream.indirect.gather [hbm4b:s5+s16], $0x8, s11, s16, $0xb8;
	[tilespmem:$0x8B90] =	vst v63  }
0x89: {  	s11 =	sadd.s32 $0x100, s12  }
0x8a: {  	[tilespmem:s19], [sflag:$0x3] =	stream.indirect.gather [hbm4b:s5+s16], $0x8, s11, s16, $0xb8;
	[tilespmem:$0x8B90] =	vst v63  }
0x8b: {  	s11 =	sadd.s32 $0x180, s12  }
0x8c: {  	[tilespmem:s20], [sflag:$0x4] =	stream.indirect.gather [hbm4b:s5+s16], $0x8, s11, s16, $0xb8;
	[tilespmem:$0x8B90] =	vst v63  }
0x8d: {  	s11 =	sadd.s32 $0x200, s12  }
0x8e: {  	[tilespmem:s21], [sflag:$0x5] =	stream.indirect.gather [hbm4b:s5+s16], $0x8, s11, s16, $0xb8;
	[tilespmem:$0x8B90] =	vst v63  }
0x8f: {  	s11 =	sadd.s32 $0x280, s12  }
0x90: {  	[tilespmem:s22], [sflag:$0x6] =	stream.indirect.gather [hbm4b:s5+s16], $0x8, s11, s16, $0xb8;
	[tilespmem:$0x8B90] =	vst v63  }
0x91: {  	s11 =	sadd.s32 $0x300, s12  }
0x92: {  	[tilespmem:s23], [sflag:$0x7] =	stream.indirect.gather [hbm4b:s5+s16], $0x8, s11, s16, $0xb8;
	[tilespmem:$0x8B90] =	vst v63  }
0x93: {  	s11 =	sadd.s32 $0x380, s12  }
0x94: {  	[tilespmem:s24], [sflag:$0x8] =	stream.indirect.gather [hbm4b:s5+s16], $0x8, s11, s16, $0xb8;
	[tilespmem:$0x8B90] =	vst v63  }
0x95: {  	s11 =	sadd.s32 $0x400, s12  }
0x96: {  	[tilespmem:s25], [sflag:$0x9] =	stream.indirect.gather [hbm4b:s5+s16], $0x8, s11, s16, $0xb8;
	[tilespmem:$0x8B90] =	vst v63  }
0x97: {  	s11 =	sadd.s32 $0x480, s12  }
0x98: {  	[tilespmem:s26], [sflag:$0xA] =	stream.indirect.gather [hbm4b:s5+s16], $0x8, s11, s16, $0xb8;
	[tilespmem:$0x8B90] =	vst v63  }
0x99: {  	_ =	swait.ge [sflag:s28], $0x400  }
0x9a: {  	[sflag:s28] =	ssyncset.done $0x0  }
0x9b: {  	s11 =	sadd.s32 $0x2800, s12;
	[sflag:s28] =	ssyncadd.s32 $0xFFFFFC00  }
0x9c: {  	[spmem:s3] =	stream.indirect.scatter.add.f32 [tilespmem:s17], [sflag:$0xB], $0x8, s11, s16, $0xb8;
	[tilespmem:$0x8B90] =	vst v63  }
0x9d: {  	_ =	swait.ge [sflag:s29], $0x400  }
0x9e: {  	[sflag:s29] =	ssyncset.done $0x0  }
0x9f: {  	s11 =	sadd.s32 $0x2880, s12;
	[sflag:s29] =	ssyncadd.s32 $0xFFFFFC00  }
0xa0: {  	[spmem:s3] =	stream.indirect.scatter.add.f32 [tilespmem:s18], [sflag:$0xB], $0x8, s11, s16, $0xb8;
	[tilespmem:$0x8B90] =	vst v63  }
0xa1: {  	_ =	swait.ge [sflag:s30], $0x400  }
0xa2: {  	[sflag:s30] =	ssyncset.done $0x0  }
0xa3: {  	s11 =	sadd.s32 $0x2900, s12;
	[sflag:s30] =	ssyncadd.s32 $0xFFFFFC00  }
0xa4: {  	[spmem:s3] =	stream.indirect.scatter.add.f32 [tilespmem:s19], [sflag:$0xB], $0x8, s11, s16, $0xb8;
	[tilespmem:$0x8B90] =	vst v63  }
0xa5: {  	_ =	swait.ge [sflag:s31], $0x400  }
0xa6: {  	[sflag:s31] =	ssyncset.done $0x0  }
0xa7: {  	s11 =	sadd.s32 $0x2980, s12;
	[sflag:s31] =	ssyncadd.s32 $0xFFFFFC00  }
0xa8: {  	[spmem:s3] =	stream.indirect.scatter.add.f32 [tilespmem:s20], [sflag:$0xB], $0x8, s11, s16, $0xb8;
	[tilespmem:$0x8B90] =	vst v63  }
0xa9: {  	_ =	swait.ge [sflag:s0], $0x400  }
0xaa: {  	[sflag:s0] =	ssyncset.done $0x0  }
0xab: {  	s11 =	sadd.s32 $0x2A00, s12;
	[sflag:s0] =	ssyncadd.s32 $0xFFFFFC00  }
0xac: {  	[spmem:s3] =	stream.indirect.scatter.add.f32 [tilespmem:s21], [sflag:$0xB], $0x8, s11, s16, $0xb8;
	[tilespmem:$0x8B90] =	vst v63  }
0xad: {  	_ =	swait.ge [sflag:s1], $0x400  }
0xae: {  	[sflag:s1] =	ssyncset.done $0x0  }
0xaf: {  	s11 =	sadd.s32 $0x2A80, s12;
	[sflag:s1] =	ssyncadd.s32 $0xFFFFFC00  }
0xb0: {  	[spmem:s3] =	stream.indirect.scatter.add.f32 [tilespmem:s22], [sflag:$0xB], $0x8, s11, s16, $0xb8;
	[tilespmem:$0x8B90] =	vst v63  }
0xb1: {  	_ =	swait.ge [sflag:s15], $0x400  }
0xb2: {  	[sflag:s15] =	ssyncset.done $0x0  }
0xb3: {  	s11 =	sadd.s32 $0x2B00, s12;
	[sflag:s15] =	ssyncadd.s32 $0xFFFFFC00  }
0xb4: {  	[spmem:s3] =	stream.indirect.scatter.add.f32 [tilespmem:s23], [sflag:$0xB], $0x8, s11, s16, $0xb8;
	[tilespmem:$0x8B90] =	vst v63  }
0xb5: {  	_ =	swait.ge [sflag:s2], $0x400  }
0xb6: {  	[sflag:s2] =	ssyncset.done $0x0  }
0xb7: {  	s11 =	sadd.s32 $0x2B80, s12;
	[sflag:s2] =	ssyncadd.s32 $0xFFFFFC00  }
0xb8: {  	[spmem:s3] =	stream.indirect.scatter.add.f32 [tilespmem:s24], [sflag:$0xB], $0x8, s11, s16, $0xb8;
	[tilespmem:$0x8B90] =	vst v63  }
0xb9: {  	_ =	swait.ge [sflag:s4], $0x400  }
0xba: {  	[sflag:s4] =	ssyncset.done $0x0  }
0xbb: {  	s11 =	sadd.s32 $0x2C00, s12;
	[sflag:s4] =	ssyncadd.s32 $0xFFFFFC00  }
0xbc: {  	[spmem:s3] =	stream.indirect.scatter.add.f32 [tilespmem:s25], [sflag:$0xB], $0x8, s11, s16, $0xb8;
	[tilespmem:$0x8B90] =	vst v63  }
0xbd: {  	_ =	swait.ge [sflag:s7], $0x400  }
0xbe: {  	[sflag:s7] =	ssyncset.done $0x0  }
0xbf: {  	s11 =	sadd.s32 $0x2C80, s12;
	[sflag:s7] =	ssyncadd.s32 $0xFFFFFC00  }
0xc0: {  	[spmem:s3] =	stream.indirect.scatter.add.f32 [tilespmem:s26], [sflag:$0xB], $0x8, s11, s16, $0xb8;
	[tilespmem:$0x8B90] =	vst v63  }
0xc1: {  	_ =	swait.ge [sflag:s8], $0x400  }
0xc2: {  	[sflag:s8] =	ssyncset.done $0x0  }
0xc3: {  	[sflag:s8] =	ssyncadd.s32 $0xFFFFFC00  }
0xc4: {  	_ =	swait.ge [sflag:s8], $0x400  }
0xc5: {  	[sflag:s8] =	ssyncset.done $0x0  }
0xc6: {  	[sflag:s8] =	ssyncadd.s32 $0xFFFFFC00  }
0xc7: {  	_ =	swait.ge [sflag:s8], $0x400  }
0xc8: {  	[sflag:s8] =	ssyncset.done $0x0  }
0xc9: {  	[sflag:s8] =	ssyncadd.s32 $0xFFFFFC00  }
0xca: {  	_ =	swait.ge [sflag:s8], $0x400  }
0xcb: {  	[sflag:s8] =	ssyncset.done $0x0  }
0xcc: {  	[sflag:s8] =	ssyncadd.s32 $0xFFFFFC00  }
0xcd: {  	_ =	swait.ge [sflag:s8], $0x400  }
0xce: {  	[sflag:s8] =	ssyncset.done $0x0  }
0xcf: {  	[sflag:s8] =	ssyncadd.s32 $0xFFFFFC00  }
0xd0: {  	_ =	swait.ge [sflag:s8], $0x400  }
0xd1: {  	[sflag:s8] =	ssyncset.done $0x0  }
0xd2: {  	[sflag:s8] =	ssyncadd.s32 $0xFFFFFC00  }
0xd3: {  	_ =	swait.ge [sflag:s8], $0x400  }
0xd4: {  	[sflag:s8] =	ssyncset.done $0x0  }
0xd5: {  	[sflag:s8] =	ssyncadd.s32 $0xFFFFFC00  }
0xd6: {  	_ =	swait.ge [sflag:s8], $0x400  }
0xd7: {  	[sflag:s8] =	ssyncset.done $0x0  }
0xd8: {  	[sflag:s8] =	ssyncadd.s32 $0xFFFFFC00  }
.Ltmp0:
0xd9: {  	_ =	swait.ge [sflag:s8], $0x400;
	(pc) =	sbr.rel @p1 .LBB2_2-.Ltmp0, $4  }
0xda: {  	[sflag:s8] =	ssyncset.done $0x0  }
0xdb: {  	[sflag:s8] =	ssyncadd.s32 $0xFFFFFC00  }
0xdc: {  	_ =	swait.ge [sflag:s8], $0x400  }
0xdd: {  	s11 =	smov.u32 s14;
	[sflag:s8] =	ssyncset.done $0x0  }
0xde: {  	s10 =	sshra.s32 s10, $0x2;
	[sflag:s8] =	ssyncadd.s32 $0xFFFFFC00  }
0xdf: {  	[tilespmem:s17], [sflag:$0x1] =	stream.indirect.gather [hbm4b:s5+s16], $0x8, s10, s16, $0xb8;
	[tilespmem:$0x8B90] =	vst v63  }
0xe0: {  	s11 =	sadd.s32 $0x80, s10  }
0xe1: {  	[tilespmem:s18], [sflag:$0x2] =	stream.indirect.gather [hbm4b:s5+s16], $0x8, s11, s16, $0xb8;
	[tilespmem:$0x8B90] =	vst v63  }
0xe2: {  	s12 =	sadd.s32 $0x100, s10  }
0xe3: {  	[tilespmem:s19], [sflag:$0x3] =	stream.indirect.gather [hbm4b:s5+s16], $0x8, s12, s16, $0xb8;
	[tilespmem:$0x8B90] =	vst v63  }
0xe4: {  	s14 =	sadd.s32 $0x180, s10  }
0xe5: {  	[tilespmem:s20], [sflag:$0x4] =	stream.indirect.gather [hbm4b:s5+s16], $0x8, s14, s16, $0xb8;
	[tilespmem:$0x8B90] =	vst v63  }
0xe6: {  	s12 =	sadd.s32 $0x200, s10  }
0xe7: {  	[tilespmem:s21], [sflag:$0x5] =	stream.indirect.gather [hbm4b:s5+s16], $0x8, s12, s16, $0xb8;
	[tilespmem:$0x8B90] =	vst v63  }
0xe8: {  	s14 =	sadd.s32 $0x280, s10  }
0xe9: {  	[tilespmem:s22], [sflag:$0x6] =	stream.indirect.gather [hbm4b:s5+s16], $0x8, s14, s16, $0xb8;
	[tilespmem:$0x8B90] =	vst v63  }
0xea: {  	s12 =	sadd.s32 $0x300, s10  }
0xeb: {  	[tilespmem:s23], [sflag:$0x7] =	stream.indirect.gather [hbm4b:s5+s16], $0x8, s12, s16, $0xb8;
	[tilespmem:$0x8B90] =	vst v63  }
0xec: {  	s14 =	sadd.s32 $0x380, s10  }
0xed: {  	[tilespmem:s24], [sflag:$0x8] =	stream.indirect.gather [hbm4b:s5+s16], $0x8, s14, s16, $0xb8;
	[tilespmem:$0x8B90] =	vst v63  }
0xee: {  	s12 =	sadd.s32 $0x400, s10  }
0xef: {  	[tilespmem:s25], [sflag:$0x9] =	stream.indirect.gather [hbm4b:s5+s16], $0x8, s12, s16, $0xb8;
	[tilespmem:$0x8B90] =	vst v63  }
0xf0: {  	s14 =	sadd.s32 $0x480, s10  }
0xf1: {  	[tilespmem:s26], [sflag:$0xA] =	stream.indirect.gather [hbm4b:s5+s16], $0x8, s14, s16, $0xb8;
	[tilespmem:$0x8B90] =	vst v63  }
0xf2: {  	_ =	swait.ge [sflag:s28], $0x400  }
0xf3: {  	[sflag:s28] =	ssyncset.done $0x0  }
0xf4: {  	s12 =	sadd.s32 $0x2800, s10;
	[sflag:s28] =	ssyncadd.s32 $0xFFFFFC00  }
0xf5: {  	[spmem:s3] =	stream.indirect.scatter.add.f32 [tilespmem:s17], [sflag:$0xB], $0x8, s12, s16, $0xb8;
	[tilespmem:$0x8B90] =	vst v63  }
0xf6: {  	_ =	swait.ge [sflag:s29], $0x400  }
0xf7: {  	[sflag:s29] =	ssyncset.done $0x0  }
0xf8: {  	s14 =	sadd.s32 $0x2880, s10;
	[sflag:s29] =	ssyncadd.s32 $0xFFFFFC00  }
0xf9: {  	[spmem:s3] =	stream.indirect.scatter.add.f32 [tilespmem:s18], [sflag:$0xB], $0x8, s14, s16, $0xb8;
	[tilespmem:$0x8B90] =	vst v63  }
0xfa: {  	_ =	swait.ge [sflag:s30], $0x400  }
0xfb: {  	[sflag:s30] =	ssyncset.done $0x0  }
0xfc: {  	s12 =	sadd.s32 $0x2900, s10;
	[sflag:s30] =	ssyncadd.s32 $0xFFFFFC00  }
0xfd: {  	[spmem:s3] =	stream.indirect.scatter.add.f32 [tilespmem:s19], [sflag:$0xB], $0x8, s12, s16, $0xb8;
	[tilespmem:$0x8B90] =	vst v63  }
0xfe: {  	_ =	swait.ge [sflag:s31], $0x400  }
0xff: {  	[sflag:s31] =	ssyncset.done $0x0  }
0x100: {  	s14 =	sadd.s32 $0x2980, s10;
	[sflag:s31] =	ssyncadd.s32 $0xFFFFFC00  }
0x101: {  	[spmem:s3] =	stream.indirect.scatter.add.f32 [tilespmem:s20], [sflag:$0xB], $0x8, s14, s16, $0xb8;
	[tilespmem:$0x8B90] =	vst v63  }
0x102: {  	_ =	swait.ge [sflag:s0], $0x400  }
0x103: {  	[sflag:s0] =	ssyncset.done $0x0  }
0x104: {  	s12 =	sadd.s32 $0x2A00, s10;
	[sflag:s0] =	ssyncadd.s32 $0xFFFFFC00  }
0x105: {  	[spmem:s3] =	stream.indirect.scatter.add.f32 [tilespmem:s21], [sflag:$0xB], $0x8, s12, s16, $0xb8;
	[tilespmem:$0x8B90] =	vst v63  }
0x106: {  	_ =	swait.ge [sflag:s1], $0x400  }
0x107: {  	[sflag:s1] =	ssyncset.done $0x0  }
0x108: {  	s14 =	sadd.s32 $0x2A80, s10;
	[sflag:s1] =	ssyncadd.s32 $0xFFFFFC00  }
0x109: {  	[spmem:s3] =	stream.indirect.scatter.add.f32 [tilespmem:s22], [sflag:$0xB], $0x8, s14, s16, $0xb8;
	[tilespmem:$0x8B90] =	vst v63  }
0x10a: {  	_ =	swait.ge [sflag:s15], $0x400  }
0x10b: {  	[sflag:s15] =	ssyncset.done $0x0  }
0x10c: {  	s12 =	sadd.s32 $0x2B00, s10;
	[sflag:s15] =	ssyncadd.s32 $0xFFFFFC00  }
0x10d: {  	[spmem:s3] =	stream.indirect.scatter.add.f32 [tilespmem:s23], [sflag:$0xB], $0x8, s12, s16, $0xb8;
	[tilespmem:$0x8B90] =	vst v63  }
0x10e: {  	_ =	swait.ge [sflag:s2], $0x400  }
0x10f: {  	[sflag:s2] =	ssyncset.done $0x0  }
0x110: {  	s14 =	sadd.s32 $0x2B80, s10;
	[sflag:s2] =	ssyncadd.s32 $0xFFFFFC00  }
0x111: {  	[spmem:s3] =	stream.indirect.scatter.add.f32 [tilespmem:s24], [sflag:$0xB], $0x8, s14, s16, $0xb8;
	[tilespmem:$0x8B90] =	vst v63  }
0x112: {  	_ =	swait.ge [sflag:s4], $0x400  }
0x113: {  	[sflag:s4] =	ssyncset.done $0x0  }
0x114: {  	s12 =	sadd.s32 $0x2C00, s10;
	[sflag:s4] =	ssyncadd.s32 $0xFFFFFC00  }
0x115: {  	[spmem:s3] =	stream.indirect.scatter.add.f32 [tilespmem:s25], [sflag:$0xB], $0x8, s12, s16, $0xb8;
	[tilespmem:$0x8B90] =	vst v63  }
0x116: {  	_ =	swait.ge [sflag:s7], $0x400  }
0x117: {  	[sflag:s7] =	ssyncset.done $0x0  }
0x118: {  	s10 =	sadd.s32 $0x2C80, s10;
	[sflag:s7] =	ssyncadd.s32 $0xFFFFFC00  }
0x119: {  	[spmem:s3] =	stream.indirect.scatter.add.f32 [tilespmem:s26], [sflag:$0xB], $0x8, s10, s16, $0xb8;
	[tilespmem:$0x8B90] =	vst v63  }
0x11a: {  	_ =	swait.ge [sflag:s8], $0x400  }
0x11b: {  	[sflag:s8] =	ssyncset.done $0x0  }
0x11c: {  	[sflag:s8] =	ssyncadd.s32 $0xFFFFFC00  }
0x11d: {  	_ =	swait.ge [sflag:s8], $0x400  }
0x11e: {  	[sflag:s8] =	ssyncset.done $0x0  }
0x11f: {  	[sflag:s8] =	ssyncadd.s32 $0xFFFFFC00  }
0x120: {  	_ =	swait.ge [sflag:s8], $0x400  }
0x121: {  	[sflag:s8] =	ssyncset.done $0x0  }
0x122: {  	[sflag:s8] =	ssyncadd.s32 $0xFFFFFC00  }
0x123: {  	_ =	swait.ge [sflag:s8], $0x400  }
0x124: {  	[sflag:s8] =	ssyncset.done $0x0  }
0x125: {  	[sflag:s8] =	ssyncadd.s32 $0xFFFFFC00  }
0x126: {  	_ =	swait.ge [sflag:s8], $0x400  }
0x127: {  	[sflag:s8] =	ssyncset.done $0x0  }
0x128: {  	[sflag:s8] =	ssyncadd.s32 $0xFFFFFC00  }
0x129: {  	_ =	swait.ge [sflag:s8], $0x400  }
0x12a: {  	[sflag:s8] =	ssyncset.done $0x0  }
0x12b: {  	[sflag:s8] =	ssyncadd.s32 $0xFFFFFC00  }
0x12c: {  	_ =	swait.ge [sflag:s8], $0x400  }
0x12d: {  	[sflag:s8] =	ssyncset.done $0x0  }
0x12e: {  	[sflag:s8] =	ssyncadd.s32 $0xFFFFFC00  }
0x12f: {  	_ =	swait.ge [sflag:s8], $0x400  }
0x130: {  	[sflag:s8] =	ssyncset.done $0x0  }
0x131: {  	[sflag:s8] =	ssyncadd.s32 $0xFFFFFC00  }
0x132: {  	_ =	swait.ge [sflag:s8], $0x400  }
0x133: {  	[sflag:s8] =	ssyncset.done $0x0  }
0x134: {  	[sflag:s8] =	ssyncadd.s32 $0xFFFFFC00  }
0x135: {  	_ =	swait.ge [sflag:s8], $0x400  }
0x136: {  	[sflag:s8] =	ssyncset.done $0x0  }
0x137: {  	[sflag:s8] =	ssyncadd.s32 $0xFFFFFC00  }
0x138: {  	[bflag:$0x0] =	sbarrier.arrive $0xFFFF  }
0x139: {  	s14 =	rddreg [dreg:$0x6]  }
0x13a: {  	s12 =	rddreg [dreg:$0x9]  }
0x13b: {  	[hbm:s14], [sflag:s6] =	dma.local [spmem:s12], $0x270  }
0x13c: {  	_ =	swait.ge [sflag:s13], $0x270  }
0x13d: {  	[sflag:s13] =	ssyncset.done $0x0;
	s10 =	rddreg [dreg:$0x7]  }
0x13e: {  	s14 =	rddreg [dreg:$0xa];
	[sflag:s13] =	ssyncadd.s32 $0xFFFFFD90  }
0x13f: {  	[hbm:s10], [sflag:s6] =	dma.local @!p0 [spmem:s14], $0x10  }
0x140: {  	s10 =	simm.s32 @!p0 $0xC  }
0x141: {  	_ =	swait.ge @!p0 [sflag:s10], $0x10  }
0x142: {  	s9 =	sadd.s32 $0x1, s9;
	s11 =	rddreg [dreg:$0x8]  }
0x143: {  	p1 =	sne.s32 s9, s11  }
.Ltmp1:
0x144: {  	_ = 	snop;
	(pc) =	sbr.rel @p1 .LBB2_1-.Ltmp1, $3  }
0x145: {  	_ =	sdelay $0x1  }
0x146: {  	[sflag:s10] =	ssyncset.done @!p0 $0x0  }
0x147: {  	[sflag:s10] =	ssyncadd.s32 @!p0 $0xFFFFFFF0  }
0x148: {  	_ =	sfence.sel $0x180000  }
0x149: {  	[bflag:$0x0] =	sbarrier.arrive $0xFFFF  }
0x14a: {  	_ =	strace $0x9000004A  }
0x14b: {  	s0 =	stileid.u32;
	[bflag:$0x2] =	sbarrier.arrive $0xFFFF  }
0x14c: {  	p0 =	sne.s32 s0, $0x0;
	s0 =	rddreg [dreg:$0x3]  }
0x14d: {  	s0 =	sadd.s32 @!p0 $0x100000, s0  }
0x14e: {  	[sflag:s0] =	ssyncadd.tile.s32 @!p0 $0x1;
	_ =	shalt  }
.Lfunc_end2:
_tile_overlayer_lowered:
.L_overlay_start_2:
0x14f: {  	(tag) =	ssettag $0x2  }
0x150: {  	s0 =	rddreg [dreg:$0x0];
	s2 =	stileid.u32  }
0x151: {  	s1 =	rddreg [dreg:$0x1];
	p0 =	sne.s32 s2, $0x0  }
0x152: {  	s3 =	rddreg [dreg:$0x2];
	[bflag:$0x3] =	sbarrier.arrive $0xFFFF;
	s2 =	simm.s32 @!p0 $0x1C0C  }
0x153: {  	[timem:s3], [sflag:s2] =	dma.local @!p0 [hbm:s0], s1  }
0x154: {  	s0 =	simm.s32 @!p0 $0xC  }
0x155: {  	_ =	swait.ge @!p0 [sflag:s0], s1  }
0x156: {  	s1 =	ssub.s32 @!p0 $0x0, s1;
	[sflag:s0] =	ssyncset.done @!p0 $0x0  }
0x157: {  	[sflag:s0] =	ssyncadd.s32 @!p0 s1  }
0x158: {  	[bflag:$0x3] =	sbarrier.arrive $0xFFFF  }
0x159: {  	_ =	shalt  }

</sc_bundles>
